<compile_context>
chip_gen: v7x
topology: tpu7x:2x2x1
jax: 0.10.2.dev20260603
libtpu: 0.0.44.dev20260713+nightly
codegen_flags: <defaults>
</compile_context>

<pallas_src>
import functools

import jax
import jax.numpy as jnp
import numpy as np
from jax import lax
from jax.experimental import pallas as pl
from jax.experimental.pallas import tpu as pltpu
from jax.experimental.pallas import tpu_sc as plsc

N = 4096
E = 65536
C = 32
NT = 16
B = 32
H = 64
TBL = C + NT
NC = 2
NS = 16
NW = NC * NS
EPW = E // NW
CH = EPW // 128
NPT = N // NS

_f32 = jnp.float32


def _sc_gather(table, src_idx, dst_idx):
    mesh = plsc.VectorSubcoreMesh(core_axis_name="c", subcore_axis_name="s",
                                  num_cores=NC, num_subcores=NS)

    @functools.partial(
        pl.kernel, mesh=mesh,
        compiler_params=pltpu.CompilerParams(use_tc_tiling_on_sc=False),
        out_type=[jax.ShapeDtypeStruct((E, 128), _f32),
                  jax.ShapeDtypeStruct((E, 128), _f32)],
        scratch_types=[pltpu.VMEM((CH, 128), jnp.int32),
                       pltpu.VMEM((2, EPW // 2, TBL), _f32),
                       pltpu.SemaphoreType.DMA,
                       pltpu.SemaphoreType.DMA],
    )
    def k(table_h, src_h, dst_h, gs_h, gd_h, idx_v, rows_v, sem_g, sem_w):
        c = lax.axis_index("c")
        s = lax.axis_index("s")
        wid = s * NC + c
        base = wid * EPW
        half_ch = CH // 2
        wb_pending = []
        for idx_h, out_h in ((src_h, gs_h), (dst_h, gd_h)):
            pltpu.sync_copy(idx_h.at[wid], idx_v)
            for half in range(2):
                if len(wb_pending) >= 2:
                    wb_pending.pop(0).wait()
                descs = []
                for kk in range(half_ch):
                    d = pltpu.make_async_copy(
                        table_h.at[idx_v.at[half * half_ch + kk]],
                        rows_v.at[half, pl.ds(kk * 128, 128)], sem_g)
                    d.start()
                    descs.append(d)
                for d in descs:
                    d.wait()
                w = pltpu.make_async_copy(
                    rows_v.at[half],
                    out_h.at[pl.ds(base + half * (EPW // 2), EPW // 2),
                             pl.ds(0, TBL)], sem_w)
                w.start()
                wb_pending.append(w)
        for d in wb_pending:
            d.wait()

    return k(table, src_idx, dst_idx)


def _sc_scatter(fe2, dst_idx, zeros):
    mesh = plsc.VectorSubcoreMesh(core_axis_name="c", subcore_axis_name="s",
                                  num_cores=NC, num_subcores=NS)

    @functools.partial(
        pl.kernel, mesh=mesh,
        compiler_params=pltpu.CompilerParams(use_tc_tiling_on_sc=False),
        out_type=[jax.ShapeDtypeStruct((N, 128), _f32),
                  jax.ShapeDtypeStruct((N, 128), _f32)],
        scratch_types=[pltpu.VMEM((CH, 128), jnp.int32),
                       pltpu.VMEM((EPW, C), _f32),
                       pltpu.VMEM((NPT, C), _f32),
                       pltpu.VMEM_SHARED((N, C), _f32),
                       pltpu.SemaphoreType.DMA],
    )
    def k(fe2_h, dst_h, zeros_h, o0_h, o1_h, idx_v, rows_v, stage_v, acc_sh,
          sem):
        c = lax.axis_index("c")
        s = lax.axis_index("s")
        wid = s * NC + c
        pltpu.sync_copy(zeros_h.at[pl.ds(s * NPT, NPT)], stage_v)
        pltpu.sync_copy(stage_v, acc_sh.at[pl.ds(s * NPT, NPT)])
        plsc.subcore_barrier()
        pltpu.sync_copy(dst_h.at[wid], idx_v)
        pltpu.sync_copy(fe2_h.at[pl.ds(wid * EPW, EPW)], rows_v)
        for kk in range(CH):
            pltpu.sync_copy(rows_v.at[pl.ds(kk * 128, 128)],
                            acc_sh.at[idx_v.at[kk]], add=True)
        plsc.subcore_barrier()
        pltpu.sync_copy(acc_sh.at[pl.ds(s * NPT, NPT)], stage_v)

        @pl.when(c == 0)
        def _():
            pltpu.sync_copy(stage_v, o0_h.at[pl.ds(s * NPT, NPT), pl.ds(0, C)])

        @pl.when(c == 1)
        def _():
            pltpu.sync_copy(stage_v, o1_h.at[pl.ds(s * NPT, NPT), pl.ds(0, C)])

    return k(fe2, dst_idx, zeros)


def _halve(p, to):
    w = p.shape[-1]
    while w > to:
        p = p[:, : w // 2] + p[:, w // 2:]
        w //= 2
    return p


EB = 1024
NTB = 1024


def _tc_table_body(fnt_ref, net_ref, wl1n_ref, tbl_ref):
    fn = jnp.transpose(fnt_ref[...])
    ne = jnp.transpose(net_ref[...])
    fn_l = (jnp.dot(fn, wl1n_ref[...], preferred_element_type=_f32)
            * np.float32(1.0 / np.sqrt(C)))
    tbl_ref[...] = jnp.concatenate([fn_l, ne], axis=1)


def _tc_table(fn_t, ne_t, wl1n):
    nb_spec = lambda w: pl.BlockSpec((NTB, w), lambda b: (b, 0))
    t_spec = lambda w: pl.BlockSpec((w, NTB), lambda b: (0, b))
    w_spec = lambda shape: pl.BlockSpec(shape, lambda b: (0, 0))
    return pl.pallas_call(
        _tc_table_body,
        grid=(N // NTB,),
        in_specs=[t_spec(C), t_spec(NT), w_spec((C, C))],
        out_specs=nb_spec(TBL),
        out_shape=jax.ShapeDtypeStruct((N, TBL), _f32),
    )(fn_t, ne_t, wl1n)


def _tc_edge_body(gs_ref, gd_ref, fet_ref, let_ref,
                  wl1e_ref, wm1_ref, w2p_ref, wsce_ref, wl2e_ref,
                  r64_ref, r32_ref, fe2_ref, feout_t_ref):
    rc = np.float32(1.0 / np.sqrt(C))
    gs = gs_ref[...]
    gd = gd_ref[...]
    fet = fet_ref[...]
    le = jnp.transpose(let_ref[...])
    fe_l = lax.dot_general(fet, wl1e_ref[...], (((0,), (0,)), ((), ())),
                           preferred_element_type=_f32) * rc
    f_cat = jnp.concatenate([gs[:, :C], gd[:, :C], fe_l], axis=1)
    h = jax.nn.silu(jnp.dot(le, wm1_ref[...], preferred_element_type=_f32)
                    * np.float32(1.0 / np.sqrt(B)))
    m = jnp.dot(f_cat, w2p_ref[...], preferred_element_type=_f32)
    hb = jnp.dot(h, r64_ref[...], preferred_element_type=_f32)
    pre = _halve(m * hb, C) * np.float32(1.0 / np.sqrt(H * 3 * C))
    fe2 = jax.nn.silu(pre)
    escal = jnp.concatenate([gs[:, C:TBL], gd[:, C:TBL], le], axis=1)
    v = jnp.dot(escal, wsce_ref[...], preferred_element_type=_f32)
    feb = lax.dot_general(fet, r32_ref[...], (((0,), (0,)), ((), ())),
                          preferred_element_type=_f32)
    sc_e = _halve(v * feb, C) * np.float32(1.0 / np.sqrt(C * (2 * NT + B)))
    q = EB // 4
    fe2_ref[...] = jnp.concatenate(
        [fe2[0:q], fe2[q:2 * q], fe2[2 * q:3 * q], fe2[3 * q:4 * q]], axis=1)
    feout = jnp.dot(fe2, wl2e_ref[...], preferred_element_type=_f32) * rc + sc_e
    feout_t_ref[...] = jnp.transpose(feout)


def _tc_edge(g_src, g_dst, fe_t, le_t,
             wl1e, wm1, w2p, wsce, wl2e, r64, r32):
    grid = (E // EB,)
    eb_spec = lambda w: pl.BlockSpec((EB, w), lambda b: (b, 0))
    t_spec = lambda w: pl.BlockSpec((w, EB), lambda b: (0, b))
    w_spec = lambda shape: pl.BlockSpec(shape, lambda b: (0, 0))
    return pl.pallas_call(
        _tc_edge_body,
        grid=grid,
        in_specs=[eb_spec(128), eb_spec(128), t_spec(C), t_spec(B),
                  w_spec((C, C)), w_spec((B, H)),
                  w_spec((3 * C, H * C)), w_spec((2 * NT + B, C * C)),
                  w_spec((C, C)), w_spec((2 * NT + B, H * C)),
                  w_spec((C, C * C))],
        out_specs=[pl.BlockSpec((EB // 4, 4 * C), lambda b: (b, 0)), t_spec(C)],
        out_shape=[jax.ShapeDtypeStruct((E // 4, 4 * C), _f32),
                   jax.ShapeDtypeStruct((C, E), _f32)],
    )(g_src, g_dst, fe_t, le_t,
      wl1e, wm1, w2p, wsce, wl2e, r64, r32)


NB = 512


def _tc_node_body(p0_ref, p1_ref, fnt_ref, net_ref, wl2n_ref, wscn_ref,
                  r16_ref, out_t_ref):
    fn2 = (p0_ref[:, :C] + p1_ref[:, :C]) * np.float32(1.0 / 16.0)
    fn = jnp.transpose(fnt_ref[...])
    ne = jnp.transpose(net_ref[...])
    u2 = jnp.dot(fn, wscn_ref[...], preferred_element_type=_f32)
    nb = jnp.dot(ne, r16_ref[...], preferred_element_type=_f32)
    sc_n = _halve(u2 * nb, C) * np.float32(1.0 / np.sqrt(C * NT))
    out = (jnp.dot(fn2, wl2n_ref[...], preferred_element_type=_f32)
           * np.float32(1.0 / np.sqrt(C)) + sc_n)
    out_t_ref[...] = jnp.transpose(out)


def _tc_node(p0, p1, fn_t, ne_t, wl2n, wscn, r16):
    grid = (N // NB,)
    nb_spec = lambda w: pl.BlockSpec((NB, w), lambda b: (b, 0))
    t_spec = lambda w: pl.BlockSpec((w, NB), lambda b: (0, b))
    w_spec = lambda shape: pl.BlockSpec(shape, lambda b: (0, 0))
    return pl.pallas_call(
        _tc_node_body,
        grid=grid,
        in_specs=[nb_spec(128), nb_spec(128), t_spec(C), t_spec(NT),
                  w_spec((C, C)), w_spec((C, NT * C)), w_spec((NT, NT * C))],
        out_specs=t_spec(C),
        out_shape=jax.ShapeDtypeStruct((C, N), _f32),
    )(p0, p1, fn_t, ne_t, wl2n, wscn, r16)


def kernel(f_node, f_edge, sh, node_emb, length_emb, edge_index,
           W_sc_node, W_sc_edge, W_lin1_node, W_lin1_edge,
           W_mlp1, W_mlp2, W_lin2_node, W_lin2_edge):
    src_idx = edge_index[0].reshape(NW, CH, 128)
    dst_idx = edge_index[1].reshape(NW, CH, 128)
    w2p = W_mlp2.reshape(H, 3 * C, C).transpose(1, 0, 2).reshape(3 * C, H * C)
    wsce = W_sc_edge.transpose(1, 0, 2).reshape(2 * NT + B, C * C)
    wscn = W_sc_node.reshape(C, NT * C)
    r64 = jnp.kron(jnp.eye(2 * NT + B, dtype=_f32), jnp.ones((1, C), _f32))
    r32 = jnp.kron(jnp.eye(C, dtype=_f32), jnp.ones((1, C), _f32))
    r16 = jnp.kron(jnp.eye(NT, dtype=_f32), jnp.ones((1, C), _f32))
    zeros = jnp.zeros((N, C), _f32)

    fn_t = f_node.T
    ne_t = node_emb.T
    fe_t = f_edge.T
    le_t = length_emb.T

    dst_perm_idx = (edge_index[1].reshape(E // EB, 4, EB // 4)
                    .transpose(0, 2, 1).reshape(NW, CH, 128))

    table = _tc_table(fn_t, ne_t, W_lin1_node)
    g_src, g_dst = _sc_gather(table, src_idx, dst_idx)
    fe2_wide, feout_t = _tc_edge(g_src, g_dst, fe_t, le_t,
                                 W_lin1_edge, W_mlp1, w2p, wsce,
                                 W_lin2_edge, r64, r32)
    fe2 = fe2_wide.reshape(E, C)
    p0, p1 = _sc_scatter(fe2, dst_perm_idx, zeros)
    fnout_t = _tc_node(p0, p1, fn_t, ne_t, W_lin2_node, wscn, r16)
    return (fnout_t.T, feout_t.T)

# --- scband reference (transcript-rebuilt; emitter-appended) ---
"""Pipeline reference for scband-e3-convolution-68642167324710 (READ-ONLY COPY).

The authoritative reference and input builder live on the scoring server;
editing this copy changes nothing except your own understanding.
"""

import jax, jax.numpy as jnp
import numpy as np

N = 4096      # nodes
E = 65536     # edges (avg degree 16)
C = 32        # irreps_node = irreps_out = '32x0e' (scalar channels, lmax=0)
NT = 16       # num_type
B = 32        # basis_size
H = 64        # hidden_neurons
WNUM = 3 * C * 1 * C  # e3tp weight_numel = 3072 (in1=96x0e, in2=1x0e sh, out=32x0e)
N_AVG = 16.0  # para.N_average (fix_average=True)


def setup_inputs(seed: int = 0) -> dict:
    key = jax.random.key(seed)
    ks = jax.random.split(key, 13)
    return {
        "f_node": jax.random.normal(ks[0], (N, C), dtype=jnp.float32),
        "f_edge": jax.random.normal(ks[1], (E, C), dtype=jnp.float32),
        "sh": jnp.ones((E, 1), dtype=jnp.float32),  # Y_0 spherical harmonics (lmax=0)
        "node_emb": jax.random.uniform(ks[2], (N, NT), dtype=jnp.float32),
        "length_emb": jax.random.normal(ks[3], (E, B), dtype=jnp.float32),
        "edge_index": jax.random.randint(ks[4], (2, E), 0, N, dtype=jnp.int32),
        # learned parameters (e3nn stores unit-normal weights; normalization applied in the op)
        "W_sc_node": jax.random.normal(ks[5], (C, NT, C), dtype=jnp.float32),
        "W_sc_edge": jax.random.normal(ks[6], (C, 2 * NT + B, C), dtype=jnp.float32),
        "W_lin1_node": jax.random.normal(ks[7], (C, C), dtype=jnp.float32),
        "W_lin1_edge": jax.random.normal(ks[8], (C, C), dtype=jnp.float32),
        "W_mlp1": jax.random.normal(ks[9], (B, H), dtype=jnp.float32),
        "W_mlp2": jax.random.normal(ks[10], (H, WNUM), dtype=jnp.float32),
        "W_lin2_node": jax.random.normal(ks[11], (C, C), dtype=jnp.float32),
        "W_lin2_edge": jax.random.normal(ks[12], (C, C), dtype=jnp.float32),
    }


def reference(f_node, f_edge, sh, node_emb, length_emb, edge_index,
              W_sc_node, W_sc_edge, W_lin1_node, W_lin1_edge,
              W_mlp1, W_mlp2, W_lin2_node, W_lin2_edge):
    edge_src = edge_index[0]
    edge_dst = edge_index[1]

    # sc_node = FullyConnectedTensorProduct(32x0e, 16x0e -> 32x0e)
    sc_node = jnp.einsum('ni,nj,ijw->nw', f_node, node_emb, W_sc_node) / np.sqrt(C * NT)

    # sc_edge = FCTP(32x0e, (2*num_type+basis)x0e -> 32x0e) with gathered node embeddings
    edge_scal = jnp.concatenate([jnp.take(node_emb, edge_src, axis=0),
                                 jnp.take(node_emb, edge_dst, axis=0),
                                 length_emb], axis=-1)
    sc_edge = jnp.einsum('ei,ej,ijw->ew', f_edge, edge_scal, W_sc_edge) / np.sqrt(C * (2 * NT + B))

    # o3.Linear on pure-scalar irreps == normalized dense (no bias)
    fn = f_node @ W_lin1_node / np.sqrt(C)
    fe = f_edge @ W_lin1_edge / np.sqrt(C)

    # single scalar slice -> concat gathered src/dst node feats with edge feats
    f_cat = jnp.concatenate([jnp.take(fn, edge_src, axis=0),
                             jnp.take(fn, edge_dst, axis=0),
                             fe], axis=-1)  # [E, 3C]

    # weight MLP: FullyConnectedNet([B, H, WNUM], silu) with e3nn normalization
    h = jax.nn.silu(length_emb @ W_mlp1 / np.sqrt(B))
    weight = (h @ W_mlp2 / np.sqrt(H)).reshape(E, 3 * C, C)  # per-edge TP weights

    # e3tp = FCTP(96x0e, 1x0e -> 32x0e, shared_weights=False)
    fe2 = jnp.einsum('ei,e,eio->eo', f_cat, sh[:, 0], weight) / np.sqrt(3 * C)

    # Gate on pure scalars -> silu
    fe2 = jax.nn.silu(fe2)

    # MyScatter(fix_average=True, N_average=16): scatter-sum over dst / N_average
    fn2 = jax.ops.segment_sum(fe2, edge_dst, num_segments=N) / N_AVG

    f_node_out = fn2 @ W_lin2_node / np.sqrt(C) + sc_node
    f_edge_out = fe2 @ W_lin2_edge / np.sqrt(C) + sc_edge
    return (f_node_out, f_edge_out)

if __name__ == "__main__":
    import jax
    _d = setup_inputs()
    print(jax.jit(kernel)(*tuple(_d.values())))

</pallas_src>

<mosaic_0001>
#map = affine_map<(d0, d1) -> (0, 0)>
#map1 = affine_map<(d0, d1) -> (0, 0, 0)>
module attributes {stable_mosaic.version = 14 : i64} {
  func.func @k(%arg0: i32, %arg1: i32, %arg2: memref<4096x48xf32, #tpu.memory_space<hbm>>, %arg3: memref<32x16x128xi32, #tpu.memory_space<hbm>>, %arg4: memref<32x16x128xi32, #tpu.memory_space<hbm>>, %arg5: memref<65536x128xf32, #tpu.memory_space<hbm>>, %arg6: memref<65536x128xf32, #tpu.memory_space<hbm>>, %arg7: memref<16x128xi32, #tpu.memory_space<vmem>>, %arg8: memref<2x1024x48xf32, #tpu.memory_space<vmem>>, %arg9: memref<!tpu.dma_semaphore, #tpu.memory_space<semaphore_mem>>, %arg10: memref<!tpu.dma_semaphore, #tpu.memory_space<semaphore_mem>>) attributes {dimension_semantics = [#tpu.dimension_semantics<core_parallel>, #tpu.dimension_semantics<subcore_parallel>], iteration_bounds = array<i64: 2, 16>, scalar_prefetch = 0 : i64, scratch_operands = 4 : i64, tpu.core_type = #tpu.core_type<sc_vector_subcore>, window_params = [{transform_indices = #map}, {transform_indices = #map1}, {transform_indices = #map1}, {transform_indices = #map}, {transform_indices = #map}]} {
    %mul3A = arith.constant 2 : i32
    %mul3A_0 = arith.muli %arg1, %mul3A : i32
    %add3A = arith.addi %mul3A_0, %arg0 : i32
    %mul3A_1 = arith.constant 2048 : i32
    %mul3A_2 = arith.muli %add3A, %mul3A_1 : i32
    "tpu.region"() ({
      %run_scoped3A = tpu.sem_alloc : memref<!tpu.dma_semaphore, #tpu.memory_space<semaphore_mem>>
      %dma_start3A_881 = arith.constant 0 : i32
      %dma_start3A_882 = arith.constant 0 : i32
      %dma_start3A_883 = tpu.memref_slice %arg3[%add3A, %dma_start3A_881, %dma_start3A_882] : memref<32x16x128xi32, #tpu.memory_space<hbm>> -> memref<1x16x128xi32, #tpu.memory_space<hbm>>
      %dma_start3A_884 = tpu.memref_squeeze %dma_start3A_883 : memref<1x16x128xi32, #tpu.memory_space<hbm>> -> memref<16x128xi32, #tpu.memory_space<hbm>>
      %dma_start3A_885 = arith.constant 0 : i32
      %dma_start3A_886 = arith.constant 0 : i32
      %dma_start3A_887 = tpu.memref_slice %arg3[%add3A, %dma_start3A_885, %dma_start3A_886] : memref<32x16x128xi32, #tpu.memory_space<hbm>> -> memref<1x16x128xi32, #tpu.memory_space<hbm>>
      %dma_start3A_888 = tpu.memref_squeeze %dma_start3A_887 : memref<1x16x128xi32, #tpu.memory_space<hbm>> -> memref<16x128xi32, #tpu.memory_space<hbm>>
      tpu.enqueue_dma source(%dma_start3A_888 : memref<16x128xi32, #tpu.memory_space<hbm>>) target(%arg7 : memref<16x128xi32, #tpu.memory_space<vmem>>) target_semaphore(%run_scoped3A : memref<!tpu.dma_semaphore, #tpu.memory_space<semaphore_mem>>)
      %dma_wait3A_889 = arith.constant 0 : i32
      %dma_wait3A_890 = arith.constant 0 : i32
      %dma_wait3A_891 = tpu.memref_slice %arg3[%add3A, %dma_wait3A_889, %dma_wait3A_890] : memref<32x16x128xi32, #tpu.memory_space<hbm>> -> memref<1x16x128xi32, #tpu.memory_space<hbm>>
      %dma_wait3A_892 = tpu.memref_squeeze %dma_wait3A_891 : memref<1x16x128xi32, #tpu.memory_space<hbm>> -> memref<16x128xi32, #tpu.memory_space<hbm>>
      %dma_wait3A_893 = arith.constant 0 : i32
      %dma_wait3A_894 = arith.constant 0 : i32
      %dma_wait3A_895 = tpu.memref_slice %arg3[%add3A, %dma_wait3A_893, %dma_wait3A_894] : memref<32x16x128xi32, #tpu.memory_space<hbm>> -> memref<1x16x128xi32, #tpu.memory_space<hbm>>
      %dma_wait3A_896 = tpu.memref_squeeze %dma_wait3A_895 : memref<1x16x128xi32, #tpu.memory_space<hbm>> -> memref<16x128xi32, #tpu.memory_space<hbm>>
      tpu.wait_dma2 semaphore(%run_scoped3A : memref<!tpu.dma_semaphore, #tpu.memory_space<semaphore_mem>>) src(%dma_wait3A_896 : memref<16x128xi32, #tpu.memory_space<hbm>>) dst(%arg7 : memref<16x128xi32, #tpu.memory_space<vmem>>)
      tpu.yield
    }) : () -> ()
    %dma_start3A = arith.constant 0 : i32
    %dma_start3A_3 = arith.constant 0 : i32
    %dma_start3A_4 = arith.constant 0 : i32
    %dma_start3A_5 = arith.constant 0 : i32
    %dma_start3A_6 = tpu.memref_slice %arg8[%dma_start3A_3, %dma_start3A_4, %dma_start3A_5] : memref<2x1024x48xf32, #tpu.memory_space<vmem>> -> memref<1x128x48xf32, #tpu.memory_space<vmem>>
    %dma_start3A_7 = tpu.memref_squeeze %dma_start3A_6 : memref<1x128x48xf32, #tpu.memory_space<vmem>> -> memref<128x48xf32, #tpu.memory_space<vmem>>
    %dma_start3A_8 = arith.constant 0 : i32
    %dma_start3A_9 = tpu.memref_slice %arg7[%dma_start3A, %dma_start3A_8] : memref<16x128xi32, #tpu.memory_space<vmem>> -> memref<1x128xi32, #tpu.memory_space<vmem>>
    %dma_start3A_10 = tpu.memref_squeeze %dma_start3A_9 : memref<1x128xi32, #tpu.memory_space<vmem>> -> memref<128xi32, #tpu.memory_space<vmem>>
    %dma_start3A_11 = arith.constant 0 : i32
    %dma_start3A_12 = arith.constant 0 : i32
    %dma_start3A_13 = tpu.memref_slice %arg2[%dma_start3A_11, %dma_start3A_12] : memref<4096x48xf32, #tpu.memory_space<hbm>> -> memref<4096x48xf32, #tpu.memory_space<hbm>>
    tpu.enqueue_indirect_dma source(%dma_start3A_13 : memref<4096x48xf32, #tpu.memory_space<hbm>>) target(%dma_start3A_7 : memref<128x48xf32, #tpu.memory_space<vmem>>) offsets(%dma_start3A_10 : memref<128xi32, #tpu.memory_space<vmem>>) semaphore(%arg9 : memref<!tpu.dma_semaphore, #tpu.memory_space<semaphore_mem>>)
    %dma_start3A_14 = arith.constant 1 : i32
    %dma_start3A_15 = arith.constant 0 : i32
    %dma_start3A_16 = arith.constant 128 : i32
    %dma_start3A_17 = arith.constant 0 : i32
    %dma_start3A_18 = tpu.memref_slice %arg8[%dma_start3A_15, %dma_start3A_16, %dma_start3A_17] : memref<2x1024x48xf32, #tpu.memory_space<vmem>> -> memref<1x128x48xf32, #tpu.memory_space<vmem>>
    %dma_start3A_19 = tpu.memref_squeeze %dma_start3A_18 : memref<1x128x48xf32, #tpu.memory_space<vmem>> -> memref<128x48xf32, #tpu.memory_space<vmem>>
    %dma_start3A_20 = arith.constant 0 : i32
    %dma_start3A_21 = tpu.memref_slice %arg7[%dma_start3A_14, %dma_start3A_20] : memref<16x128xi32, #tpu.memory_space<vmem>> -> memref<1x128xi32, #tpu.memory_space<vmem>>
    %dma_start3A_22 = tpu.memref_squeeze %dma_start3A_21 : memref<1x128xi32, #tpu.memory_space<vmem>> -> memref<128xi32, #tpu.memory_space<vmem>>
    %dma_start3A_23 = arith.constant 0 : i32
    %dma_start3A_24 = arith.constant 0 : i32
    %dma_start3A_25 = tpu.memref_slice %arg2[%dma_start3A_23, %dma_start3A_24] : memref<4096x48xf32, #tpu.memory_space<hbm>> -> memref<4096x48xf32, #tpu.memory_space<hbm>>
    tpu.enqueue_indirect_dma source(%dma_start3A_25 : memref<4096x48xf32, #tpu.memory_space<hbm>>) target(%dma_start3A_19 : memref<128x48xf32, #tpu.memory_space<vmem>>) offsets(%dma_start3A_22 : memref<128xi32, #tpu.memory_space<vmem>>) semaphore(%arg9 : memref<!tpu.dma_semaphore, #tpu.memory_space<semaphore_mem>>)
    %dma_start3A_26 = arith.constant 2 : i32
    %dma_start3A_27 = arith.constant 0 : i32
    %dma_start3A_28 = arith.constant 256 : i32
    %dma_start3A_29 = arith.constant 0 : i32
    %dma_start3A_30 = tpu.memref_slice %arg8[%dma_start3A_27, %dma_start3A_28, %dma_start3A_29] : memref<2x1024x48xf32, #tpu.memory_space<vmem>> -> memref<1x128x48xf32, #tpu.memory_space<vmem>>
    %dma_start3A_31 = tpu.memref_squeeze %dma_start3A_30 : memref<1x128x48xf32, #tpu.memory_space<vmem>> -> memref<128x48xf32, #tpu.memory_space<vmem>>
    %dma_start3A_32 = arith.constant 0 : i32
    %dma_start3A_33 = tpu.memref_slice %arg7[%dma_start3A_26, %dma_start3A_32] : memref<16x128xi32, #tpu.memory_space<vmem>> -> memref<1x128xi32, #tpu.memory_space<vmem>>
    %dma_start3A_34 = tpu.memref_squeeze %dma_start3A_33 : memref<1x128xi32, #tpu.memory_space<vmem>> -> memref<128xi32, #tpu.memory_space<vmem>>
    %dma_start3A_35 = arith.constant 0 : i32
    %dma_start3A_36 = arith.constant 0 : i32
    %dma_start3A_37 = tpu.memref_slice %arg2[%dma_start3A_35, %dma_start3A_36] : memref<4096x48xf32, #tpu.memory_space<hbm>> -> memref<4096x48xf32, #tpu.memory_space<hbm>>
    tpu.enqueue_indirect_dma source(%dma_start3A_37 : memref<4096x48xf32, #tpu.memory_space<hbm>>) target(%dma_start3A_31 : memref<128x48xf32, #tpu.memory_space<vmem>>) offsets(%dma_start3A_34 : memref<128xi32, #tpu.memory_space<vmem>>) semaphore(%arg9 : memref<!tpu.dma_semaphore, #tpu.memory_space<semaphore_mem>>)
    %dma_start3A_38 = arith.constant 3 : i32
    %dma_start3A_39 = arith.constant 0 : i32
    %dma_start3A_40 = arith.constant 384 : i32
    %dma_start3A_41 = arith.constant 0 : i32
    %dma_start3A_42 = tpu.memref_slice %arg8[%dma_start3A_39, %dma_start3A_40, %dma_start3A_41] : memref<2x1024x48xf32, #tpu.memory_space<vmem>> -> memref<1x128x48xf32, #tpu.memory_space<vmem>>
    %dma_start3A_43 = tpu.memref_squeeze %dma_start3A_42 : memref<1x128x48xf32, #tpu.memory_space<vmem>> -> memref<128x48xf32, #tpu.memory_space<vmem>>
    %dma_start3A_44 = arith.constant 0 : i32
    %dma_start3A_45 = tpu.memref_slice %arg7[%dma_start3A_38, %dma_start3A_44] : memref<16x128xi32, #tpu.memory_space<vmem>> -> memref<1x128xi32, #tpu.memory_space<vmem>>
    %dma_start3A_46 = tpu.memref_squeeze %dma_start3A_45 : memref<1x128xi32, #tpu.memory_space<vmem>> -> memref<128xi32, #tpu.memory_space<vmem>>
    %dma_start3A_47 = arith.constant 0 : i32
    %dma_start3A_48 = arith.constant 0 : i32
    %dma_start3A_49 = tpu.memref_slice %arg2[%dma_start3A_47, %dma_start3A_48] : memref<4096x48xf32, #tpu.memory_space<hbm>> -> memref<4096x48xf32, #tpu.memory_space<hbm>>
    tpu.enqueue_indirect_dma source(%dma_start3A_49 : memref<4096x48xf32, #tpu.memory_space<hbm>>) target(%dma_start3A_43 : memref<128x48xf32, #tpu.memory_space<vmem>>) offsets(%dma_start3A_46 : memref<128xi32, #tpu.memory_space<vmem>>) semaphore(%arg9 : memref<!tpu.dma_semaphore, #tpu.memory_space<semaphore_mem>>)
    %dma_start3A_50 = arith.constant 4 : i32
    %dma_start3A_51 = arith.constant 0 : i32
    %dma_start3A_52 = arith.constant 512 : i32
    %dma_start3A_53 = arith.constant 0 : i32
    %dma_start3A_54 = tpu.memref_slice %arg8[%dma_start3A_51, %dma_start3A_52, %dma_start3A_53] : memref<2x1024x48xf32, #tpu.memory_space<vmem>> -> memref<1x128x48xf32, #tpu.memory_space<vmem>>
    %dma_start3A_55 = tpu.memref_squeeze %dma_start3A_54 : memref<1x128x48xf32, #tpu.memory_space<vmem>> -> memref<128x48xf32, #tpu.memory_space<vmem>>
    %dma_start3A_56 = arith.constant 0 : i32
    %dma_start3A_57 = tpu.memref_slice %arg7[%dma_start3A_50, %dma_start3A_56] : memref<16x128xi32, #tpu.memory_space<vmem>> -> memref<1x128xi32, #tpu.memory_space<vmem>>
    %dma_start3A_58 = tpu.memref_squeeze %dma_start3A_57 : memref<1x128xi32, #tpu.memory_space<vmem>> -> memref<128xi32, #tpu.memory_space<vmem>>
    %dma_start3A_59 = arith.constant 0 : i32
    %dma_start3A_60 = arith.constant 0 : i32
    %dma_start3A_61 = tpu.memref_slice %arg2[%dma_start3A_59, %dma_start3A_60] : memref<4096x48xf32, #tpu.memory_space<hbm>> -> memref<4096x48xf32, #tpu.memory_space<hbm>>
    tpu.enqueue_indirect_dma source(%dma_start3A_61 : memref<4096x48xf32, #tpu.memory_space<hbm>>) target(%dma_start3A_55 : memref<128x48xf32, #tpu.memory_space<vmem>>) offsets(%dma_start3A_58 : memref<128xi32, #tpu.memory_space<vmem>>) semaphore(%arg9 : memref<!tpu.dma_semaphore, #tpu.memory_space<semaphore_mem>>)
    %dma_start3A_62 = arith.constant 5 : i32
    %dma_start3A_63 = arith.constant 0 : i32
    %dma_start3A_64 = arith.constant 640 : i32
    %dma_start3A_65 = arith.constant 0 : i32
    %dma_start3A_66 = tpu.memref_slice %arg8[%dma_start3A_63, %dma_start3A_64, %dma_start3A_65] : memref<2x1024x48xf32, #tpu.memory_space<vmem>> -> memref<1x128x48xf32, #tpu.memory_space<vmem>>
    %dma_start3A_67 = tpu.memref_squeeze %dma_start3A_66 : memref<1x128x48xf32, #tpu.memory_space<vmem>> -> memref<128x48xf32, #tpu.memory_space<vmem>>
    %dma_start3A_68 = arith.constant 0 : i32
    %dma_start3A_69 = tpu.memref_slice %arg7[%dma_start3A_62, %dma_start3A_68] : memref<16x128xi32, #tpu.memory_space<vmem>> -> memref<1x128xi32, #tpu.memory_space<vmem>>
    %dma_start3A_70 = tpu.memref_squeeze %dma_start3A_69 : memref<1x128xi32, #tpu.memory_space<vmem>> -> memref<128xi32, #tpu.memory_space<vmem>>
    %dma_start3A_71 = arith.constant 0 : i32
    %dma_start3A_72 = arith.constant 0 : i32
    %dma_start3A_73 = tpu.memref_slice %arg2[%dma_start3A_71, %dma_start3A_72] : memref<4096x48xf32, #tpu.memory_space<hbm>> -> memref<4096x48xf32, #tpu.memory_space<hbm>>
    tpu.enqueue_indirect_dma source(%dma_start3A_73 : memref<4096x48xf32, #tpu.memory_space<hbm>>) target(%dma_start3A_67 : memref<128x48xf32, #tpu.memory_space<vmem>>) offsets(%dma_start3A_70 : memref<128xi32, #tpu.memory_space<vmem>>) semaphore(%arg9 : memref<!tpu.dma_semaphore, #tpu.memory_space<semaphore_mem>>)
    %dma_start3A_74 = arith.constant 6 : i32
    %dma_start3A_75 = arith.constant 0 : i32
    %dma_start3A_76 = arith.constant 768 : i32
    %dma_start3A_77 = arith.constant 0 : i32
    %dma_start3A_78 = tpu.memref_slice %arg8[%dma_start3A_75, %dma_start3A_76, %dma_start3A_77] : memref<2x1024x48xf32, #tpu.memory_space<vmem>> -> memref<1x128x48xf32, #tpu.memory_space<vmem>>
    %dma_start3A_79 = tpu.memref_squeeze %dma_start3A_78 : memref<1x128x48xf32, #tpu.memory_space<vmem>> -> memref<128x48xf32, #tpu.memory_space<vmem>>
    %dma_start3A_80 = arith.constant 0 : i32
    %dma_start3A_81 = tpu.memref_slice %arg7[%dma_start3A_74, %dma_start3A_80] : memref<16x128xi32, #tpu.memory_space<vmem>> -> memref<1x128xi32, #tpu.memory_space<vmem>>
    %dma_start3A_82 = tpu.memref_squeeze %dma_start3A_81 : memref<1x128xi32, #tpu.memory_space<vmem>> -> memref<128xi32, #tpu.memory_space<vmem>>
    %dma_start3A_83 = arith.constant 0 : i32
    %dma_start3A_84 = arith.constant 0 : i32
    %dma_start3A_85 = tpu.memref_slice %arg2[%dma_start3A_83, %dma_start3A_84] : memref<4096x48xf32, #tpu.memory_space<hbm>> -> memref<4096x48xf32, #tpu.memory_space<hbm>>
    tpu.enqueue_indirect_dma source(%dma_start3A_85 : memref<4096x48xf32, #tpu.memory_space<hbm>>) target(%dma_start3A_79 : memref<128x48xf32, #tpu.memory_space<vmem>>) offsets(%dma_start3A_82 : memref<128xi32, #tpu.memory_space<vmem>>) semaphore(%arg9 : memref<!tpu.dma_semaphore, #tpu.memory_space<semaphore_mem>>)
    %dma_start3A_86 = arith.constant 7 : i32
    %dma_start3A_87 = arith.constant 0 : i32
    %dma_start3A_88 = arith.constant 896 : i32
    %dma_start3A_89 = arith.constant 0 : i32
    %dma_start3A_90 = tpu.memref_slice %arg8[%dma_start3A_87, %dma_start3A_88, %dma_start3A_89] : memref<2x1024x48xf32, #tpu.memory_space<vmem>> -> memref<1x128x48xf32, #tpu.memory_space<vmem>>
    %dma_start3A_91 = tpu.memref_squeeze %dma_start3A_90 : memref<1x128x48xf32, #tpu.memory_space<vmem>> -> memref<128x48xf32, #tpu.memory_space<vmem>>
    %dma_start3A_92 = arith.constant 0 : i32
    %dma_start3A_93 = tpu.memref_slice %arg7[%dma_start3A_86, %dma_start3A_92] : memref<16x128xi32, #tpu.memory_space<vmem>> -> memref<1x128xi32, #tpu.memory_space<vmem>>
    %dma_start3A_94 = tpu.memref_squeeze %dma_start3A_93 : memref<1x128xi32, #tpu.memory_space<vmem>> -> memref<128xi32, #tpu.memory_space<vmem>>
    %dma_start3A_95 = arith.constant 0 : i32
    %dma_start3A_96 = arith.constant 0 : i32
    %dma_start3A_97 = tpu.memref_slice %arg2[%dma_start3A_95, %dma_start3A_96] : memref<4096x48xf32, #tpu.memory_space<hbm>> -> memref<4096x48xf32, #tpu.memory_space<hbm>>
    tpu.enqueue_indirect_dma source(%dma_start3A_97 : memref<4096x48xf32, #tpu.memory_space<hbm>>) target(%dma_start3A_91 : memref<128x48xf32, #tpu.memory_space<vmem>>) offsets(%dma_start3A_94 : memref<128xi32, #tpu.memory_space<vmem>>) semaphore(%arg9 : memref<!tpu.dma_semaphore, #tpu.memory_space<semaphore_mem>>)
    %dma_wait3A = arith.constant 0 : i32
    %dma_wait3A_98 = arith.constant 0 : i32
    %dma_wait3A_99 = arith.constant 0 : i32
    %dma_wait3A_100 = arith.constant 0 : i32
    %dma_wait3A_101 = tpu.memref_slice %arg8[%dma_wait3A_98, %dma_wait3A_99, %dma_wait3A_100] : memref<2x1024x48xf32, #tpu.memory_space<vmem>> -> memref<1x128x48xf32, #tpu.memory_space<vmem>>
    %dma_wait3A_102 = tpu.memref_squeeze %dma_wait3A_101 : memref<1x128x48xf32, #tpu.memory_space<vmem>> -> memref<128x48xf32, #tpu.memory_space<vmem>>
    %dma_wait3A_103 = arith.constant 0 : i32
    %dma_wait3A_104 = tpu.memref_slice %arg7[%dma_wait3A, %dma_wait3A_103] : memref<16x128xi32, #tpu.memory_space<vmem>> -> memref<1x128xi32, #tpu.memory_space<vmem>>
    %dma_wait3A_105 = tpu.memref_squeeze %dma_wait3A_104 : memref<1x128xi32, #tpu.memory_space<vmem>> -> memref<128xi32, #tpu.memory_space<vmem>>
    %dma_wait3A_106 = arith.constant 0 : i32
    %dma_wait3A_107 = arith.constant 0 : i32
    %dma_wait3A_108 = tpu.memref_slice %arg2[%dma_wait3A_106, %dma_wait3A_107] : memref<4096x48xf32, #tpu.memory_space<hbm>> -> memref<4096x48xf32, #tpu.memory_space<hbm>>
    tpu.wait_indirect_dma semaphore(%arg9 : memref<!tpu.dma_semaphore, #tpu.memory_space<semaphore_mem>>) src(%dma_wait3A_108 : memref<4096x48xf32, #tpu.memory_space<hbm>>) dst(%dma_wait3A_102 : memref<128x48xf32, #tpu.memory_space<vmem>>)
    %dma_wait3A_109 = arith.constant 1 : i32
    %dma_wait3A_110 = arith.constant 0 : i32
    %dma_wait3A_111 = arith.constant 128 : i32
    %dma_wait3A_112 = arith.constant 0 : i32
    %dma_wait3A_113 = tpu.memref_slice %arg8[%dma_wait3A_110, %dma_wait3A_111, %dma_wait3A_112] : memref<2x1024x48xf32, #tpu.memory_space<vmem>> -> memref<1x128x48xf32, #tpu.memory_space<vmem>>
    %dma_wait3A_114 = tpu.memref_squeeze %dma_wait3A_113 : memref<1x128x48xf32, #tpu.memory_space<vmem>> -> memref<128x48xf32, #tpu.memory_space<vmem>>
    %dma_wait3A_115 = arith.constant 0 : i32
    %dma_wait3A_116 = tpu.memref_slice %arg7[%dma_wait3A_109, %dma_wait3A_115] : memref<16x128xi32, #tpu.memory_space<vmem>> -> memref<1x128xi32, #tpu.memory_space<vmem>>
    %dma_wait3A_117 = tpu.memref_squeeze %dma_wait3A_116 : memref<1x128xi32, #tpu.memory_space<vmem>> -> memref<128xi32, #tpu.memory_space<vmem>>
    %dma_wait3A_118 = arith.constant 0 : i32
    %dma_wait3A_119 = arith.constant 0 : i32
    %dma_wait3A_120 = tpu.memref_slice %arg2[%dma_wait3A_118, %dma_wait3A_119] : memref<4096x48xf32, #tpu.memory_space<hbm>> -> memref<4096x48xf32, #tpu.memory_space<hbm>>
    tpu.wait_indirect_dma semaphore(%arg9 : memref<!tpu.dma_semaphore, #tpu.memory_space<semaphore_mem>>) src(%dma_wait3A_120 : memref<4096x48xf32, #tpu.memory_space<hbm>>) dst(%dma_wait3A_114 : memref<128x48xf32, #tpu.memory_space<vmem>>)
    %dma_wait3A_121 = arith.constant 2 : i32
    %dma_wait3A_122 = arith.constant 0 : i32
    %dma_wait3A_123 = arith.constant 256 : i32
    %dma_wait3A_124 = arith.constant 0 : i32
    %dma_wait3A_125 = tpu.memref_slice %arg8[%dma_wait3A_122, %dma_wait3A_123, %dma_wait3A_124] : memref<2x1024x48xf32, #tpu.memory_space<vmem>> -> memref<1x128x48xf32, #tpu.memory_space<vmem>>
    %dma_wait3A_126 = tpu.memref_squeeze %dma_wait3A_125 : memref<1x128x48xf32, #tpu.memory_space<vmem>> -> memref<128x48xf32, #tpu.memory_space<vmem>>
    %dma_wait3A_127 = arith.constant 0 : i32
    %dma_wait3A_128 = tpu.memref_slice %arg7[%dma_wait3A_121, %dma_wait3A_127] : memref<16x128xi32, #tpu.memory_space<vmem>> -> memref<1x128xi32, #tpu.memory_space<vmem>>
    %dma_wait3A_129 = tpu.memref_squeeze %dma_wait3A_128 : memref<1x128xi32, #tpu.memory_space<vmem>> -> memref<128xi32, #tpu.memory_space<vmem>>
    %dma_wait3A_130 = arith.constant 0 : i32
    %dma_wait3A_131 = arith.constant 0 : i32
    %dma_wait3A_132 = tpu.memref_slice %arg2[%dma_wait3A_130, %dma_wait3A_131] : memref<4096x48xf32, #tpu.memory_space<hbm>> -> memref<4096x48xf32, #tpu.memory_space<hbm>>
    tpu.wait_indirect_dma semaphore(%arg9 : memref<!tpu.dma_semaphore, #tpu.memory_space<semaphore_mem>>) src(%dma_wait3A_132 : memref<4096x48xf32, #tpu.memory_space<hbm>>) dst(%dma_wait3A_126 : memref<128x48xf32, #tpu.memory_space<vmem>>)
    %dma_wait3A_133 = arith.constant 3 : i32
    %dma_wait3A_134 = arith.constant 0 : i32
    %dma_wait3A_135 = arith.constant 384 : i32
    %dma_wait3A_136 = arith.constant 0 : i32
    %dma_wait3A_137 = tpu.memref_slice %arg8[%dma_wait3A_134, %dma_wait3A_135, %dma_wait3A_136] : memref<2x1024x48xf32, #tpu.memory_space<vmem>> -> memref<1x128x48xf32, #tpu.memory_space<vmem>>
    %dma_wait3A_138 = tpu.memref_squeeze %dma_wait3A_137 : memref<1x128x48xf32, #tpu.memory_space<vmem>> -> memref<128x48xf32, #tpu.memory_space<vmem>>
    %dma_wait3A_139 = arith.constant 0 : i32
    %dma_wait3A_140 = tpu.memref_slice %arg7[%dma_wait3A_133, %dma_wait3A_139] : memref<16x128xi32, #tpu.memory_space<vmem>> -> memref<1x128xi32, #tpu.memory_space<vmem>>
    %dma_wait3A_141 = tpu.memref_squeeze %dma_wait3A_140 : memref<1x128xi32, #tpu.memory_space<vmem>> -> memref<128xi32, #tpu.memory_space<vmem>>
    %dma_wait3A_142 = arith.constant 0 : i32
    %dma_wait3A_143 = arith.constant 0 : i32
    %dma_wait3A_144 = tpu.memref_slice %arg2[%dma_wait3A_142, %dma_wait3A_143] : memref<4096x48xf32, #tpu.memory_space<hbm>> -> memref<4096x48xf32, #tpu.memory_space<hbm>>
    tpu.wait_indirect_dma semaphore(%arg9 : memref<!tpu.dma_semaphore, #tpu.memory_space<semaphore_mem>>) src(%dma_wait3A_144 : memref<4096x48xf32, #tpu.memory_space<hbm>>) dst(%dma_wait3A_138 : memref<128x48xf32, #tpu.memory_space<vmem>>)
    %dma_wait3A_145 = arith.constant 4 : i32
    %dma_wait3A_146 = arith.constant 0 : i32
    %dma_wait3A_147 = arith.constant 512 : i32
    %dma_wait3A_148 = arith.constant 0 : i32
    %dma_wait3A_149 = tpu.memref_slice %arg8[%dma_wait3A_146, %dma_wait3A_147, %dma_wait3A_148] : memref<2x1024x48xf32, #tpu.memory_space<vmem>> -> memref<1x128x48xf32, #tpu.memory_space<vmem>>
    %dma_wait3A_150 = tpu.memref_squeeze %dma_wait3A_149 : memref<1x128x48xf32, #tpu.memory_space<vmem>> -> memref<128x48xf32, #tpu.memory_space<vmem>>
    %dma_wait3A_151 = arith.constant 0 : i32
    %dma_wait3A_152 = tpu.memref_slice %arg7[%dma_wait3A_145, %dma_wait3A_151] : memref<16x128xi32, #tpu.memory_space<vmem>> -> memref<1x128xi32, #tpu.memory_space<vmem>>
    %dma_wait3A_153 = tpu.memref_squeeze %dma_wait3A_152 : memref<1x128xi32, #tpu.memory_space<vmem>> -> memref<128xi32, #tpu.memory_space<vmem>>
    %dma_wait3A_154 = arith.constant 0 : i32
    %dma_wait3A_155 = arith.constant 0 : i32
    %dma_wait3A_156 = tpu.memref_slice %arg2[%dma_wait3A_154, %dma_wait3A_155] : memref<4096x48xf32, #tpu.memory_space<hbm>> -> memref<4096x48xf32, #tpu.memory_space<hbm>>
    tpu.wait_indirect_dma semaphore(%arg9 : memref<!tpu.dma_semaphore, #tpu.memory_space<semaphore_mem>>) src(%dma_wait3A_156 : memref<4096x48xf32, #tpu.memory_space<hbm>>) dst(%dma_wait3A_150 : memref<128x48xf32, #tpu.memory_space<vmem>>)
    %dma_wait3A_157 = arith.constant 5 : i32
    %dma_wait3A_158 = arith.constant 0 : i32
    %dma_wait3A_159 = arith.constant 640 : i32
    %dma_wait3A_160 = arith.constant 0 : i32
    %dma_wait3A_161 = tpu.memref_slice %arg8[%dma_wait3A_158, %dma_wait3A_159, %dma_wait3A_160] : memref<2x1024x48xf32, #tpu.memory_space<vmem>> -> memref<1x128x48xf32, #tpu.memory_space<vmem>>
    %dma_wait3A_162 = tpu.memref_squeeze %dma_wait3A_161 : memref<1x128x48xf32, #tpu.memory_space<vmem>> -> memref<128x48xf32, #tpu.memory_space<vmem>>
    %dma_wait3A_163 = arith.constant 0 : i32
    %dma_wait3A_164 = tpu.memref_slice %arg7[%dma_wait3A_157, %dma_wait3A_163] : memref<16x128xi32, #tpu.memory_space<vmem>> -> memref<1x128xi32, #tpu.memory_space<vmem>>
    %dma_wait3A_165 = tpu.memref_squeeze %dma_wait3A_164 : memref<1x128xi32, #tpu.memory_space<vmem>> -> memref<128xi32, #tpu.memory_space<vmem>>
    %dma_wait3A_166 = arith.constant 0 : i32
    %dma_wait3A_167 = arith.constant 0 : i32
    %dma_wait3A_168 = tpu.memref_slice %arg2[%dma_wait3A_166, %dma_wait3A_167] : memref<4096x48xf32, #tpu.memory_space<hbm>> -> memref<4096x48xf32, #tpu.memory_space<hbm>>
    tpu.wait_indirect_dma semaphore(%arg9 : memref<!tpu.dma_semaphore, #tpu.memory_space<semaphore_mem>>) src(%dma_wait3A_168 : memref<4096x48xf32, #tpu.memory_space<hbm>>) dst(%dma_wait3A_162 : memref<128x48xf32, #tpu.memory_space<vmem>>)
    %dma_wait3A_169 = arith.constant 6 : i32
    %dma_wait3A_170 = arith.constant 0 : i32
    %dma_wait3A_171 = arith.constant 768 : i32
    %dma_wait3A_172 = arith.constant 0 : i32
    %dma_wait3A_173 = tpu.memref_slice %arg8[%dma_wait3A_170, %dma_wait3A_171, %dma_wait3A_172] : memref<2x1024x48xf32, #tpu.memory_space<vmem>> -> memref<1x128x48xf32, #tpu.memory_space<vmem>>
    %dma_wait3A_174 = tpu.memref_squeeze %dma_wait3A_173 : memref<1x128x48xf32, #tpu.memory_space<vmem>> -> memref<128x48xf32, #tpu.memory_space<vmem>>
    %dma_wait3A_175 = arith.constant 0 : i32
    %dma_wait3A_176 = tpu.memref_slice %arg7[%dma_wait3A_169, %dma_wait3A_175] : memref<16x128xi32, #tpu.memory_space<vmem>> -> memref<1x128xi32, #tpu.memory_space<vmem>>
    %dma_wait3A_177 = tpu.memref_squeeze %dma_wait3A_176 : memref<1x128xi32, #tpu.memory_space<vmem>> -> memref<128xi32, #tpu.memory_space<vmem>>
    %dma_wait3A_178 = arith.constant 0 : i32
    %dma_wait3A_179 = arith.constant 0 : i32
    %dma_wait3A_180 = tpu.memref_slice %arg2[%dma_wait3A_178, %dma_wait3A_179] : memref<4096x48xf32, #tpu.memory_space<hbm>> -> memref<4096x48xf32, #tpu.memory_space<hbm>>
    tpu.wait_indirect_dma semaphore(%arg9 : memref<!tpu.dma_semaphore, #tpu.memory_space<semaphore_mem>>) src(%dma_wait3A_180 : memref<4096x48xf32, #tpu.memory_space<hbm>>) dst(%dma_wait3A_174 : memref<128x48xf32, #tpu.memory_space<vmem>>)
    %dma_wait3A_181 = arith.constant 7 : i32
    %dma_wait3A_182 = arith.constant 0 : i32
    %dma_wait3A_183 = arith.constant 896 : i32
    %dma_wait3A_184 = arith.constant 0 : i32
    %dma_wait3A_185 = tpu.memref_slice %arg8[%dma_wait3A_182, %dma_wait3A_183, %dma_wait3A_184] : memref<2x1024x48xf32, #tpu.memory_space<vmem>> -> memref<1x128x48xf32, #tpu.memory_space<vmem>>
    %dma_wait3A_186 = tpu.memref_squeeze %dma_wait3A_185 : memref<1x128x48xf32, #tpu.memory_space<vmem>> -> memref<128x48xf32, #tpu.memory_space<vmem>>
    %dma_wait3A_187 = arith.constant 0 : i32
    %dma_wait3A_188 = tpu.memref_slice %arg7[%dma_wait3A_181, %dma_wait3A_187] : memref<16x128xi32, #tpu.memory_space<vmem>> -> memref<1x128xi32, #tpu.memory_space<vmem>>
    %dma_wait3A_189 = tpu.memref_squeeze %dma_wait3A_188 : memref<1x128xi32, #tpu.memory_space<vmem>> -> memref<128xi32, #tpu.memory_space<vmem>>
    %dma_wait3A_190 = arith.constant 0 : i32
    %dma_wait3A_191 = arith.constant 0 : i32
    %dma_wait3A_192 = tpu.memref_slice %arg2[%dma_wait3A_190, %dma_wait3A_191] : memref<4096x48xf32, #tpu.memory_space<hbm>> -> memref<4096x48xf32, #tpu.memory_space<hbm>>
    tpu.wait_indirect_dma semaphore(%arg9 : memref<!tpu.dma_semaphore, #tpu.memory_space<semaphore_mem>>) src(%dma_wait3A_192 : memref<4096x48xf32, #tpu.memory_space<hbm>>) dst(%dma_wait3A_186 : memref<128x48xf32, #tpu.memory_space<vmem>>)
    %add3A_193 = arith.constant 0 : i32
    %add3A_194 = arith.addi %mul3A_2, %add3A_193 : i32
    %dma_start3A_195 = arith.constant 0 : i32
    %dma_start3A_196 = arith.constant 0 : i32
    %dma_start3A_197 = arith.constant 0 : i32
    %dma_start3A_198 = tpu.memref_slice %arg8[%dma_start3A_195, %dma_start3A_196, %dma_start3A_197] : memref<2x1024x48xf32, #tpu.memory_space<vmem>> -> memref<1x1024x48xf32, #tpu.memory_space<vmem>>
    %dma_start3A_199 = tpu.memref_squeeze %dma_start3A_198 : memref<1x1024x48xf32, #tpu.memory_space<vmem>> -> memref<1024x48xf32, #tpu.memory_space<vmem>>
    %dma_start3A_200 = arith.constant 0 : i32
    %dma_start3A_201 = tpu.memref_slice %arg5[%add3A_194, %dma_start3A_200] : memref<65536x128xf32, #tpu.memory_space<hbm>> -> memref<1024x48xf32, #tpu.memory_space<hbm>>
    %dma_start3A_202 = arith.constant 0 : i32
    %dma_start3A_203 = tpu.memref_slice %arg5[%add3A_194, %dma_start3A_202] : memref<65536x128xf32, #tpu.memory_space<hbm>> -> memref<1024x48xf32, #tpu.memory_space<hbm>>
    %dma_start3A_204 = arith.constant 0 : i32
    %dma_start3A_205 = arith.constant 0 : i32
    %dma_start3A_206 = tpu.memref_slice %arg8[%dma_start3A_195, %dma_start3A_204, %dma_start3A_205] : memref<2x1024x48xf32, #tpu.memory_space<vmem>> -> memref<1x1024x48xf32, #tpu.memory_space<vmem>>
    %dma_start3A_207 = tpu.memref_squeeze %dma_start3A_206 : memref<1x1024x48xf32, #tpu.memory_space<vmem>> -> memref<1024x48xf32, #tpu.memory_space<vmem>>
    tpu.enqueue_dma source(%dma_start3A_207 : memref<1024x48xf32, #tpu.memory_space<vmem>>) target(%dma_start3A_203 : memref<1024x48xf32, #tpu.memory_space<hbm>>) target_semaphore(%arg10 : memref<!tpu.dma_semaphore, #tpu.memory_space<semaphore_mem>>)
    %dma_start3A_208 = arith.constant 8 : i32
    %dma_start3A_209 = arith.constant 1 : i32
    %dma_start3A_210 = arith.constant 0 : i32
    %dma_start3A_211 = arith.constant 0 : i32
    %dma_start3A_212 = tpu.memref_slice %arg8[%dma_start3A_209, %dma_start3A_210, %dma_start3A_211] : memref<2x1024x48xf32, #tpu.memory_space<vmem>> -> memref<1x128x48xf32, #tpu.memory_space<vmem>>
    %dma_start3A_213 = tpu.memref_squeeze %dma_start3A_212 : memref<1x128x48xf32, #tpu.memory_space<vmem>> -> memref<128x48xf32, #tpu.memory_space<vmem>>
    %dma_start3A_214 = arith.constant 0 : i32
    %dma_start3A_215 = tpu.memref_slice %arg7[%dma_start3A_208, %dma_start3A_214] : memref<16x128xi32, #tpu.memory_space<vmem>> -> memref<1x128xi32, #tpu.memory_space<vmem>>
    %dma_start3A_216 = tpu.memref_squeeze %dma_start3A_215 : memref<1x128xi32, #tpu.memory_space<vmem>> -> memref<128xi32, #tpu.memory_space<vmem>>
    %dma_start3A_217 = arith.constant 0 : i32
    %dma_start3A_218 = arith.constant 0 : i32
    %dma_start3A_219 = tpu.memref_slice %arg2[%dma_start3A_217, %dma_start3A_218] : memref<4096x48xf32, #tpu.memory_space<hbm>> -> memref<4096x48xf32, #tpu.memory_space<hbm>>
    tpu.enqueue_indirect_dma source(%dma_start3A_219 : memref<4096x48xf32, #tpu.memory_space<hbm>>) target(%dma_start3A_213 : memref<128x48xf32, #tpu.memory_space<vmem>>) offsets(%dma_start3A_216 : memref<128xi32, #tpu.memory_space<vmem>>) semaphore(%arg9 : memref<!tpu.dma_semaphore, #tpu.memory_space<semaphore_mem>>)
    %dma_start3A_220 = arith.constant 9 : i32
    %dma_start3A_221 = arith.constant 1 : i32
    %dma_start3A_222 = arith.constant 128 : i32
    %dma_start3A_223 = arith.constant 0 : i32
    %dma_start3A_224 = tpu.memref_slice %arg8[%dma_start3A_221, %dma_start3A_222, %dma_start3A_223] : memref<2x1024x48xf32, #tpu.memory_space<vmem>> -> memref<1x128x48xf32, #tpu.memory_space<vmem>>
    %dma_start3A_225 = tpu.memref_squeeze %dma_start3A_224 : memref<1x128x48xf32, #tpu.memory_space<vmem>> -> memref<128x48xf32, #tpu.memory_space<vmem>>
    %dma_start3A_226 = arith.constant 0 : i32
    %dma_start3A_227 = tpu.memref_slice %arg7[%dma_start3A_220, %dma_start3A_226] : memref<16x128xi32, #tpu.memory_space<vmem>> -> memref<1x128xi32, #tpu.memory_space<vmem>>
    %dma_start3A_228 = tpu.memref_squeeze %dma_start3A_227 : memref<1x128xi32, #tpu.memory_space<vmem>> -> memref<128xi32, #tpu.memory_space<vmem>>
    %dma_start3A_229 = arith.constant 0 : i32
    %dma_start3A_230 = arith.constant 0 : i32
    %dma_start3A_231 = tpu.memref_slice %arg2[%dma_start3A_229, %dma_start3A_230] : memref<4096x48xf32, #tpu.memory_space<hbm>> -> memref<4096x48xf32, #tpu.memory_space<hbm>>
    tpu.enqueue_indirect_dma source(%dma_start3A_231 : memref<4096x48xf32, #tpu.memory_space<hbm>>) target(%dma_start3A_225 : memref<128x48xf32, #tpu.memory_space<vmem>>) offsets(%dma_start3A_228 : memref<128xi32, #tpu.memory_space<vmem>>) semaphore(%arg9 : memref<!tpu.dma_semaphore, #tpu.memory_space<semaphore_mem>>)
    %dma_start3A_232 = arith.constant 10 : i32
    %dma_start3A_233 = arith.constant 1 : i32
    %dma_start3A_234 = arith.constant 256 : i32
    %dma_start3A_235 = arith.constant 0 : i32
    %dma_start3A_236 = tpu.memref_slice %arg8[%dma_start3A_233, %dma_start3A_234, %dma_start3A_235] : memref<2x1024x48xf32, #tpu.memory_space<vmem>> -> memref<1x128x48xf32, #tpu.memory_space<vmem>>
    %dma_start3A_237 = tpu.memref_squeeze %dma_start3A_236 : memref<1x128x48xf32, #tpu.memory_space<vmem>> -> memref<128x48xf32, #tpu.memory_space<vmem>>
    %dma_start3A_238 = arith.constant 0 : i32
    %dma_start3A_239 = tpu.memref_slice %arg7[%dma_start3A_232, %dma_start3A_238] : memref<16x128xi32, #tpu.memory_space<vmem>> -> memref<1x128xi32, #tpu.memory_space<vmem>>
    %dma_start3A_240 = tpu.memref_squeeze %dma_start3A_239 : memref<1x128xi32, #tpu.memory_space<vmem>> -> memref<128xi32, #tpu.memory_space<vmem>>
    %dma_start3A_241 = arith.constant 0 : i32
    %dma_start3A_242 = arith.constant 0 : i32
    %dma_start3A_243 = tpu.memref_slice %arg2[%dma_start3A_241, %dma_start3A_242] : memref<4096x48xf32, #tpu.memory_space<hbm>> -> memref<4096x48xf32, #tpu.memory_space<hbm>>
    tpu.enqueue_indirect_dma source(%dma_start3A_243 : memref<4096x48xf32, #tpu.memory_space<hbm>>) target(%dma_start3A_237 : memref<128x48xf32, #tpu.memory_space<vmem>>) offsets(%dma_start3A_240 : memref<128xi32, #tpu.memory_space<vmem>>) semaphore(%arg9 : memref<!tpu.dma_semaphore, #tpu.memory_space<semaphore_mem>>)
    %dma_start3A_244 = arith.constant 11 : i32
    %dma_start3A_245 = arith.constant 1 : i32
    %dma_start3A_246 = arith.constant 384 : i32
    %dma_start3A_247 = arith.constant 0 : i32
    %dma_start3A_248 = tpu.memref_slice %arg8[%dma_start3A_245, %dma_start3A_246, %dma_start3A_247] : memref<2x1024x48xf32, #tpu.memory_space<vmem>> -> memref<1x128x48xf32, #tpu.memory_space<vmem>>
    %dma_start3A_249 = tpu.memref_squeeze %dma_start3A_248 : memref<1x128x48xf32, #tpu.memory_space<vmem>> -> memref<128x48xf32, #tpu.memory_space<vmem>>
    %dma_start3A_250 = arith.constant 0 : i32
    %dma_start3A_251 = tpu.memref_slice %arg7[%dma_start3A_244, %dma_start3A_250] : memref<16x128xi32, #tpu.memory_space<vmem>> -> memref<1x128xi32, #tpu.memory_space<vmem>>
    %dma_start3A_252 = tpu.memref_squeeze %dma_start3A_251 : memref<1x128xi32, #tpu.memory_space<vmem>> -> memref<128xi32, #tpu.memory_space<vmem>>
    %dma_start3A_253 = arith.constant 0 : i32
    %dma_start3A_254 = arith.constant 0 : i32
    %dma_start3A_255 = tpu.memref_slice %arg2[%dma_start3A_253, %dma_start3A_254] : memref<4096x48xf32, #tpu.memory_space<hbm>> -> memref<4096x48xf32, #tpu.memory_space<hbm>>
    tpu.enqueue_indirect_dma source(%dma_start3A_255 : memref<4096x48xf32, #tpu.memory_space<hbm>>) target(%dma_start3A_249 : memref<128x48xf32, #tpu.memory_space<vmem>>) offsets(%dma_start3A_252 : memref<128xi32, #tpu.memory_space<vmem>>) semaphore(%arg9 : memref<!tpu.dma_semaphore, #tpu.memory_space<semaphore_mem>>)
    %dma_start3A_256 = arith.constant 12 : i32
    %dma_start3A_257 = arith.constant 1 : i32
    %dma_start3A_258 = arith.constant 512 : i32
    %dma_start3A_259 = arith.constant 0 : i32
    %dma_start3A_260 = tpu.memref_slice %arg8[%dma_start3A_257, %dma_start3A_258, %dma_start3A_259] : memref<2x1024x48xf32, #tpu.memory_space<vmem>> -> memref<1x128x48xf32, #tpu.memory_space<vmem>>
    %dma_start3A_261 = tpu.memref_squeeze %dma_start3A_260 : memref<1x128x48xf32, #tpu.memory_space<vmem>> -> memref<128x48xf32, #tpu.memory_space<vmem>>
    %dma_start3A_262 = arith.constant 0 : i32
    %dma_start3A_263 = tpu.memref_slice %arg7[%dma_start3A_256, %dma_start3A_262] : memref<16x128xi32, #tpu.memory_space<vmem>> -> memref<1x128xi32, #tpu.memory_space<vmem>>
    %dma_start3A_264 = tpu.memref_squeeze %dma_start3A_263 : memref<1x128xi32, #tpu.memory_space<vmem>> -> memref<128xi32, #tpu.memory_space<vmem>>
    %dma_start3A_265 = arith.constant 0 : i32
    %dma_start3A_266 = arith.constant 0 : i32
    %dma_start3A_267 = tpu.memref_slice %arg2[%dma_start3A_265, %dma_start3A_266] : memref<4096x48xf32, #tpu.memory_space<hbm>> -> memref<4096x48xf32, #tpu.memory_space<hbm>>
    tpu.enqueue_indirect_dma source(%dma_start3A_267 : memref<4096x48xf32, #tpu.memory_space<hbm>>) target(%dma_start3A_261 : memref<128x48xf32, #tpu.memory_space<vmem>>) offsets(%dma_start3A_264 : memref<128xi32, #tpu.memory_space<vmem>>) semaphore(%arg9 : memref<!tpu.dma_semaphore, #tpu.memory_space<semaphore_mem>>)
    %dma_start3A_268 = arith.constant 13 : i32
    %dma_start3A_269 = arith.constant 1 : i32
    %dma_start3A_270 = arith.constant 640 : i32
    %dma_start3A_271 = arith.constant 0 : i32
    %dma_start3A_272 = tpu.memref_slice %arg8[%dma_start3A_269, %dma_start3A_270, %dma_start3A_271] : memref<2x1024x48xf32, #tpu.memory_space<vmem>> -> memref<1x128x48xf32, #tpu.memory_space<vmem>>
    %dma_start3A_273 = tpu.memref_squeeze %dma_start3A_272 : memref<1x128x48xf32, #tpu.memory_space<vmem>> -> memref<128x48xf32, #tpu.memory_space<vmem>>
    %dma_start3A_274 = arith.constant 0 : i32
    %dma_start3A_275 = tpu.memref_slice %arg7[%dma_start3A_268, %dma_start3A_274] : memref<16x128xi32, #tpu.memory_space<vmem>> -> memref<1x128xi32, #tpu.memory_space<vmem>>
    %dma_start3A_276 = tpu.memref_squeeze %dma_start3A_275 : memref<1x128xi32, #tpu.memory_space<vmem>> -> memref<128xi32, #tpu.memory_space<vmem>>
    %dma_start3A_277 = arith.constant 0 : i32
    %dma_start3A_278 = arith.constant 0 : i32
    %dma_start3A_279 = tpu.memref_slice %arg2[%dma_start3A_277, %dma_start3A_278] : memref<4096x48xf32, #tpu.memory_space<hbm>> -> memref<4096x48xf32, #tpu.memory_space<hbm>>
    tpu.enqueue_indirect_dma source(%dma_start3A_279 : memref<4096x48xf32, #tpu.memory_space<hbm>>) target(%dma_start3A_273 : memref<128x48xf32, #tpu.memory_space<vmem>>) offsets(%dma_start3A_276 : memref<128xi32, #tpu.memory_space<vmem>>) semaphore(%arg9 : memref<!tpu.dma_semaphore, #tpu.memory_space<semaphore_mem>>)
    %dma_start3A_280 = arith.constant 14 : i32
    %dma_start3A_281 = arith.constant 1 : i32
    %dma_start3A_282 = arith.constant 768 : i32
    %dma_start3A_283 = arith.constant 0 : i32
    %dma_start3A_284 = tpu.memref_slice %arg8[%dma_start3A_281, %dma_start3A_282, %dma_start3A_283] : memref<2x1024x48xf32, #tpu.memory_space<vmem>> -> memref<1x128x48xf32, #tpu.memory_space<vmem>>
    %dma_start3A_285 = tpu.memref_squeeze %dma_start3A_284 : memref<1x128x48xf32, #tpu.memory_space<vmem>> -> memref<128x48xf32, #tpu.memory_space<vmem>>
    %dma_start3A_286 = arith.constant 0 : i32
    %dma_start3A_287 = tpu.memref_slice %arg7[%dma_start3A_280, %dma_start3A_286] : memref<16x128xi32, #tpu.memory_space<vmem>> -> memref<1x128xi32, #tpu.memory_space<vmem>>
    %dma_start3A_288 = tpu.memref_squeeze %dma_start3A_287 : memref<1x128xi32, #tpu.memory_space<vmem>> -> memref<128xi32, #tpu.memory_space<vmem>>
    %dma_start3A_289 = arith.constant 0 : i32
    %dma_start3A_290 = arith.constant 0 : i32
    %dma_start3A_291 = tpu.memref_slice %arg2[%dma_start3A_289, %dma_start3A_290] : memref<4096x48xf32, #tpu.memory_space<hbm>> -> memref<4096x48xf32, #tpu.memory_space<hbm>>
    tpu.enqueue_indirect_dma source(%dma_start3A_291 : memref<4096x48xf32, #tpu.memory_space<hbm>>) target(%dma_start3A_285 : memref<128x48xf32, #tpu.memory_space<vmem>>) offsets(%dma_start3A_288 : memref<128xi32, #tpu.memory_space<vmem>>) semaphore(%arg9 : memref<!tpu.dma_semaphore, #tpu.memory_space<semaphore_mem>>)
    %dma_start3A_292 = arith.constant 15 : i32
    %dma_start3A_293 = arith.constant 1 : i32
    %dma_start3A_294 = arith.constant 896 : i32
    %dma_start3A_295 = arith.constant 0 : i32
    %dma_start3A_296 = tpu.memref_slice %arg8[%dma_start3A_293, %dma_start3A_294, %dma_start3A_295] : memref<2x1024x48xf32, #tpu.memory_space<vmem>> -> memref<1x128x48xf32, #tpu.memory_space<vmem>>
    %dma_start3A_297 = tpu.memref_squeeze %dma_start3A_296 : memref<1x128x48xf32, #tpu.memory_space<vmem>> -> memref<128x48xf32, #tpu.memory_space<vmem>>
    %dma_start3A_298 = arith.constant 0 : i32
    %dma_start3A_299 = tpu.memref_slice %arg7[%dma_start3A_292, %dma_start3A_298] : memref<16x128xi32, #tpu.memory_space<vmem>> -> memref<1x128xi32, #tpu.memory_space<vmem>>
    %dma_start3A_300 = tpu.memref_squeeze %dma_start3A_299 : memref<1x128xi32, #tpu.memory_space<vmem>> -> memref<128xi32, #tpu.memory_space<vmem>>
    %dma_start3A_301 = arith.constant 0 : i32
    %dma_start3A_302 = arith.constant 0 : i32
    %dma_start3A_303 = tpu.memref_slice %arg2[%dma_start3A_301, %dma_start3A_302] : memref<4096x48xf32, #tpu.memory_space<hbm>> -> memref<4096x48xf32, #tpu.memory_space<hbm>>
    tpu.enqueue_indirect_dma source(%dma_start3A_303 : memref<4096x48xf32, #tpu.memory_space<hbm>>) target(%dma_start3A_297 : memref<128x48xf32, #tpu.memory_space<vmem>>) offsets(%dma_start3A_300 : memref<128xi32, #tpu.memory_space<vmem>>) semaphore(%arg9 : memref<!tpu.dma_semaphore, #tpu.memory_space<semaphore_mem>>)
    %dma_wait3A_304 = arith.constant 8 : i32
    %dma_wait3A_305 = arith.constant 1 : i32
    %dma_wait3A_306 = arith.constant 0 : i32
    %dma_wait3A_307 = arith.constant 0 : i32
    %dma_wait3A_308 = tpu.memref_slice %arg8[%dma_wait3A_305, %dma_wait3A_306, %dma_wait3A_307] : memref<2x1024x48xf32, #tpu.memory_space<vmem>> -> memref<1x128x48xf32, #tpu.memory_space<vmem>>
    %dma_wait3A_309 = tpu.memref_squeeze %dma_wait3A_308 : memref<1x128x48xf32, #tpu.memory_space<vmem>> -> memref<128x48xf32, #tpu.memory_space<vmem>>
    %dma_wait3A_310 = arith.constant 0 : i32
    %dma_wait3A_311 = tpu.memref_slice %arg7[%dma_wait3A_304, %dma_wait3A_310] : memref<16x128xi32, #tpu.memory_space<vmem>> -> memref<1x128xi32, #tpu.memory_space<vmem>>
    %dma_wait3A_312 = tpu.memref_squeeze %dma_wait3A_311 : memref<1x128xi32, #tpu.memory_space<vmem>> -> memref<128xi32, #tpu.memory_space<vmem>>
    %dma_wait3A_313 = arith.constant 0 : i32
    %dma_wait3A_314 = arith.constant 0 : i32
    %dma_wait3A_315 = tpu.memref_slice %arg2[%dma_wait3A_313, %dma_wait3A_314] : memref<4096x48xf32, #tpu.memory_space<hbm>> -> memref<4096x48xf32, #tpu.memory_space<hbm>>
    tpu.wait_indirect_dma semaphore(%arg9 : memref<!tpu.dma_semaphore, #tpu.memory_space<semaphore_mem>>) src(%dma_wait3A_315 : memref<4096x48xf32, #tpu.memory_space<hbm>>) dst(%dma_wait3A_309 : memref<128x48xf32, #tpu.memory_space<vmem>>)
    %dma_wait3A_316 = arith.constant 9 : i32
    %dma_wait3A_317 = arith.constant 1 : i32
    %dma_wait3A_318 = arith.constant 128 : i32
    %dma_wait3A_319 = arith.constant 0 : i32
    %dma_wait3A_320 = tpu.memref_slice %arg8[%dma_wait3A_317, %dma_wait3A_318, %dma_wait3A_319] : memref<2x1024x48xf32, #tpu.memory_space<vmem>> -> memref<1x128x48xf32, #tpu.memory_space<vmem>>
    %dma_wait3A_321 = tpu.memref_squeeze %dma_wait3A_320 : memref<1x128x48xf32, #tpu.memory_space<vmem>> -> memref<128x48xf32, #tpu.memory_space<vmem>>
    %dma_wait3A_322 = arith.constant 0 : i32
    %dma_wait3A_323 = tpu.memref_slice %arg7[%dma_wait3A_316, %dma_wait3A_322] : memref<16x128xi32, #tpu.memory_space<vmem>> -> memref<1x128xi32, #tpu.memory_space<vmem>>
    %dma_wait3A_324 = tpu.memref_squeeze %dma_wait3A_323 : memref<1x128xi32, #tpu.memory_space<vmem>> -> memref<128xi32, #tpu.memory_space<vmem>>
    %dma_wait3A_325 = arith.constant 0 : i32
    %dma_wait3A_326 = arith.constant 0 : i32
    %dma_wait3A_327 = tpu.memref_slice %arg2[%dma_wait3A_325, %dma_wait3A_326] : memref<4096x48xf32, #tpu.memory_space<hbm>> -> memref<4096x48xf32, #tpu.memory_space<hbm>>
    tpu.wait_indirect_dma semaphore(%arg9 : memref<!tpu.dma_semaphore, #tpu.memory_space<semaphore_mem>>) src(%dma_wait3A_327 : memref<4096x48xf32, #tpu.memory_space<hbm>>) dst(%dma_wait3A_321 : memref<128x48xf32, #tpu.memory_space<vmem>>)
    %dma_wait3A_328 = arith.constant 10 : i32
    %dma_wait3A_329 = arith.constant 1 : i32
    %dma_wait3A_330 = arith.constant 256 : i32
    %dma_wait3A_331 = arith.constant 0 : i32
    %dma_wait3A_332 = tpu.memref_slice %arg8[%dma_wait3A_329, %dma_wait3A_330, %dma_wait3A_331] : memref<2x1024x48xf32, #tpu.memory_space<vmem>> -> memref<1x128x48xf32, #tpu.memory_space<vmem>>
    %dma_wait3A_333 = tpu.memref_squeeze %dma_wait3A_332 : memref<1x128x48xf32, #tpu.memory_space<vmem>> -> memref<128x48xf32, #tpu.memory_space<vmem>>
    %dma_wait3A_334 = arith.constant 0 : i32
    %dma_wait3A_335 = tpu.memref_slice %arg7[%dma_wait3A_328, %dma_wait3A_334] : memref<16x128xi32, #tpu.memory_space<vmem>> -> memref<1x128xi32, #tpu.memory_space<vmem>>
    %dma_wait3A_336 = tpu.memref_squeeze %dma_wait3A_335 : memref<1x128xi32, #tpu.memory_space<vmem>> -> memref<128xi32, #tpu.memory_space<vmem>>
    %dma_wait3A_337 = arith.constant 0 : i32
    %dma_wait3A_338 = arith.constant 0 : i32
    %dma_wait3A_339 = tpu.memref_slice %arg2[%dma_wait3A_337, %dma_wait3A_338] : memref<4096x48xf32, #tpu.memory_space<hbm>> -> memref<4096x48xf32, #tpu.memory_space<hbm>>
    tpu.wait_indirect_dma semaphore(%arg9 : memref<!tpu.dma_semaphore, #tpu.memory_space<semaphore_mem>>) src(%dma_wait3A_339 : memref<4096x48xf32, #tpu.memory_space<hbm>>) dst(%dma_wait3A_333 : memref<128x48xf32, #tpu.memory_space<vmem>>)
    %dma_wait3A_340 = arith.constant 11 : i32
    %dma_wait3A_341 = arith.constant 1 : i32
    %dma_wait3A_342 = arith.constant 384 : i32
    %dma_wait3A_343 = arith.constant 0 : i32
    %dma_wait3A_344 = tpu.memref_slice %arg8[%dma_wait3A_341, %dma_wait3A_342, %dma_wait3A_343] : memref<2x1024x48xf32, #tpu.memory_space<vmem>> -> memref<1x128x48xf32, #tpu.memory_space<vmem>>
    %dma_wait3A_345 = tpu.memref_squeeze %dma_wait3A_344 : memref<1x128x48xf32, #tpu.memory_space<vmem>> -> memref<128x48xf32, #tpu.memory_space<vmem>>
    %dma_wait3A_346 = arith.constant 0 : i32
    %dma_wait3A_347 = tpu.memref_slice %arg7[%dma_wait3A_340, %dma_wait3A_346] : memref<16x128xi32, #tpu.memory_space<vmem>> -> memref<1x128xi32, #tpu.memory_space<vmem>>
    %dma_wait3A_348 = tpu.memref_squeeze %dma_wait3A_347 : memref<1x128xi32, #tpu.memory_space<vmem>> -> memref<128xi32, #tpu.memory_space<vmem>>
    %dma_wait3A_349 = arith.constant 0 : i32
    %dma_wait3A_350 = arith.constant 0 : i32
    %dma_wait3A_351 = tpu.memref_slice %arg2[%dma_wait3A_349, %dma_wait3A_350] : memref<4096x48xf32, #tpu.memory_space<hbm>> -> memref<4096x48xf32, #tpu.memory_space<hbm>>
    tpu.wait_indirect_dma semaphore(%arg9 : memref<!tpu.dma_semaphore, #tpu.memory_space<semaphore_mem>>) src(%dma_wait3A_351 : memref<4096x48xf32, #tpu.memory_space<hbm>>) dst(%dma_wait3A_345 : memref<128x48xf32, #tpu.memory_space<vmem>>)
    %dma_wait3A_352 = arith.constant 12 : i32
    %dma_wait3A_353 = arith.constant 1 : i32
    %dma_wait3A_354 = arith.constant 512 : i32
    %dma_wait3A_355 = arith.constant 0 : i32
    %dma_wait3A_356 = tpu.memref_slice %arg8[%dma_wait3A_353, %dma_wait3A_354, %dma_wait3A_355] : memref<2x1024x48xf32, #tpu.memory_space<vmem>> -> memref<1x128x48xf32, #tpu.memory_space<vmem>>
    %dma_wait3A_357 = tpu.memref_squeeze %dma_wait3A_356 : memref<1x128x48xf32, #tpu.memory_space<vmem>> -> memref<128x48xf32, #tpu.memory_space<vmem>>
    %dma_wait3A_358 = arith.constant 0 : i32
    %dma_wait3A_359 = tpu.memref_slice %arg7[%dma_wait3A_352, %dma_wait3A_358] : memref<16x128xi32, #tpu.memory_space<vmem>> -> memref<1x128xi32, #tpu.memory_space<vmem>>
    %dma_wait3A_360 = tpu.memref_squeeze %dma_wait3A_359 : memref<1x128xi32, #tpu.memory_space<vmem>> -> memref<128xi32, #tpu.memory_space<vmem>>
    %dma_wait3A_361 = arith.constant 0 : i32
    %dma_wait3A_362 = arith.constant 0 : i32
    %dma_wait3A_363 = tpu.memref_slice %arg2[%dma_wait3A_361, %dma_wait3A_362] : memref<4096x48xf32, #tpu.memory_space<hbm>> -> memref<4096x48xf32, #tpu.memory_space<hbm>>
    tpu.wait_indirect_dma semaphore(%arg9 : memref<!tpu.dma_semaphore, #tpu.memory_space<semaphore_mem>>) src(%dma_wait3A_363 : memref<4096x48xf32, #tpu.memory_space<hbm>>) dst(%dma_wait3A_357 : memref<128x48xf32, #tpu.memory_space<vmem>>)
    %dma_wait3A_364 = arith.constant 13 : i32
    %dma_wait3A_365 = arith.constant 1 : i32
    %dma_wait3A_366 = arith.constant 640 : i32
    %dma_wait3A_367 = arith.constant 0 : i32
    %dma_wait3A_368 = tpu.memref_slice %arg8[%dma_wait3A_365, %dma_wait3A_366, %dma_wait3A_367] : memref<2x1024x48xf32, #tpu.memory_space<vmem>> -> memref<1x128x48xf32, #tpu.memory_space<vmem>>
    %dma_wait3A_369 = tpu.memref_squeeze %dma_wait3A_368 : memref<1x128x48xf32, #tpu.memory_space<vmem>> -> memref<128x48xf32, #tpu.memory_space<vmem>>
    %dma_wait3A_370 = arith.constant 0 : i32
    %dma_wait3A_371 = tpu.memref_slice %arg7[%dma_wait3A_364, %dma_wait3A_370] : memref<16x128xi32, #tpu.memory_space<vmem>> -> memref<1x128xi32, #tpu.memory_space<vmem>>
    %dma_wait3A_372 = tpu.memref_squeeze %dma_wait3A_371 : memref<1x128xi32, #tpu.memory_space<vmem>> -> memref<128xi32, #tpu.memory_space<vmem>>
    %dma_wait3A_373 = arith.constant 0 : i32
    %dma_wait3A_374 = arith.constant 0 : i32
    %dma_wait3A_375 = tpu.memref_slice %arg2[%dma_wait3A_373, %dma_wait3A_374] : memref<4096x48xf32, #tpu.memory_space<hbm>> -> memref<4096x48xf32, #tpu.memory_space<hbm>>
    tpu.wait_indirect_dma semaphore(%arg9 : memref<!tpu.dma_semaphore, #tpu.memory_space<semaphore_mem>>) src(%dma_wait3A_375 : memref<4096x48xf32, #tpu.memory_space<hbm>>) dst(%dma_wait3A_369 : memref<128x48xf32, #tpu.memory_space<vmem>>)
    %dma_wait3A_376 = arith.constant 14 : i32
    %dma_wait3A_377 = arith.constant 1 : i32
    %dma_wait3A_378 = arith.constant 768 : i32
    %dma_wait3A_379 = arith.constant 0 : i32
    %dma_wait3A_380 = tpu.memref_slice %arg8[%dma_wait3A_377, %dma_wait3A_378, %dma_wait3A_379] : memref<2x1024x48xf32, #tpu.memory_space<vmem>> -> memref<1x128x48xf32, #tpu.memory_space<vmem>>
    %dma_wait3A_381 = tpu.memref_squeeze %dma_wait3A_380 : memref<1x128x48xf32, #tpu.memory_space<vmem>> -> memref<128x48xf32, #tpu.memory_space<vmem>>
    %dma_wait3A_382 = arith.constant 0 : i32
    %dma_wait3A_383 = tpu.memref_slice %arg7[%dma_wait3A_376, %dma_wait3A_382] : memref<16x128xi32, #tpu.memory_space<vmem>> -> memref<1x128xi32, #tpu.memory_space<vmem>>
    %dma_wait3A_384 = tpu.memref_squeeze %dma_wait3A_383 : memref<1x128xi32, #tpu.memory_space<vmem>> -> memref<128xi32, #tpu.memory_space<vmem>>
    %dma_wait3A_385 = arith.constant 0 : i32
    %dma_wait3A_386 = arith.constant 0 : i32
    %dma_wait3A_387 = tpu.memref_slice %arg2[%dma_wait3A_385, %dma_wait3A_386] : memref<4096x48xf32, #tpu.memory_space<hbm>> -> memref<4096x48xf32, #tpu.memory_space<hbm>>
    tpu.wait_indirect_dma semaphore(%arg9 : memref<!tpu.dma_semaphore, #tpu.memory_space<semaphore_mem>>) src(%dma_wait3A_387 : memref<4096x48xf32, #tpu.memory_space<hbm>>) dst(%dma_wait3A_381 : memref<128x48xf32, #tpu.memory_space<vmem>>)
    %dma_wait3A_388 = arith.constant 15 : i32
    %dma_wait3A_389 = arith.constant 1 : i32
    %dma_wait3A_390 = arith.constant 896 : i32
    %dma_wait3A_391 = arith.constant 0 : i32
    %dma_wait3A_392 = tpu.memref_slice %arg8[%dma_wait3A_389, %dma_wait3A_390, %dma_wait3A_391] : memref<2x1024x48xf32, #tpu.memory_space<vmem>> -> memref<1x128x48xf32, #tpu.memory_space<vmem>>
    %dma_wait3A_393 = tpu.memref_squeeze %dma_wait3A_392 : memref<1x128x48xf32, #tpu.memory_space<vmem>> -> memref<128x48xf32, #tpu.memory_space<vmem>>
    %dma_wait3A_394 = arith.constant 0 : i32
    %dma_wait3A_395 = tpu.memref_slice %arg7[%dma_wait3A_388, %dma_wait3A_394] : memref<16x128xi32, #tpu.memory_space<vmem>> -> memref<1x128xi32, #tpu.memory_space<vmem>>
    %dma_wait3A_396 = tpu.memref_squeeze %dma_wait3A_395 : memref<1x128xi32, #tpu.memory_space<vmem>> -> memref<128xi32, #tpu.memory_space<vmem>>
    %dma_wait3A_397 = arith.constant 0 : i32
    %dma_wait3A_398 = arith.constant 0 : i32
    %dma_wait3A_399 = tpu.memref_slice %arg2[%dma_wait3A_397, %dma_wait3A_398] : memref<4096x48xf32, #tpu.memory_space<hbm>> -> memref<4096x48xf32, #tpu.memory_space<hbm>>
    tpu.wait_indirect_dma semaphore(%arg9 : memref<!tpu.dma_semaphore, #tpu.memory_space<semaphore_mem>>) src(%dma_wait3A_399 : memref<4096x48xf32, #tpu.memory_space<hbm>>) dst(%dma_wait3A_393 : memref<128x48xf32, #tpu.memory_space<vmem>>)
    %add3A_400 = arith.constant 1024 : i32
    %add3A_401 = arith.addi %mul3A_2, %add3A_400 : i32
    %dma_start3A_402 = arith.constant 1 : i32
    %dma_start3A_403 = arith.constant 0 : i32
    %dma_start3A_404 = arith.constant 0 : i32
    %dma_start3A_405 = tpu.memref_slice %arg8[%dma_start3A_402, %dma_start3A_403, %dma_start3A_404] : memref<2x1024x48xf32, #tpu.memory_space<vmem>> -> memref<1x1024x48xf32, #tpu.memory_space<vmem>>
    %dma_start3A_406 = tpu.memref_squeeze %dma_start3A_405 : memref<1x1024x48xf32, #tpu.memory_space<vmem>> -> memref<1024x48xf32, #tpu.memory_space<vmem>>
    %dma_start3A_407 = arith.constant 0 : i32
    %dma_start3A_408 = tpu.memref_slice %arg5[%add3A_401, %dma_start3A_407] : memref<65536x128xf32, #tpu.memory_space<hbm>> -> memref<1024x48xf32, #tpu.memory_space<hbm>>
    %dma_start3A_409 = arith.constant 0 : i32
    %dma_start3A_410 = tpu.memref_slice %arg5[%add3A_401, %dma_start3A_409] : memref<65536x128xf32, #tpu.memory_space<hbm>> -> memref<1024x48xf32, #tpu.memory_space<hbm>>
    %dma_start3A_411 = arith.constant 0 : i32
    %dma_start3A_412 = arith.constant 0 : i32
    %dma_start3A_413 = tpu.memref_slice %arg8[%dma_start3A_402, %dma_start3A_411, %dma_start3A_412] : memref<2x1024x48xf32, #tpu.memory_space<vmem>> -> memref<1x1024x48xf32, #tpu.memory_space<vmem>>
    %dma_start3A_414 = tpu.memref_squeeze %dma_start3A_413 : memref<1x1024x48xf32, #tpu.memory_space<vmem>> -> memref<1024x48xf32, #tpu.memory_space<vmem>>
    tpu.enqueue_dma source(%dma_start3A_414 : memref<1024x48xf32, #tpu.memory_space<vmem>>) target(%dma_start3A_410 : memref<1024x48xf32, #tpu.memory_space<hbm>>) target_semaphore(%arg10 : memref<!tpu.dma_semaphore, #tpu.memory_space<semaphore_mem>>)
    "tpu.region"() ({
      %run_scoped3A = tpu.sem_alloc : memref<!tpu.dma_semaphore, #tpu.memory_space<semaphore_mem>>
      %dma_start3A_881 = arith.constant 0 : i32
      %dma_start3A_882 = arith.constant 0 : i32
      %dma_start3A_883 = tpu.memref_slice %arg4[%add3A, %dma_start3A_881, %dma_start3A_882] : memref<32x16x128xi32, #tpu.memory_space<hbm>> -> memref<1x16x128xi32, #tpu.memory_space<hbm>>
      %dma_start3A_884 = tpu.memref_squeeze %dma_start3A_883 : memref<1x16x128xi32, #tpu.memory_space<hbm>> -> memref<16x128xi32, #tpu.memory_space<hbm>>
      %dma_start3A_885 = arith.constant 0 : i32
      %dma_start3A_886 = arith.constant 0 : i32
      %dma_start3A_887 = tpu.memref_slice %arg4[%add3A, %dma_start3A_885, %dma_start3A_886] : memref<32x16x128xi32, #tpu.memory_space<hbm>> -> memref<1x16x128xi32, #tpu.memory_space<hbm>>
      %dma_start3A_888 = tpu.memref_squeeze %dma_start3A_887 : memref<1x16x128xi32, #tpu.memory_space<hbm>> -> memref<16x128xi32, #tpu.memory_space<hbm>>
      tpu.enqueue_dma source(%dma_start3A_888 : memref<16x128xi32, #tpu.memory_space<hbm>>) target(%arg7 : memref<16x128xi32, #tpu.memory_space<vmem>>) target_semaphore(%run_scoped3A : memref<!tpu.dma_semaphore, #tpu.memory_space<semaphore_mem>>)
      %dma_wait3A_889 = arith.constant 0 : i32
      %dma_wait3A_890 = arith.constant 0 : i32
      %dma_wait3A_891 = tpu.memref_slice %arg4[%add3A, %dma_wait3A_889, %dma_wait3A_890] : memref<32x16x128xi32, #tpu.memory_space<hbm>> -> memref<1x16x128xi32, #tpu.memory_space<hbm>>
      %dma_wait3A_892 = tpu.memref_squeeze %dma_wait3A_891 : memref<1x16x128xi32, #tpu.memory_space<hbm>> -> memref<16x128xi32, #tpu.memory_space<hbm>>
      %dma_wait3A_893 = arith.constant 0 : i32
      %dma_wait3A_894 = arith.constant 0 : i32
      %dma_wait3A_895 = tpu.memref_slice %arg4[%add3A, %dma_wait3A_893, %dma_wait3A_894] : memref<32x16x128xi32, #tpu.memory_space<hbm>> -> memref<1x16x128xi32, #tpu.memory_space<hbm>>
      %dma_wait3A_896 = tpu.memref_squeeze %dma_wait3A_895 : memref<1x16x128xi32, #tpu.memory_space<hbm>> -> memref<16x128xi32, #tpu.memory_space<hbm>>
      tpu.wait_dma2 semaphore(%run_scoped3A : memref<!tpu.dma_semaphore, #tpu.memory_space<semaphore_mem>>) src(%dma_wait3A_896 : memref<16x128xi32, #tpu.memory_space<hbm>>) dst(%arg7 : memref<16x128xi32, #tpu.memory_space<vmem>>)
      tpu.yield
    }) : () -> ()
    %dma_wait3A_415 = arith.constant 0 : i32
    %dma_wait3A_416 = arith.constant 0 : i32
    %dma_wait3A_417 = arith.constant 0 : i32
    %dma_wait3A_418 = tpu.memref_slice %arg8[%dma_wait3A_415, %dma_wait3A_416, %dma_wait3A_417] : memref<2x1024x48xf32, #tpu.memory_space<vmem>> -> memref<1x1024x48xf32, #tpu.memory_space<vmem>>
    %dma_wait3A_419 = tpu.memref_squeeze %dma_wait3A_418 : memref<1x1024x48xf32, #tpu.memory_space<vmem>> -> memref<1024x48xf32, #tpu.memory_space<vmem>>
    %dma_wait3A_420 = arith.constant 0 : i32
    %dma_wait3A_421 = tpu.memref_slice %arg5[%add3A_194, %dma_wait3A_420] : memref<65536x128xf32, #tpu.memory_space<hbm>> -> memref<1024x48xf32, #tpu.memory_space<hbm>>
    %dma_wait3A_422 = arith.constant 0 : i32
    %dma_wait3A_423 = tpu.memref_slice %arg5[%add3A_194, %dma_wait3A_422] : memref<65536x128xf32, #tpu.memory_space<hbm>> -> memref<1024x48xf32, #tpu.memory_space<hbm>>
    %dma_wait3A_424 = arith.constant 0 : i32
    %dma_wait3A_425 = arith.constant 0 : i32
    %dma_wait3A_426 = tpu.memref_slice %arg8[%dma_wait3A_415, %dma_wait3A_424, %dma_wait3A_425] : memref<2x1024x48xf32, #tpu.memory_space<vmem>> -> memref<1x1024x48xf32, #tpu.memory_space<vmem>>
    %dma_wait3A_427 = tpu.memref_squeeze %dma_wait3A_426 : memref<1x1024x48xf32, #tpu.memory_space<vmem>> -> memref<1024x48xf32, #tpu.memory_space<vmem>>
    tpu.wait_dma2 semaphore(%arg10 : memref<!tpu.dma_semaphore, #tpu.memory_space<semaphore_mem>>) src(%dma_wait3A_427 : memref<1024x48xf32, #tpu.memory_space<vmem>>) dst(%dma_wait3A_423 : memref<1024x48xf32, #tpu.memory_space<hbm>>)
    %dma_start3A_428 = arith.constant 0 : i32
    %dma_start3A_429 = arith.constant 0 : i32
    %dma_start3A_430 = arith.constant 0 : i32
    %dma_start3A_431 = arith.constant 0 : i32
    %dma_start3A_432 = tpu.memref_slice %arg8[%dma_start3A_429, %dma_start3A_430, %dma_start3A_431] : memref<2x1024x48xf32, #tpu.memory_space<vmem>> -> memref<1x128x48xf32, #tpu.memory_space<vmem>>
    %dma_start3A_433 = tpu.memref_squeeze %dma_start3A_432 : memref<1x128x48xf32, #tpu.memory_space<vmem>> -> memref<128x48xf32, #tpu.memory_space<vmem>>
    %dma_start3A_434 = arith.constant 0 : i32
    %dma_start3A_435 = tpu.memref_slice %arg7[%dma_start3A_428, %dma_start3A_434] : memref<16x128xi32, #tpu.memory_space<vmem>> -> memref<1x128xi32, #tpu.memory_space<vmem>>
    %dma_start3A_436 = tpu.memref_squeeze %dma_start3A_435 : memref<1x128xi32, #tpu.memory_space<vmem>> -> memref<128xi32, #tpu.memory_space<vmem>>
    %dma_start3A_437 = arith.constant 0 : i32
    %dma_start3A_438 = arith.constant 0 : i32
    %dma_start3A_439 = tpu.memref_slice %arg2[%dma_start3A_437, %dma_start3A_438] : memref<4096x48xf32, #tpu.memory_space<hbm>> -> memref<4096x48xf32, #tpu.memory_space<hbm>>
    tpu.enqueue_indirect_dma source(%dma_start3A_439 : memref<4096x48xf32, #tpu.memory_space<hbm>>) target(%dma_start3A_433 : memref<128x48xf32, #tpu.memory_space<vmem>>) offsets(%dma_start3A_436 : memref<128xi32, #tpu.memory_space<vmem>>) semaphore(%arg9 : memref<!tpu.dma_semaphore, #tpu.memory_space<semaphore_mem>>)
    %dma_start3A_440 = arith.constant 1 : i32
    %dma_start3A_441 = arith.constant 0 : i32
    %dma_start3A_442 = arith.constant 128 : i32
    %dma_start3A_443 = arith.constant 0 : i32
    %dma_start3A_444 = tpu.memref_slice %arg8[%dma_start3A_441, %dma_start3A_442, %dma_start3A_443] : memref<2x1024x48xf32, #tpu.memory_space<vmem>> -> memref<1x128x48xf32, #tpu.memory_space<vmem>>
    %dma_start3A_445 = tpu.memref_squeeze %dma_start3A_444 : memref<1x128x48xf32, #tpu.memory_space<vmem>> -> memref<128x48xf32, #tpu.memory_space<vmem>>
    %dma_start3A_446 = arith.constant 0 : i32
    %dma_start3A_447 = tpu.memref_slice %arg7[%dma_start3A_440, %dma_start3A_446] : memref<16x128xi32, #tpu.memory_space<vmem>> -> memref<1x128xi32, #tpu.memory_space<vmem>>
    %dma_start3A_448 = tpu.memref_squeeze %dma_start3A_447 : memref<1x128xi32, #tpu.memory_space<vmem>> -> memref<128xi32, #tpu.memory_space<vmem>>
    %dma_start3A_449 = arith.constant 0 : i32
    %dma_start3A_450 = arith.constant 0 : i32
    %dma_start3A_451 = tpu.memref_slice %arg2[%dma_start3A_449, %dma_start3A_450] : memref<4096x48xf32, #tpu.memory_space<hbm>> -> memref<4096x48xf32, #tpu.memory_space<hbm>>
    tpu.enqueue_indirect_dma source(%dma_start3A_451 : memref<4096x48xf32, #tpu.memory_space<hbm>>) target(%dma_start3A_445 : memref<128x48xf32, #tpu.memory_space<vmem>>) offsets(%dma_start3A_448 : memref<128xi32, #tpu.memory_space<vmem>>) semaphore(%arg9 : memref<!tpu.dma_semaphore, #tpu.memory_space<semaphore_mem>>)
    %dma_start3A_452 = arith.constant 2 : i32
    %dma_start3A_453 = arith.constant 0 : i32
    %dma_start3A_454 = arith.constant 256 : i32
    %dma_start3A_455 = arith.constant 0 : i32
    %dma_start3A_456 = tpu.memref_slice %arg8[%dma_start3A_453, %dma_start3A_454, %dma_start3A_455] : memref<2x1024x48xf32, #tpu.memory_space<vmem>> -> memref<1x128x48xf32, #tpu.memory_space<vmem>>
    %dma_start3A_457 = tpu.memref_squeeze %dma_start3A_456 : memref<1x128x48xf32, #tpu.memory_space<vmem>> -> memref<128x48xf32, #tpu.memory_space<vmem>>
    %dma_start3A_458 = arith.constant 0 : i32
    %dma_start3A_459 = tpu.memref_slice %arg7[%dma_start3A_452, %dma_start3A_458] : memref<16x128xi32, #tpu.memory_space<vmem>> -> memref<1x128xi32, #tpu.memory_space<vmem>>
    %dma_start3A_460 = tpu.memref_squeeze %dma_start3A_459 : memref<1x128xi32, #tpu.memory_space<vmem>> -> memref<128xi32, #tpu.memory_space<vmem>>
    %dma_start3A_461 = arith.constant 0 : i32
    %dma_start3A_462 = arith.constant 0 : i32
    %dma_start3A_463 = tpu.memref_slice %arg2[%dma_start3A_461, %dma_start3A_462] : memref<4096x48xf32, #tpu.memory_space<hbm>> -> memref<4096x48xf32, #tpu.memory_space<hbm>>
    tpu.enqueue_indirect_dma source(%dma_start3A_463 : memref<4096x48xf32, #tpu.memory_space<hbm>>) target(%dma_start3A_457 : memref<128x48xf32, #tpu.memory_space<vmem>>) offsets(%dma_start3A_460 : memref<128xi32, #tpu.memory_space<vmem>>) semaphore(%arg9 : memref<!tpu.dma_semaphore, #tpu.memory_space<semaphore_mem>>)
    %dma_start3A_464 = arith.constant 3 : i32
    %dma_start3A_465 = arith.constant 0 : i32
    %dma_start3A_466 = arith.constant 384 : i32
    %dma_start3A_467 = arith.constant 0 : i32
    %dma_start3A_468 = tpu.memref_slice %arg8[%dma_start3A_465, %dma_start3A_466, %dma_start3A_467] : memref<2x1024x48xf32, #tpu.memory_space<vmem>> -> memref<1x128x48xf32, #tpu.memory_space<vmem>>
    %dma_start3A_469 = tpu.memref_squeeze %dma_start3A_468 : memref<1x128x48xf32, #tpu.memory_space<vmem>> -> memref<128x48xf32, #tpu.memory_space<vmem>>
    %dma_start3A_470 = arith.constant 0 : i32
    %dma_start3A_471 = tpu.memref_slice %arg7[%dma_start3A_464, %dma_start3A_470] : memref<16x128xi32, #tpu.memory_space<vmem>> -> memref<1x128xi32, #tpu.memory_space<vmem>>
    %dma_start3A_472 = tpu.memref_squeeze %dma_start3A_471 : memref<1x128xi32, #tpu.memory_space<vmem>> -> memref<128xi32, #tpu.memory_space<vmem>>
    %dma_start3A_473 = arith.constant 0 : i32
    %dma_start3A_474 = arith.constant 0 : i32
    %dma_start3A_475 = tpu.memref_slice %arg2[%dma_start3A_473, %dma_start3A_474] : memref<4096x48xf32, #tpu.memory_space<hbm>> -> memref<4096x48xf32, #tpu.memory_space<hbm>>
    tpu.enqueue_indirect_dma source(%dma_start3A_475 : memref<4096x48xf32, #tpu.memory_space<hbm>>) target(%dma_start3A_469 : memref<128x48xf32, #tpu.memory_space<vmem>>) offsets(%dma_start3A_472 : memref<128xi32, #tpu.memory_space<vmem>>) semaphore(%arg9 : memref<!tpu.dma_semaphore, #tpu.memory_space<semaphore_mem>>)
    %dma_start3A_476 = arith.constant 4 : i32
    %dma_start3A_477 = arith.constant 0 : i32
    %dma_start3A_478 = arith.constant 512 : i32
    %dma_start3A_479 = arith.constant 0 : i32
    %dma_start3A_480 = tpu.memref_slice %arg8[%dma_start3A_477, %dma_start3A_478, %dma_start3A_479] : memref<2x1024x48xf32, #tpu.memory_space<vmem>> -> memref<1x128x48xf32, #tpu.memory_space<vmem>>
    %dma_start3A_481 = tpu.memref_squeeze %dma_start3A_480 : memref<1x128x48xf32, #tpu.memory_space<vmem>> -> memref<128x48xf32, #tpu.memory_space<vmem>>
    %dma_start3A_482 = arith.constant 0 : i32
    %dma_start3A_483 = tpu.memref_slice %arg7[%dma_start3A_476, %dma_start3A_482] : memref<16x128xi32, #tpu.memory_space<vmem>> -> memref<1x128xi32, #tpu.memory_space<vmem>>
    %dma_start3A_484 = tpu.memref_squeeze %dma_start3A_483 : memref<1x128xi32, #tpu.memory_space<vmem>> -> memref<128xi32, #tpu.memory_space<vmem>>
    %dma_start3A_485 = arith.constant 0 : i32
    %dma_start3A_486 = arith.constant 0 : i32
    %dma_start3A_487 = tpu.memref_slice %arg2[%dma_start3A_485, %dma_start3A_486] : memref<4096x48xf32, #tpu.memory_space<hbm>> -> memref<4096x48xf32, #tpu.memory_space<hbm>>
    tpu.enqueue_indirect_dma source(%dma_start3A_487 : memref<4096x48xf32, #tpu.memory_space<hbm>>) target(%dma_start3A_481 : memref<128x48xf32, #tpu.memory_space<vmem>>) offsets(%dma_start3A_484 : memref<128xi32, #tpu.memory_space<vmem>>) semaphore(%arg9 : memref<!tpu.dma_semaphore, #tpu.memory_space<semaphore_mem>>)
    %dma_start3A_488 = arith.constant 5 : i32
    %dma_start3A_489 = arith.constant 0 : i32
    %dma_start3A_490 = arith.constant 640 : i32
    %dma_start3A_491 = arith.constant 0 : i32
    %dma_start3A_492 = tpu.memref_slice %arg8[%dma_start3A_489, %dma_start3A_490, %dma_start3A_491] : memref<2x1024x48xf32, #tpu.memory_space<vmem>> -> memref<1x128x48xf32, #tpu.memory_space<vmem>>
    %dma_start3A_493 = tpu.memref_squeeze %dma_start3A_492 : memref<1x128x48xf32, #tpu.memory_space<vmem>> -> memref<128x48xf32, #tpu.memory_space<vmem>>
    %dma_start3A_494 = arith.constant 0 : i32
    %dma_start3A_495 = tpu.memref_slice %arg7[%dma_start3A_488, %dma_start3A_494] : memref<16x128xi32, #tpu.memory_space<vmem>> -> memref<1x128xi32, #tpu.memory_space<vmem>>
    %dma_start3A_496 = tpu.memref_squeeze %dma_start3A_495 : memref<1x128xi32, #tpu.memory_space<vmem>> -> memref<128xi32, #tpu.memory_space<vmem>>
    %dma_start3A_497 = arith.constant 0 : i32
    %dma_start3A_498 = arith.constant 0 : i32
    %dma_start3A_499 = tpu.memref_slice %arg2[%dma_start3A_497, %dma_start3A_498] : memref<4096x48xf32, #tpu.memory_space<hbm>> -> memref<4096x48xf32, #tpu.memory_space<hbm>>
    tpu.enqueue_indirect_dma source(%dma_start3A_499 : memref<4096x48xf32, #tpu.memory_space<hbm>>) target(%dma_start3A_493 : memref<128x48xf32, #tpu.memory_space<vmem>>) offsets(%dma_start3A_496 : memref<128xi32, #tpu.memory_space<vmem>>) semaphore(%arg9 : memref<!tpu.dma_semaphore, #tpu.memory_space<semaphore_mem>>)
    %dma_start3A_500 = arith.constant 6 : i32
    %dma_start3A_501 = arith.constant 0 : i32
    %dma_start3A_502 = arith.constant 768 : i32
    %dma_start3A_503 = arith.constant 0 : i32
    %dma_start3A_504 = tpu.memref_slice %arg8[%dma_start3A_501, %dma_start3A_502, %dma_start3A_503] : memref<2x1024x48xf32, #tpu.memory_space<vmem>> -> memref<1x128x48xf32, #tpu.memory_space<vmem>>
    %dma_start3A_505 = tpu.memref_squeeze %dma_start3A_504 : memref<1x128x48xf32, #tpu.memory_space<vmem>> -> memref<128x48xf32, #tpu.memory_space<vmem>>
    %dma_start3A_506 = arith.constant 0 : i32
    %dma_start3A_507 = tpu.memref_slice %arg7[%dma_start3A_500, %dma_start3A_506] : memref<16x128xi32, #tpu.memory_space<vmem>> -> memref<1x128xi32, #tpu.memory_space<vmem>>
    %dma_start3A_508 = tpu.memref_squeeze %dma_start3A_507 : memref<1x128xi32, #tpu.memory_space<vmem>> -> memref<128xi32, #tpu.memory_space<vmem>>
    %dma_start3A_509 = arith.constant 0 : i32
    %dma_start3A_510 = arith.constant 0 : i32
    %dma_start3A_511 = tpu.memref_slice %arg2[%dma_start3A_509, %dma_start3A_510] : memref<4096x48xf32, #tpu.memory_space<hbm>> -> memref<4096x48xf32, #tpu.memory_space<hbm>>
    tpu.enqueue_indirect_dma source(%dma_start3A_511 : memref<4096x48xf32, #tpu.memory_space<hbm>>) target(%dma_start3A_505 : memref<128x48xf32, #tpu.memory_space<vmem>>) offsets(%dma_start3A_508 : memref<128xi32, #tpu.memory_space<vmem>>) semaphore(%arg9 : memref<!tpu.dma_semaphore, #tpu.memory_space<semaphore_mem>>)
    %dma_start3A_512 = arith.constant 7 : i32
    %dma_start3A_513 = arith.constant 0 : i32
    %dma_start3A_514 = arith.constant 896 : i32
    %dma_start3A_515 = arith.constant 0 : i32
    %dma_start3A_516 = tpu.memref_slice %arg8[%dma_start3A_513, %dma_start3A_514, %dma_start3A_515] : memref<2x1024x48xf32, #tpu.memory_space<vmem>> -> memref<1x128x48xf32, #tpu.memory_space<vmem>>
    %dma_start3A_517 = tpu.memref_squeeze %dma_start3A_516 : memref<1x128x48xf32, #tpu.memory_space<vmem>> -> memref<128x48xf32, #tpu.memory_space<vmem>>
    %dma_start3A_518 = arith.constant 0 : i32
    %dma_start3A_519 = tpu.memref_slice %arg7[%dma_start3A_512, %dma_start3A_518] : memref<16x128xi32, #tpu.memory_space<vmem>> -> memref<1x128xi32, #tpu.memory_space<vmem>>
    %dma_start3A_520 = tpu.memref_squeeze %dma_start3A_519 : memref<1x128xi32, #tpu.memory_space<vmem>> -> memref<128xi32, #tpu.memory_space<vmem>>
    %dma_start3A_521 = arith.constant 0 : i32
    %dma_start3A_522 = arith.constant 0 : i32
    %dma_start3A_523 = tpu.memref_slice %arg2[%dma_start3A_521, %dma_start3A_522] : memref<4096x48xf32, #tpu.memory_space<hbm>> -> memref<4096x48xf32, #tpu.memory_space<hbm>>
    tpu.enqueue_indirect_dma source(%dma_start3A_523 : memref<4096x48xf32, #tpu.memory_space<hbm>>) target(%dma_start3A_517 : memref<128x48xf32, #tpu.memory_space<vmem>>) offsets(%dma_start3A_520 : memref<128xi32, #tpu.memory_space<vmem>>) semaphore(%arg9 : memref<!tpu.dma_semaphore, #tpu.memory_space<semaphore_mem>>)
    %dma_wait3A_524 = arith.constant 0 : i32
    %dma_wait3A_525 = arith.constant 0 : i32
    %dma_wait3A_526 = arith.constant 0 : i32
    %dma_wait3A_527 = arith.constant 0 : i32
    %dma_wait3A_528 = tpu.memref_slice %arg8[%dma_wait3A_525, %dma_wait3A_526, %dma_wait3A_527] : memref<2x1024x48xf32, #tpu.memory_space<vmem>> -> memref<1x128x48xf32, #tpu.memory_space<vmem>>
    %dma_wait3A_529 = tpu.memref_squeeze %dma_wait3A_528 : memref<1x128x48xf32, #tpu.memory_space<vmem>> -> memref<128x48xf32, #tpu.memory_space<vmem>>
    %dma_wait3A_530 = arith.constant 0 : i32
    %dma_wait3A_531 = tpu.memref_slice %arg7[%dma_wait3A_524, %dma_wait3A_530] : memref<16x128xi32, #tpu.memory_space<vmem>> -> memref<1x128xi32, #tpu.memory_space<vmem>>
    %dma_wait3A_532 = tpu.memref_squeeze %dma_wait3A_531 : memref<1x128xi32, #tpu.memory_space<vmem>> -> memref<128xi32, #tpu.memory_space<vmem>>
    %dma_wait3A_533 = arith.constant 0 : i32
    %dma_wait3A_534 = arith.constant 0 : i32
    %dma_wait3A_535 = tpu.memref_slice %arg2[%dma_wait3A_533, %dma_wait3A_534] : memref<4096x48xf32, #tpu.memory_space<hbm>> -> memref<4096x48xf32, #tpu.memory_space<hbm>>
    tpu.wait_indirect_dma semaphore(%arg9 : memref<!tpu.dma_semaphore, #tpu.memory_space<semaphore_mem>>) src(%dma_wait3A_535 : memref<4096x48xf32, #tpu.memory_space<hbm>>) dst(%dma_wait3A_529 : memref<128x48xf32, #tpu.memory_space<vmem>>)
    %dma_wait3A_536 = arith.constant 1 : i32
    %dma_wait3A_537 = arith.constant 0 : i32
    %dma_wait3A_538 = arith.constant 128 : i32
    %dma_wait3A_539 = arith.constant 0 : i32
    %dma_wait3A_540 = tpu.memref_slice %arg8[%dma_wait3A_537, %dma_wait3A_538, %dma_wait3A_539] : memref<2x1024x48xf32, #tpu.memory_space<vmem>> -> memref<1x128x48xf32, #tpu.memory_space<vmem>>
    %dma_wait3A_541 = tpu.memref_squeeze %dma_wait3A_540 : memref<1x128x48xf32, #tpu.memory_space<vmem>> -> memref<128x48xf32, #tpu.memory_space<vmem>>
    %dma_wait3A_542 = arith.constant 0 : i32
    %dma_wait3A_543 = tpu.memref_slice %arg7[%dma_wait3A_536, %dma_wait3A_542] : memref<16x128xi32, #tpu.memory_space<vmem>> -> memref<1x128xi32, #tpu.memory_space<vmem>>
    %dma_wait3A_544 = tpu.memref_squeeze %dma_wait3A_543 : memref<1x128xi32, #tpu.memory_space<vmem>> -> memref<128xi32, #tpu.memory_space<vmem>>
    %dma_wait3A_545 = arith.constant 0 : i32
    %dma_wait3A_546 = arith.constant 0 : i32
    %dma_wait3A_547 = tpu.memref_slice %arg2[%dma_wait3A_545, %dma_wait3A_546] : memref<4096x48xf32, #tpu.memory_space<hbm>> -> memref<4096x48xf32, #tpu.memory_space<hbm>>
    tpu.wait_indirect_dma semaphore(%arg9 : memref<!tpu.dma_semaphore, #tpu.memory_space<semaphore_mem>>) src(%dma_wait3A_547 : memref<4096x48xf32, #tpu.memory_space<hbm>>) dst(%dma_wait3A_541 : memref<128x48xf32, #tpu.memory_space<vmem>>)
    %dma_wait3A_548 = arith.constant 2 : i32
    %dma_wait3A_549 = arith.constant 0 : i32
    %dma_wait3A_550 = arith.constant 256 : i32
    %dma_wait3A_551 = arith.constant 0 : i32
    %dma_wait3A_552 = tpu.memref_slice %arg8[%dma_wait3A_549, %dma_wait3A_550, %dma_wait3A_551] : memref<2x1024x48xf32, #tpu.memory_space<vmem>> -> memref<1x128x48xf32, #tpu.memory_space<vmem>>
    %dma_wait3A_553 = tpu.memref_squeeze %dma_wait3A_552 : memref<1x128x48xf32, #tpu.memory_space<vmem>> -> memref<128x48xf32, #tpu.memory_space<vmem>>
    %dma_wait3A_554 = arith.constant 0 : i32
    %dma_wait3A_555 = tpu.memref_slice %arg7[%dma_wait3A_548, %dma_wait3A_554] : memref<16x128xi32, #tpu.memory_space<vmem>> -> memref<1x128xi32, #tpu.memory_space<vmem>>
    %dma_wait3A_556 = tpu.memref_squeeze %dma_wait3A_555 : memref<1x128xi32, #tpu.memory_space<vmem>> -> memref<128xi32, #tpu.memory_space<vmem>>
    %dma_wait3A_557 = arith.constant 0 : i32
    %dma_wait3A_558 = arith.constant 0 : i32
    %dma_wait3A_559 = tpu.memref_slice %arg2[%dma_wait3A_557, %dma_wait3A_558] : memref<4096x48xf32, #tpu.memory_space<hbm>> -> memref<4096x48xf32, #tpu.memory_space<hbm>>
    tpu.wait_indirect_dma semaphore(%arg9 : memref<!tpu.dma_semaphore, #tpu.memory_space<semaphore_mem>>) src(%dma_wait3A_559 : memref<4096x48xf32, #tpu.memory_space<hbm>>) dst(%dma_wait3A_553 : memref<128x48xf32, #tpu.memory_space<vmem>>)
    %dma_wait3A_560 = arith.constant 3 : i32
    %dma_wait3A_561 = arith.constant 0 : i32
    %dma_wait3A_562 = arith.constant 384 : i32
    %dma_wait3A_563 = arith.constant 0 : i32
    %dma_wait3A_564 = tpu.memref_slice %arg8[%dma_wait3A_561, %dma_wait3A_562, %dma_wait3A_563] : memref<2x1024x48xf32, #tpu.memory_space<vmem>> -> memref<1x128x48xf32, #tpu.memory_space<vmem>>
    %dma_wait3A_565 = tpu.memref_squeeze %dma_wait3A_564 : memref<1x128x48xf32, #tpu.memory_space<vmem>> -> memref<128x48xf32, #tpu.memory_space<vmem>>
    %dma_wait3A_566 = arith.constant 0 : i32
    %dma_wait3A_567 = tpu.memref_slice %arg7[%dma_wait3A_560, %dma_wait3A_566] : memref<16x128xi32, #tpu.memory_space<vmem>> -> memref<1x128xi32, #tpu.memory_space<vmem>>
    %dma_wait3A_568 = tpu.memref_squeeze %dma_wait3A_567 : memref<1x128xi32, #tpu.memory_space<vmem>> -> memref<128xi32, #tpu.memory_space<vmem>>
    %dma_wait3A_569 = arith.constant 0 : i32
    %dma_wait3A_570 = arith.constant 0 : i32
    %dma_wait3A_571 = tpu.memref_slice %arg2[%dma_wait3A_569, %dma_wait3A_570] : memref<4096x48xf32, #tpu.memory_space<hbm>> -> memref<4096x48xf32, #tpu.memory_space<hbm>>
    tpu.wait_indirect_dma semaphore(%arg9 : memref<!tpu.dma_semaphore, #tpu.memory_space<semaphore_mem>>) src(%dma_wait3A_571 : memref<4096x48xf32, #tpu.memory_space<hbm>>) dst(%dma_wait3A_565 : memref<128x48xf32, #tpu.memory_space<vmem>>)
    %dma_wait3A_572 = arith.constant 4 : i32
    %dma_wait3A_573 = arith.constant 0 : i32
    %dma_wait3A_574 = arith.constant 512 : i32
    %dma_wait3A_575 = arith.constant 0 : i32
    %dma_wait3A_576 = tpu.memref_slice %arg8[%dma_wait3A_573, %dma_wait3A_574, %dma_wait3A_575] : memref<2x1024x48xf32, #tpu.memory_space<vmem>> -> memref<1x128x48xf32, #tpu.memory_space<vmem>>
    %dma_wait3A_577 = tpu.memref_squeeze %dma_wait3A_576 : memref<1x128x48xf32, #tpu.memory_space<vmem>> -> memref<128x48xf32, #tpu.memory_space<vmem>>
    %dma_wait3A_578 = arith.constant 0 : i32
    %dma_wait3A_579 = tpu.memref_slice %arg7[%dma_wait3A_572, %dma_wait3A_578] : memref<16x128xi32, #tpu.memory_space<vmem>> -> memref<1x128xi32, #tpu.memory_space<vmem>>
    %dma_wait3A_580 = tpu.memref_squeeze %dma_wait3A_579 : memref<1x128xi32, #tpu.memory_space<vmem>> -> memref<128xi32, #tpu.memory_space<vmem>>
    %dma_wait3A_581 = arith.constant 0 : i32
    %dma_wait3A_582 = arith.constant 0 : i32
    %dma_wait3A_583 = tpu.memref_slice %arg2[%dma_wait3A_581, %dma_wait3A_582] : memref<4096x48xf32, #tpu.memory_space<hbm>> -> memref<4096x48xf32, #tpu.memory_space<hbm>>
    tpu.wait_indirect_dma semaphore(%arg9 : memref<!tpu.dma_semaphore, #tpu.memory_space<semaphore_mem>>) src(%dma_wait3A_583 : memref<4096x48xf32, #tpu.memory_space<hbm>>) dst(%dma_wait3A_577 : memref<128x48xf32, #tpu.memory_space<vmem>>)
    %dma_wait3A_584 = arith.constant 5 : i32
    %dma_wait3A_585 = arith.constant 0 : i32
    %dma_wait3A_586 = arith.constant 640 : i32
    %dma_wait3A_587 = arith.constant 0 : i32
    %dma_wait3A_588 = tpu.memref_slice %arg8[%dma_wait3A_585, %dma_wait3A_586, %dma_wait3A_587] : memref<2x1024x48xf32, #tpu.memory_space<vmem>> -> memref<1x128x48xf32, #tpu.memory_space<vmem>>
    %dma_wait3A_589 = tpu.memref_squeeze %dma_wait3A_588 : memref<1x128x48xf32, #tpu.memory_space<vmem>> -> memref<128x48xf32, #tpu.memory_space<vmem>>
    %dma_wait3A_590 = arith.constant 0 : i32
    %dma_wait3A_591 = tpu.memref_slice %arg7[%dma_wait3A_584, %dma_wait3A_590] : memref<16x128xi32, #tpu.memory_space<vmem>> -> memref<1x128xi32, #tpu.memory_space<vmem>>
    %dma_wait3A_592 = tpu.memref_squeeze %dma_wait3A_591 : memref<1x128xi32, #tpu.memory_space<vmem>> -> memref<128xi32, #tpu.memory_space<vmem>>
    %dma_wait3A_593 = arith.constant 0 : i32
    %dma_wait3A_594 = arith.constant 0 : i32
    %dma_wait3A_595 = tpu.memref_slice %arg2[%dma_wait3A_593, %dma_wait3A_594] : memref<4096x48xf32, #tpu.memory_space<hbm>> -> memref<4096x48xf32, #tpu.memory_space<hbm>>
    tpu.wait_indirect_dma semaphore(%arg9 : memref<!tpu.dma_semaphore, #tpu.memory_space<semaphore_mem>>) src(%dma_wait3A_595 : memref<4096x48xf32, #tpu.memory_space<hbm>>) dst(%dma_wait3A_589 : memref<128x48xf32, #tpu.memory_space<vmem>>)
    %dma_wait3A_596 = arith.constant 6 : i32
    %dma_wait3A_597 = arith.constant 0 : i32
    %dma_wait3A_598 = arith.constant 768 : i32
    %dma_wait3A_599 = arith.constant 0 : i32
    %dma_wait3A_600 = tpu.memref_slice %arg8[%dma_wait3A_597, %dma_wait3A_598, %dma_wait3A_599] : memref<2x1024x48xf32, #tpu.memory_space<vmem>> -> memref<1x128x48xf32, #tpu.memory_space<vmem>>
    %dma_wait3A_601 = tpu.memref_squeeze %dma_wait3A_600 : memref<1x128x48xf32, #tpu.memory_space<vmem>> -> memref<128x48xf32, #tpu.memory_space<vmem>>
    %dma_wait3A_602 = arith.constant 0 : i32
    %dma_wait3A_603 = tpu.memref_slice %arg7[%dma_wait3A_596, %dma_wait3A_602] : memref<16x128xi32, #tpu.memory_space<vmem>> -> memref<1x128xi32, #tpu.memory_space<vmem>>
    %dma_wait3A_604 = tpu.memref_squeeze %dma_wait3A_603 : memref<1x128xi32, #tpu.memory_space<vmem>> -> memref<128xi32, #tpu.memory_space<vmem>>
    %dma_wait3A_605 = arith.constant 0 : i32
    %dma_wait3A_606 = arith.constant 0 : i32
    %dma_wait3A_607 = tpu.memref_slice %arg2[%dma_wait3A_605, %dma_wait3A_606] : memref<4096x48xf32, #tpu.memory_space<hbm>> -> memref<4096x48xf32, #tpu.memory_space<hbm>>
    tpu.wait_indirect_dma semaphore(%arg9 : memref<!tpu.dma_semaphore, #tpu.memory_space<semaphore_mem>>) src(%dma_wait3A_607 : memref<4096x48xf32, #tpu.memory_space<hbm>>) dst(%dma_wait3A_601 : memref<128x48xf32, #tpu.memory_space<vmem>>)
    %dma_wait3A_608 = arith.constant 7 : i32
    %dma_wait3A_609 = arith.constant 0 : i32
    %dma_wait3A_610 = arith.constant 896 : i32
    %dma_wait3A_611 = arith.constant 0 : i32
    %dma_wait3A_612 = tpu.memref_slice %arg8[%dma_wait3A_609, %dma_wait3A_610, %dma_wait3A_611] : memref<2x1024x48xf32, #tpu.memory_space<vmem>> -> memref<1x128x48xf32, #tpu.memory_space<vmem>>
    %dma_wait3A_613 = tpu.memref_squeeze %dma_wait3A_612 : memref<1x128x48xf32, #tpu.memory_space<vmem>> -> memref<128x48xf32, #tpu.memory_space<vmem>>
    %dma_wait3A_614 = arith.constant 0 : i32
    %dma_wait3A_615 = tpu.memref_slice %arg7[%dma_wait3A_608, %dma_wait3A_614] : memref<16x128xi32, #tpu.memory_space<vmem>> -> memref<1x128xi32, #tpu.memory_space<vmem>>
    %dma_wait3A_616 = tpu.memref_squeeze %dma_wait3A_615 : memref<1x128xi32, #tpu.memory_space<vmem>> -> memref<128xi32, #tpu.memory_space<vmem>>
    %dma_wait3A_617 = arith.constant 0 : i32
    %dma_wait3A_618 = arith.constant 0 : i32
    %dma_wait3A_619 = tpu.memref_slice %arg2[%dma_wait3A_617, %dma_wait3A_618] : memref<4096x48xf32, #tpu.memory_space<hbm>> -> memref<4096x48xf32, #tpu.memory_space<hbm>>
    tpu.wait_indirect_dma semaphore(%arg9 : memref<!tpu.dma_semaphore, #tpu.memory_space<semaphore_mem>>) src(%dma_wait3A_619 : memref<4096x48xf32, #tpu.memory_space<hbm>>) dst(%dma_wait3A_613 : memref<128x48xf32, #tpu.memory_space<vmem>>)
    %add3A_620 = arith.constant 0 : i32
    %add3A_621 = arith.addi %mul3A_2, %add3A_620 : i32
    %dma_start3A_622 = arith.constant 0 : i32
    %dma_start3A_623 = arith.constant 0 : i32
    %dma_start3A_624 = arith.constant 0 : i32
    %dma_start3A_625 = tpu.memref_slice %arg8[%dma_start3A_622, %dma_start3A_623, %dma_start3A_624] : memref<2x1024x48xf32, #tpu.memory_space<vmem>> -> memref<1x1024x48xf32, #tpu.memory_space<vmem>>
    %dma_start3A_626 = tpu.memref_squeeze %dma_start3A_625 : memref<1x1024x48xf32, #tpu.memory_space<vmem>> -> memref<1024x48xf32, #tpu.memory_space<vmem>>
    %dma_start3A_627 = arith.constant 0 : i32
    %dma_start3A_628 = tpu.memref_slice %arg6[%add3A_621, %dma_start3A_627] : memref<65536x128xf32, #tpu.memory_space<hbm>> -> memref<1024x48xf32, #tpu.memory_space<hbm>>
    %dma_start3A_629 = arith.constant 0 : i32
    %dma_start3A_630 = tpu.memref_slice %arg6[%add3A_621, %dma_start3A_629] : memref<65536x128xf32, #tpu.memory_space<hbm>> -> memref<1024x48xf32, #tpu.memory_space<hbm>>
    %dma_start3A_631 = arith.constant 0 : i32
    %dma_start3A_632 = arith.constant 0 : i32
    %dma_start3A_633 = tpu.memref_slice %arg8[%dma_start3A_622, %dma_start3A_631, %dma_start3A_632] : memref<2x1024x48xf32, #tpu.memory_space<vmem>> -> memref<1x1024x48xf32, #tpu.memory_space<vmem>>
    %dma_start3A_634 = tpu.memref_squeeze %dma_start3A_633 : memref<1x1024x48xf32, #tpu.memory_space<vmem>> -> memref<1024x48xf32, #tpu.memory_space<vmem>>
    tpu.enqueue_dma source(%dma_start3A_634 : memref<1024x48xf32, #tpu.memory_space<vmem>>) target(%dma_start3A_630 : memref<1024x48xf32, #tpu.memory_space<hbm>>) target_semaphore(%arg10 : memref<!tpu.dma_semaphore, #tpu.memory_space<semaphore_mem>>)
    %dma_wait3A_635 = arith.constant 1 : i32
    %dma_wait3A_636 = arith.constant 0 : i32
    %dma_wait3A_637 = arith.constant 0 : i32
    %dma_wait3A_638 = tpu.memref_slice %arg8[%dma_wait3A_635, %dma_wait3A_636, %dma_wait3A_637] : memref<2x1024x48xf32, #tpu.memory_space<vmem>> -> memref<1x1024x48xf32, #tpu.memory_space<vmem>>
    %dma_wait3A_639 = tpu.memref_squeeze %dma_wait3A_638 : memref<1x1024x48xf32, #tpu.memory_space<vmem>> -> memref<1024x48xf32, #tpu.memory_space<vmem>>
    %dma_wait3A_640 = arith.constant 0 : i32
    %dma_wait3A_641 = tpu.memref_slice %arg5[%add3A_401, %dma_wait3A_640] : memref<65536x128xf32, #tpu.memory_space<hbm>> -> memref<1024x48xf32, #tpu.memory_space<hbm>>
    %dma_wait3A_642 = arith.constant 0 : i32
    %dma_wait3A_643 = tpu.memref_slice %arg5[%add3A_401, %dma_wait3A_642] : memref<65536x128xf32, #tpu.memory_space<hbm>> -> memref<1024x48xf32, #tpu.memory_space<hbm>>
    %dma_wait3A_644 = arith.constant 0 : i32
    %dma_wait3A_645 = arith.constant 0 : i32
    %dma_wait3A_646 = tpu.memref_slice %arg8[%dma_wait3A_635, %dma_wait3A_644, %dma_wait3A_645] : memref<2x1024x48xf32, #tpu.memory_space<vmem>> -> memref<1x1024x48xf32, #tpu.memory_space<vmem>>
    %dma_wait3A_647 = tpu.memref_squeeze %dma_wait3A_646 : memref<1x1024x48xf32, #tpu.memory_space<vmem>> -> memref<1024x48xf32, #tpu.memory_space<vmem>>
    tpu.wait_dma2 semaphore(%arg10 : memref<!tpu.dma_semaphore, #tpu.memory_space<semaphore_mem>>) src(%dma_wait3A_647 : memref<1024x48xf32, #tpu.memory_space<vmem>>) dst(%dma_wait3A_643 : memref<1024x48xf32, #tpu.memory_space<hbm>>)
    %dma_start3A_648 = arith.constant 8 : i32
    %dma_start3A_649 = arith.constant 1 : i32
    %dma_start3A_650 = arith.constant 0 : i32
    %dma_start3A_651 = arith.constant 0 : i32
    %dma_start3A_652 = tpu.memref_slice %arg8[%dma_start3A_649, %dma_start3A_650, %dma_start3A_651] : memref<2x1024x48xf32, #tpu.memory_space<vmem>> -> memref<1x128x48xf32, #tpu.memory_space<vmem>>
    %dma_start3A_653 = tpu.memref_squeeze %dma_start3A_652 : memref<1x128x48xf32, #tpu.memory_space<vmem>> -> memref<128x48xf32, #tpu.memory_space<vmem>>
    %dma_start3A_654 = arith.constant 0 : i32
    %dma_start3A_655 = tpu.memref_slice %arg7[%dma_start3A_648, %dma_start3A_654] : memref<16x128xi32, #tpu.memory_space<vmem>> -> memref<1x128xi32, #tpu.memory_space<vmem>>
    %dma_start3A_656 = tpu.memref_squeeze %dma_start3A_655 : memref<1x128xi32, #tpu.memory_space<vmem>> -> memref<128xi32, #tpu.memory_space<vmem>>
    %dma_start3A_657 = arith.constant 0 : i32
    %dma_start3A_658 = arith.constant 0 : i32
    %dma_start3A_659 = tpu.memref_slice %arg2[%dma_start3A_657, %dma_start3A_658] : memref<4096x48xf32, #tpu.memory_space<hbm>> -> memref<4096x48xf32, #tpu.memory_space<hbm>>
    tpu.enqueue_indirect_dma source(%dma_start3A_659 : memref<4096x48xf32, #tpu.memory_space<hbm>>) target(%dma_start3A_653 : memref<128x48xf32, #tpu.memory_space<vmem>>) offsets(%dma_start3A_656 : memref<128xi32, #tpu.memory_space<vmem>>) semaphore(%arg9 : memref<!tpu.dma_semaphore, #tpu.memory_space<semaphore_mem>>)
    %dma_start3A_660 = arith.constant 9 : i32
    %dma_start3A_661 = arith.constant 1 : i32
    %dma_start3A_662 = arith.constant 128 : i32
    %dma_start3A_663 = arith.constant 0 : i32
    %dma_start3A_664 = tpu.memref_slice %arg8[%dma_start3A_661, %dma_start3A_662, %dma_start3A_663] : memref<2x1024x48xf32, #tpu.memory_space<vmem>> -> memref<1x128x48xf32, #tpu.memory_space<vmem>>
    %dma_start3A_665 = tpu.memref_squeeze %dma_start3A_664 : memref<1x128x48xf32, #tpu.memory_space<vmem>> -> memref<128x48xf32, #tpu.memory_space<vmem>>
    %dma_start3A_666 = arith.constant 0 : i32
    %dma_start3A_667 = tpu.memref_slice %arg7[%dma_start3A_660, %dma_start3A_666] : memref<16x128xi32, #tpu.memory_space<vmem>> -> memref<1x128xi32, #tpu.memory_space<vmem>>
    %dma_start3A_668 = tpu.memref_squeeze %dma_start3A_667 : memref<1x128xi32, #tpu.memory_space<vmem>> -> memref<128xi32, #tpu.memory_space<vmem>>
    %dma_start3A_669 = arith.constant 0 : i32
    %dma_start3A_670 = arith.constant 0 : i32
    %dma_start3A_671 = tpu.memref_slice %arg2[%dma_start3A_669, %dma_start3A_670] : memref<4096x48xf32, #tpu.memory_space<hbm>> -> memref<4096x48xf32, #tpu.memory_space<hbm>>
    tpu.enqueue_indirect_dma source(%dma_start3A_671 : memref<4096x48xf32, #tpu.memory_space<hbm>>) target(%dma_start3A_665 : memref<128x48xf32, #tpu.memory_space<vmem>>) offsets(%dma_start3A_668 : memref<128xi32, #tpu.memory_space<vmem>>) semaphore(%arg9 : memref<!tpu.dma_semaphore, #tpu.memory_space<semaphore_mem>>)
    %dma_start3A_672 = arith.constant 10 : i32
    %dma_start3A_673 = arith.constant 1 : i32
    %dma_start3A_674 = arith.constant 256 : i32
    %dma_start3A_675 = arith.constant 0 : i32
    %dma_start3A_676 = tpu.memref_slice %arg8[%dma_start3A_673, %dma_start3A_674, %dma_start3A_675] : memref<2x1024x48xf32, #tpu.memory_space<vmem>> -> memref<1x128x48xf32, #tpu.memory_space<vmem>>
    %dma_start3A_677 = tpu.memref_squeeze %dma_start3A_676 : memref<1x128x48xf32, #tpu.memory_space<vmem>> -> memref<128x48xf32, #tpu.memory_space<vmem>>
    %dma_start3A_678 = arith.constant 0 : i32
    %dma_start3A_679 = tpu.memref_slice %arg7[%dma_start3A_672, %dma_start3A_678] : memref<16x128xi32, #tpu.memory_space<vmem>> -> memref<1x128xi32, #tpu.memory_space<vmem>>
    %dma_start3A_680 = tpu.memref_squeeze %dma_start3A_679 : memref<1x128xi32, #tpu.memory_space<vmem>> -> memref<128xi32, #tpu.memory_space<vmem>>
    %dma_start3A_681 = arith.constant 0 : i32
    %dma_start3A_682 = arith.constant 0 : i32
    %dma_start3A_683 = tpu.memref_slice %arg2[%dma_start3A_681, %dma_start3A_682] : memref<4096x48xf32, #tpu.memory_space<hbm>> -> memref<4096x48xf32, #tpu.memory_space<hbm>>
    tpu.enqueue_indirect_dma source(%dma_start3A_683 : memref<4096x48xf32, #tpu.memory_space<hbm>>) target(%dma_start3A_677 : memref<128x48xf32, #tpu.memory_space<vmem>>) offsets(%dma_start3A_680 : memref<128xi32, #tpu.memory_space<vmem>>) semaphore(%arg9 : memref<!tpu.dma_semaphore, #tpu.memory_space<semaphore_mem>>)
    %dma_start3A_684 = arith.constant 11 : i32
    %dma_start3A_685 = arith.constant 1 : i32
    %dma_start3A_686 = arith.constant 384 : i32
    %dma_start3A_687 = arith.constant 0 : i32
    %dma_start3A_688 = tpu.memref_slice %arg8[%dma_start3A_685, %dma_start3A_686, %dma_start3A_687] : memref<2x1024x48xf32, #tpu.memory_space<vmem>> -> memref<1x128x48xf32, #tpu.memory_space<vmem>>
    %dma_start3A_689 = tpu.memref_squeeze %dma_start3A_688 : memref<1x128x48xf32, #tpu.memory_space<vmem>> -> memref<128x48xf32, #tpu.memory_space<vmem>>
    %dma_start3A_690 = arith.constant 0 : i32
    %dma_start3A_691 = tpu.memref_slice %arg7[%dma_start3A_684, %dma_start3A_690] : memref<16x128xi32, #tpu.memory_space<vmem>> -> memref<1x128xi32, #tpu.memory_space<vmem>>
    %dma_start3A_692 = tpu.memref_squeeze %dma_start3A_691 : memref<1x128xi32, #tpu.memory_space<vmem>> -> memref<128xi32, #tpu.memory_space<vmem>>
    %dma_start3A_693 = arith.constant 0 : i32
    %dma_start3A_694 = arith.constant 0 : i32
    %dma_start3A_695 = tpu.memref_slice %arg2[%dma_start3A_693, %dma_start3A_694] : memref<4096x48xf32, #tpu.memory_space<hbm>> -> memref<4096x48xf32, #tpu.memory_space<hbm>>
    tpu.enqueue_indirect_dma source(%dma_start3A_695 : memref<4096x48xf32, #tpu.memory_space<hbm>>) target(%dma_start3A_689 : memref<128x48xf32, #tpu.memory_space<vmem>>) offsets(%dma_start3A_692 : memref<128xi32, #tpu.memory_space<vmem>>) semaphore(%arg9 : memref<!tpu.dma_semaphore, #tpu.memory_space<semaphore_mem>>)
    %dma_start3A_696 = arith.constant 12 : i32
    %dma_start3A_697 = arith.constant 1 : i32
    %dma_start3A_698 = arith.constant 512 : i32
    %dma_start3A_699 = arith.constant 0 : i32
    %dma_start3A_700 = tpu.memref_slice %arg8[%dma_start3A_697, %dma_start3A_698, %dma_start3A_699] : memref<2x1024x48xf32, #tpu.memory_space<vmem>> -> memref<1x128x48xf32, #tpu.memory_space<vmem>>
    %dma_start3A_701 = tpu.memref_squeeze %dma_start3A_700 : memref<1x128x48xf32, #tpu.memory_space<vmem>> -> memref<128x48xf32, #tpu.memory_space<vmem>>
    %dma_start3A_702 = arith.constant 0 : i32
    %dma_start3A_703 = tpu.memref_slice %arg7[%dma_start3A_696, %dma_start3A_702] : memref<16x128xi32, #tpu.memory_space<vmem>> -> memref<1x128xi32, #tpu.memory_space<vmem>>
    %dma_start3A_704 = tpu.memref_squeeze %dma_start3A_703 : memref<1x128xi32, #tpu.memory_space<vmem>> -> memref<128xi32, #tpu.memory_space<vmem>>
    %dma_start3A_705 = arith.constant 0 : i32
    %dma_start3A_706 = arith.constant 0 : i32
    %dma_start3A_707 = tpu.memref_slice %arg2[%dma_start3A_705, %dma_start3A_706] : memref<4096x48xf32, #tpu.memory_space<hbm>> -> memref<4096x48xf32, #tpu.memory_space<hbm>>
    tpu.enqueue_indirect_dma source(%dma_start3A_707 : memref<4096x48xf32, #tpu.memory_space<hbm>>) target(%dma_start3A_701 : memref<128x48xf32, #tpu.memory_space<vmem>>) offsets(%dma_start3A_704 : memref<128xi32, #tpu.memory_space<vmem>>) semaphore(%arg9 : memref<!tpu.dma_semaphore, #tpu.memory_space<semaphore_mem>>)
    %dma_start3A_708 = arith.constant 13 : i32
    %dma_start3A_709 = arith.constant 1 : i32
    %dma_start3A_710 = arith.constant 640 : i32
    %dma_start3A_711 = arith.constant 0 : i32
    %dma_start3A_712 = tpu.memref_slice %arg8[%dma_start3A_709, %dma_start3A_710, %dma_start3A_711] : memref<2x1024x48xf32, #tpu.memory_space<vmem>> -> memref<1x128x48xf32, #tpu.memory_space<vmem>>
    %dma_start3A_713 = tpu.memref_squeeze %dma_start3A_712 : memref<1x128x48xf32, #tpu.memory_space<vmem>> -> memref<128x48xf32, #tpu.memory_space<vmem>>
    %dma_start3A_714 = arith.constant 0 : i32
    %dma_start3A_715 = tpu.memref_slice %arg7[%dma_start3A_708, %dma_start3A_714] : memref<16x128xi32, #tpu.memory_space<vmem>> -> memref<1x128xi32, #tpu.memory_space<vmem>>
    %dma_start3A_716 = tpu.memref_squeeze %dma_start3A_715 : memref<1x128xi32, #tpu.memory_space<vmem>> -> memref<128xi32, #tpu.memory_space<vmem>>
    %dma_start3A_717 = arith.constant 0 : i32
    %dma_start3A_718 = arith.constant 0 : i32
    %dma_start3A_719 = tpu.memref_slice %arg2[%dma_start3A_717, %dma_start3A_718] : memref<4096x48xf32, #tpu.memory_space<hbm>> -> memref<4096x48xf32, #tpu.memory_space<hbm>>
    tpu.enqueue_indirect_dma source(%dma_start3A_719 : memref<4096x48xf32, #tpu.memory_space<hbm>>) target(%dma_start3A_713 : memref<128x48xf32, #tpu.memory_space<vmem>>) offsets(%dma_start3A_716 : memref<128xi32, #tpu.memory_space<vmem>>) semaphore(%arg9 : memref<!tpu.dma_semaphore, #tpu.memory_space<semaphore_mem>>)
    %dma_start3A_720 = arith.constant 14 : i32
    %dma_start3A_721 = arith.constant 1 : i32
    %dma_start3A_722 = arith.constant 768 : i32
    %dma_start3A_723 = arith.constant 0 : i32
    %dma_start3A_724 = tpu.memref_slice %arg8[%dma_start3A_721, %dma_start3A_722, %dma_start3A_723] : memref<2x1024x48xf32, #tpu.memory_space<vmem>> -> memref<1x128x48xf32, #tpu.memory_space<vmem>>
    %dma_start3A_725 = tpu.memref_squeeze %dma_start3A_724 : memref<1x128x48xf32, #tpu.memory_space<vmem>> -> memref<128x48xf32, #tpu.memory_space<vmem>>
    %dma_start3A_726 = arith.constant 0 : i32
    %dma_start3A_727 = tpu.memref_slice %arg7[%dma_start3A_720, %dma_start3A_726] : memref<16x128xi32, #tpu.memory_space<vmem>> -> memref<1x128xi32, #tpu.memory_space<vmem>>
    %dma_start3A_728 = tpu.memref_squeeze %dma_start3A_727 : memref<1x128xi32, #tpu.memory_space<vmem>> -> memref<128xi32, #tpu.memory_space<vmem>>
    %dma_start3A_729 = arith.constant 0 : i32
    %dma_start3A_730 = arith.constant 0 : i32
    %dma_start3A_731 = tpu.memref_slice %arg2[%dma_start3A_729, %dma_start3A_730] : memref<4096x48xf32, #tpu.memory_space<hbm>> -> memref<4096x48xf32, #tpu.memory_space<hbm>>
    tpu.enqueue_indirect_dma source(%dma_start3A_731 : memref<4096x48xf32, #tpu.memory_space<hbm>>) target(%dma_start3A_725 : memref<128x48xf32, #tpu.memory_space<vmem>>) offsets(%dma_start3A_728 : memref<128xi32, #tpu.memory_space<vmem>>) semaphore(%arg9 : memref<!tpu.dma_semaphore, #tpu.memory_space<semaphore_mem>>)
    %dma_start3A_732 = arith.constant 15 : i32
    %dma_start3A_733 = arith.constant 1 : i32
    %dma_start3A_734 = arith.constant 896 : i32
    %dma_start3A_735 = arith.constant 0 : i32
    %dma_start3A_736 = tpu.memref_slice %arg8[%dma_start3A_733, %dma_start3A_734, %dma_start3A_735] : memref<2x1024x48xf32, #tpu.memory_space<vmem>> -> memref<1x128x48xf32, #tpu.memory_space<vmem>>
    %dma_start3A_737 = tpu.memref_squeeze %dma_start3A_736 : memref<1x128x48xf32, #tpu.memory_space<vmem>> -> memref<128x48xf32, #tpu.memory_space<vmem>>
    %dma_start3A_738 = arith.constant 0 : i32
    %dma_start3A_739 = tpu.memref_slice %arg7[%dma_start3A_732, %dma_start3A_738] : memref<16x128xi32, #tpu.memory_space<vmem>> -> memref<1x128xi32, #tpu.memory_space<vmem>>
    %dma_start3A_740 = tpu.memref_squeeze %dma_start3A_739 : memref<1x128xi32, #tpu.memory_space<vmem>> -> memref<128xi32, #tpu.memory_space<vmem>>
    %dma_start3A_741 = arith.constant 0 : i32
    %dma_start3A_742 = arith.constant 0 : i32
    %dma_start3A_743 = tpu.memref_slice %arg2[%dma_start3A_741, %dma_start3A_742] : memref<4096x48xf32, #tpu.memory_space<hbm>> -> memref<4096x48xf32, #tpu.memory_space<hbm>>
    tpu.enqueue_indirect_dma source(%dma_start3A_743 : memref<4096x48xf32, #tpu.memory_space<hbm>>) target(%dma_start3A_737 : memref<128x48xf32, #tpu.memory_space<vmem>>) offsets(%dma_start3A_740 : memref<128xi32, #tpu.memory_space<vmem>>) semaphore(%arg9 : memref<!tpu.dma_semaphore, #tpu.memory_space<semaphore_mem>>)
    %dma_wait3A_744 = arith.constant 8 : i32
    %dma_wait3A_745 = arith.constant 1 : i32
    %dma_wait3A_746 = arith.constant 0 : i32
    %dma_wait3A_747 = arith.constant 0 : i32
    %dma_wait3A_748 = tpu.memref_slice %arg8[%dma_wait3A_745, %dma_wait3A_746, %dma_wait3A_747] : memref<2x1024x48xf32, #tpu.memory_space<vmem>> -> memref<1x128x48xf32, #tpu.memory_space<vmem>>
    %dma_wait3A_749 = tpu.memref_squeeze %dma_wait3A_748 : memref<1x128x48xf32, #tpu.memory_space<vmem>> -> memref<128x48xf32, #tpu.memory_space<vmem>>
    %dma_wait3A_750 = arith.constant 0 : i32
    %dma_wait3A_751 = tpu.memref_slice %arg7[%dma_wait3A_744, %dma_wait3A_750] : memref<16x128xi32, #tpu.memory_space<vmem>> -> memref<1x128xi32, #tpu.memory_space<vmem>>
    %dma_wait3A_752 = tpu.memref_squeeze %dma_wait3A_751 : memref<1x128xi32, #tpu.memory_space<vmem>> -> memref<128xi32, #tpu.memory_space<vmem>>
    %dma_wait3A_753 = arith.constant 0 : i32
    %dma_wait3A_754 = arith.constant 0 : i32
    %dma_wait3A_755 = tpu.memref_slice %arg2[%dma_wait3A_753, %dma_wait3A_754] : memref<4096x48xf32, #tpu.memory_space<hbm>> -> memref<4096x48xf32, #tpu.memory_space<hbm>>
    tpu.wait_indirect_dma semaphore(%arg9 : memref<!tpu.dma_semaphore, #tpu.memory_space<semaphore_mem>>) src(%dma_wait3A_755 : memref<4096x48xf32, #tpu.memory_space<hbm>>) dst(%dma_wait3A_749 : memref<128x48xf32, #tpu.memory_space<vmem>>)
    %dma_wait3A_756 = arith.constant 9 : i32
    %dma_wait3A_757 = arith.constant 1 : i32
    %dma_wait3A_758 = arith.constant 128 : i32
    %dma_wait3A_759 = arith.constant 0 : i32
    %dma_wait3A_760 = tpu.memref_slice %arg8[%dma_wait3A_757, %dma_wait3A_758, %dma_wait3A_759] : memref<2x1024x48xf32, #tpu.memory_space<vmem>> -> memref<1x128x48xf32, #tpu.memory_space<vmem>>
    %dma_wait3A_761 = tpu.memref_squeeze %dma_wait3A_760 : memref<1x128x48xf32, #tpu.memory_space<vmem>> -> memref<128x48xf32, #tpu.memory_space<vmem>>
    %dma_wait3A_762 = arith.constant 0 : i32
    %dma_wait3A_763 = tpu.memref_slice %arg7[%dma_wait3A_756, %dma_wait3A_762] : memref<16x128xi32, #tpu.memory_space<vmem>> -> memref<1x128xi32, #tpu.memory_space<vmem>>
    %dma_wait3A_764 = tpu.memref_squeeze %dma_wait3A_763 : memref<1x128xi32, #tpu.memory_space<vmem>> -> memref<128xi32, #tpu.memory_space<vmem>>
    %dma_wait3A_765 = arith.constant 0 : i32
    %dma_wait3A_766 = arith.constant 0 : i32
    %dma_wait3A_767 = tpu.memref_slice %arg2[%dma_wait3A_765, %dma_wait3A_766] : memref<4096x48xf32, #tpu.memory_space<hbm>> -> memref<4096x48xf32, #tpu.memory_space<hbm>>
    tpu.wait_indirect_dma semaphore(%arg9 : memref<!tpu.dma_semaphore, #tpu.memory_space<semaphore_mem>>) src(%dma_wait3A_767 : memref<4096x48xf32, #tpu.memory_space<hbm>>) dst(%dma_wait3A_761 : memref<128x48xf32, #tpu.memory_space<vmem>>)
    %dma_wait3A_768 = arith.constant 10 : i32
    %dma_wait3A_769 = arith.constant 1 : i32
    %dma_wait3A_770 = arith.constant 256 : i32
    %dma_wait3A_771 = arith.constant 0 : i32
    %dma_wait3A_772 = tpu.memref_slice %arg8[%dma_wait3A_769, %dma_wait3A_770, %dma_wait3A_771] : memref<2x1024x48xf32, #tpu.memory_space<vmem>> -> memref<1x128x48xf32, #tpu.memory_space<vmem>>
    %dma_wait3A_773 = tpu.memref_squeeze %dma_wait3A_772 : memref<1x128x48xf32, #tpu.memory_space<vmem>> -> memref<128x48xf32, #tpu.memory_space<vmem>>
    %dma_wait3A_774 = arith.constant 0 : i32
    %dma_wait3A_775 = tpu.memref_slice %arg7[%dma_wait3A_768, %dma_wait3A_774] : memref<16x128xi32, #tpu.memory_space<vmem>> -> memref<1x128xi32, #tpu.memory_space<vmem>>
    %dma_wait3A_776 = tpu.memref_squeeze %dma_wait3A_775 : memref<1x128xi32, #tpu.memory_space<vmem>> -> memref<128xi32, #tpu.memory_space<vmem>>
    %dma_wait3A_777 = arith.constant 0 : i32
    %dma_wait3A_778 = arith.constant 0 : i32
    %dma_wait3A_779 = tpu.memref_slice %arg2[%dma_wait3A_777, %dma_wait3A_778] : memref<4096x48xf32, #tpu.memory_space<hbm>> -> memref<4096x48xf32, #tpu.memory_space<hbm>>
    tpu.wait_indirect_dma semaphore(%arg9 : memref<!tpu.dma_semaphore, #tpu.memory_space<semaphore_mem>>) src(%dma_wait3A_779 : memref<4096x48xf32, #tpu.memory_space<hbm>>) dst(%dma_wait3A_773 : memref<128x48xf32, #tpu.memory_space<vmem>>)
    %dma_wait3A_780 = arith.constant 11 : i32
    %dma_wait3A_781 = arith.constant 1 : i32
    %dma_wait3A_782 = arith.constant 384 : i32
    %dma_wait3A_783 = arith.constant 0 : i32
    %dma_wait3A_784 = tpu.memref_slice %arg8[%dma_wait3A_781, %dma_wait3A_782, %dma_wait3A_783] : memref<2x1024x48xf32, #tpu.memory_space<vmem>> -> memref<1x128x48xf32, #tpu.memory_space<vmem>>
    %dma_wait3A_785 = tpu.memref_squeeze %dma_wait3A_784 : memref<1x128x48xf32, #tpu.memory_space<vmem>> -> memref<128x48xf32, #tpu.memory_space<vmem>>
    %dma_wait3A_786 = arith.constant 0 : i32
    %dma_wait3A_787 = tpu.memref_slice %arg7[%dma_wait3A_780, %dma_wait3A_786] : memref<16x128xi32, #tpu.memory_space<vmem>> -> memref<1x128xi32, #tpu.memory_space<vmem>>
    %dma_wait3A_788 = tpu.memref_squeeze %dma_wait3A_787 : memref<1x128xi32, #tpu.memory_space<vmem>> -> memref<128xi32, #tpu.memory_space<vmem>>
    %dma_wait3A_789 = arith.constant 0 : i32
    %dma_wait3A_790 = arith.constant 0 : i32
    %dma_wait3A_791 = tpu.memref_slice %arg2[%dma_wait3A_789, %dma_wait3A_790] : memref<4096x48xf32, #tpu.memory_space<hbm>> -> memref<4096x48xf32, #tpu.memory_space<hbm>>
    tpu.wait_indirect_dma semaphore(%arg9 : memref<!tpu.dma_semaphore, #tpu.memory_space<semaphore_mem>>) src(%dma_wait3A_791 : memref<4096x48xf32, #tpu.memory_space<hbm>>) dst(%dma_wait3A_785 : memref<128x48xf32, #tpu.memory_space<vmem>>)
    %dma_wait3A_792 = arith.constant 12 : i32
    %dma_wait3A_793 = arith.constant 1 : i32
    %dma_wait3A_794 = arith.constant 512 : i32
    %dma_wait3A_795 = arith.constant 0 : i32
    %dma_wait3A_796 = tpu.memref_slice %arg8[%dma_wait3A_793, %dma_wait3A_794, %dma_wait3A_795] : memref<2x1024x48xf32, #tpu.memory_space<vmem>> -> memref<1x128x48xf32, #tpu.memory_space<vmem>>
    %dma_wait3A_797 = tpu.memref_squeeze %dma_wait3A_796 : memref<1x128x48xf32, #tpu.memory_space<vmem>> -> memref<128x48xf32, #tpu.memory_space<vmem>>
    %dma_wait3A_798 = arith.constant 0 : i32
    %dma_wait3A_799 = tpu.memref_slice %arg7[%dma_wait3A_792, %dma_wait3A_798] : memref<16x128xi32, #tpu.memory_space<vmem>> -> memref<1x128xi32, #tpu.memory_space<vmem>>
    %dma_wait3A_800 = tpu.memref_squeeze %dma_wait3A_799 : memref<1x128xi32, #tpu.memory_space<vmem>> -> memref<128xi32, #tpu.memory_space<vmem>>
    %dma_wait3A_801 = arith.constant 0 : i32
    %dma_wait3A_802 = arith.constant 0 : i32
    %dma_wait3A_803 = tpu.memref_slice %arg2[%dma_wait3A_801, %dma_wait3A_802] : memref<4096x48xf32, #tpu.memory_space<hbm>> -> memref<4096x48xf32, #tpu.memory_space<hbm>>
    tpu.wait_indirect_dma semaphore(%arg9 : memref<!tpu.dma_semaphore, #tpu.memory_space<semaphore_mem>>) src(%dma_wait3A_803 : memref<4096x48xf32, #tpu.memory_space<hbm>>) dst(%dma_wait3A_797 : memref<128x48xf32, #tpu.memory_space<vmem>>)
    %dma_wait3A_804 = arith.constant 13 : i32
    %dma_wait3A_805 = arith.constant 1 : i32
    %dma_wait3A_806 = arith.constant 640 : i32
    %dma_wait3A_807 = arith.constant 0 : i32
    %dma_wait3A_808 = tpu.memref_slice %arg8[%dma_wait3A_805, %dma_wait3A_806, %dma_wait3A_807] : memref<2x1024x48xf32, #tpu.memory_space<vmem>> -> memref<1x128x48xf32, #tpu.memory_space<vmem>>
    %dma_wait3A_809 = tpu.memref_squeeze %dma_wait3A_808 : memref<1x128x48xf32, #tpu.memory_space<vmem>> -> memref<128x48xf32, #tpu.memory_space<vmem>>
    %dma_wait3A_810 = arith.constant 0 : i32
    %dma_wait3A_811 = tpu.memref_slice %arg7[%dma_wait3A_804, %dma_wait3A_810] : memref<16x128xi32, #tpu.memory_space<vmem>> -> memref<1x128xi32, #tpu.memory_space<vmem>>
    %dma_wait3A_812 = tpu.memref_squeeze %dma_wait3A_811 : memref<1x128xi32, #tpu.memory_space<vmem>> -> memref<128xi32, #tpu.memory_space<vmem>>
    %dma_wait3A_813 = arith.constant 0 : i32
    %dma_wait3A_814 = arith.constant 0 : i32
    %dma_wait3A_815 = tpu.memref_slice %arg2[%dma_wait3A_813, %dma_wait3A_814] : memref<4096x48xf32, #tpu.memory_space<hbm>> -> memref<4096x48xf32, #tpu.memory_space<hbm>>
    tpu.wait_indirect_dma semaphore(%arg9 : memref<!tpu.dma_semaphore, #tpu.memory_space<semaphore_mem>>) src(%dma_wait3A_815 : memref<4096x48xf32, #tpu.memory_space<hbm>>) dst(%dma_wait3A_809 : memref<128x48xf32, #tpu.memory_space<vmem>>)
    %dma_wait3A_816 = arith.constant 14 : i32
    %dma_wait3A_817 = arith.constant 1 : i32
    %dma_wait3A_818 = arith.constant 768 : i32
    %dma_wait3A_819 = arith.constant 0 : i32
    %dma_wait3A_820 = tpu.memref_slice %arg8[%dma_wait3A_817, %dma_wait3A_818, %dma_wait3A_819] : memref<2x1024x48xf32, #tpu.memory_space<vmem>> -> memref<1x128x48xf32, #tpu.memory_space<vmem>>
    %dma_wait3A_821 = tpu.memref_squeeze %dma_wait3A_820 : memref<1x128x48xf32, #tpu.memory_space<vmem>> -> memref<128x48xf32, #tpu.memory_space<vmem>>
    %dma_wait3A_822 = arith.constant 0 : i32
    %dma_wait3A_823 = tpu.memref_slice %arg7[%dma_wait3A_816, %dma_wait3A_822] : memref<16x128xi32, #tpu.memory_space<vmem>> -> memref<1x128xi32, #tpu.memory_space<vmem>>
    %dma_wait3A_824 = tpu.memref_squeeze %dma_wait3A_823 : memref<1x128xi32, #tpu.memory_space<vmem>> -> memref<128xi32, #tpu.memory_space<vmem>>
    %dma_wait3A_825 = arith.constant 0 : i32
    %dma_wait3A_826 = arith.constant 0 : i32
    %dma_wait3A_827 = tpu.memref_slice %arg2[%dma_wait3A_825, %dma_wait3A_826] : memref<4096x48xf32, #tpu.memory_space<hbm>> -> memref<4096x48xf32, #tpu.memory_space<hbm>>
    tpu.wait_indirect_dma semaphore(%arg9 : memref<!tpu.dma_semaphore, #tpu.memory_space<semaphore_mem>>) src(%dma_wait3A_827 : memref<4096x48xf32, #tpu.memory_space<hbm>>) dst(%dma_wait3A_821 : memref<128x48xf32, #tpu.memory_space<vmem>>)
    %dma_wait3A_828 = arith.constant 15 : i32
    %dma_wait3A_829 = arith.constant 1 : i32
    %dma_wait3A_830 = arith.constant 896 : i32
    %dma_wait3A_831 = arith.constant 0 : i32
    %dma_wait3A_832 = tpu.memref_slice %arg8[%dma_wait3A_829, %dma_wait3A_830, %dma_wait3A_831] : memref<2x1024x48xf32, #tpu.memory_space<vmem>> -> memref<1x128x48xf32, #tpu.memory_space<vmem>>
    %dma_wait3A_833 = tpu.memref_squeeze %dma_wait3A_832 : memref<1x128x48xf32, #tpu.memory_space<vmem>> -> memref<128x48xf32, #tpu.memory_space<vmem>>
    %dma_wait3A_834 = arith.constant 0 : i32
    %dma_wait3A_835 = tpu.memref_slice %arg7[%dma_wait3A_828, %dma_wait3A_834] : memref<16x128xi32, #tpu.memory_space<vmem>> -> memref<1x128xi32, #tpu.memory_space<vmem>>
    %dma_wait3A_836 = tpu.memref_squeeze %dma_wait3A_835 : memref<1x128xi32, #tpu.memory_space<vmem>> -> memref<128xi32, #tpu.memory_space<vmem>>
    %dma_wait3A_837 = arith.constant 0 : i32
    %dma_wait3A_838 = arith.constant 0 : i32
    %dma_wait3A_839 = tpu.memref_slice %arg2[%dma_wait3A_837, %dma_wait3A_838] : memref<4096x48xf32, #tpu.memory_space<hbm>> -> memref<4096x48xf32, #tpu.memory_space<hbm>>
    tpu.wait_indirect_dma semaphore(%arg9 : memref<!tpu.dma_semaphore, #tpu.memory_space<semaphore_mem>>) src(%dma_wait3A_839 : memref<4096x48xf32, #tpu.memory_space<hbm>>) dst(%dma_wait3A_833 : memref<128x48xf32, #tpu.memory_space<vmem>>)
    %add3A_840 = arith.constant 1024 : i32
    %add3A_841 = arith.addi %mul3A_2, %add3A_840 : i32
    %dma_start3A_842 = arith.constant 1 : i32
    %dma_start3A_843 = arith.constant 0 : i32
    %dma_start3A_844 = arith.constant 0 : i32
    %dma_start3A_845 = tpu.memref_slice %arg8[%dma_start3A_842, %dma_start3A_843, %dma_start3A_844] : memref<2x1024x48xf32, #tpu.memory_space<vmem>> -> memref<1x1024x48xf32, #tpu.memory_space<vmem>>
    %dma_start3A_846 = tpu.memref_squeeze %dma_start3A_845 : memref<1x1024x48xf32, #tpu.memory_space<vmem>> -> memref<1024x48xf32, #tpu.memory_space<vmem>>
    %dma_start3A_847 = arith.constant 0 : i32
    %dma_start3A_848 = tpu.memref_slice %arg6[%add3A_841, %dma_start3A_847] : memref<65536x128xf32, #tpu.memory_space<hbm>> -> memref<1024x48xf32, #tpu.memory_space<hbm>>
    %dma_start3A_849 = arith.constant 0 : i32
    %dma_start3A_850 = tpu.memref_slice %arg6[%add3A_841, %dma_start3A_849] : memref<65536x128xf32, #tpu.memory_space<hbm>> -> memref<1024x48xf32, #tpu.memory_space<hbm>>
    %dma_start3A_851 = arith.constant 0 : i32
    %dma_start3A_852 = arith.constant 0 : i32
    %dma_start3A_853 = tpu.memref_slice %arg8[%dma_start3A_842, %dma_start3A_851, %dma_start3A_852] : memref<2x1024x48xf32, #tpu.memory_space<vmem>> -> memref<1x1024x48xf32, #tpu.memory_space<vmem>>
    %dma_start3A_854 = tpu.memref_squeeze %dma_start3A_853 : memref<1x1024x48xf32, #tpu.memory_space<vmem>> -> memref<1024x48xf32, #tpu.memory_space<vmem>>
    tpu.enqueue_dma source(%dma_start3A_854 : memref<1024x48xf32, #tpu.memory_space<vmem>>) target(%dma_start3A_850 : memref<1024x48xf32, #tpu.memory_space<hbm>>) target_semaphore(%arg10 : memref<!tpu.dma_semaphore, #tpu.memory_space<semaphore_mem>>)
    %dma_wait3A_855 = arith.constant 0 : i32
    %dma_wait3A_856 = arith.constant 0 : i32
    %dma_wait3A_857 = arith.constant 0 : i32
    %dma_wait3A_858 = tpu.memref_slice %arg8[%dma_wait3A_855, %dma_wait3A_856, %dma_wait3A_857] : memref<2x1024x48xf32, #tpu.memory_space<vmem>> -> memref<1x1024x48xf32, #tpu.memory_space<vmem>>
    %dma_wait3A_859 = tpu.memref_squeeze %dma_wait3A_858 : memref<1x1024x48xf32, #tpu.memory_space<vmem>> -> memref<1024x48xf32, #tpu.memory_space<vmem>>
    %dma_wait3A_860 = arith.constant 0 : i32
    %dma_wait3A_861 = tpu.memref_slice %arg6[%add3A_621, %dma_wait3A_860] : memref<65536x128xf32, #tpu.memory_space<hbm>> -> memref<1024x48xf32, #tpu.memory_space<hbm>>
    %dma_wait3A_862 = arith.constant 0 : i32
    %dma_wait3A_863 = tpu.memref_slice %arg6[%add3A_621, %dma_wait3A_862] : memref<65536x128xf32, #tpu.memory_space<hbm>> -> memref<1024x48xf32, #tpu.memory_space<hbm>>
    %dma_wait3A_864 = arith.constant 0 : i32
    %dma_wait3A_865 = arith.constant 0 : i32
    %dma_wait3A_866 = tpu.memref_slice %arg8[%dma_wait3A_855, %dma_wait3A_864, %dma_wait3A_865] : memref<2x1024x48xf32, #tpu.memory_space<vmem>> -> memref<1x1024x48xf32, #tpu.memory_space<vmem>>
    %dma_wait3A_867 = tpu.memref_squeeze %dma_wait3A_866 : memref<1x1024x48xf32, #tpu.memory_space<vmem>> -> memref<1024x48xf32, #tpu.memory_space<vmem>>
    tpu.wait_dma2 semaphore(%arg10 : memref<!tpu.dma_semaphore, #tpu.memory_space<semaphore_mem>>) src(%dma_wait3A_867 : memref<1024x48xf32, #tpu.memory_space<vmem>>) dst(%dma_wait3A_863 : memref<1024x48xf32, #tpu.memory_space<hbm>>)
    %dma_wait3A_868 = arith.constant 1 : i32
    %dma_wait3A_869 = arith.constant 0 : i32
    %dma_wait3A_870 = arith.constant 0 : i32
    %dma_wait3A_871 = tpu.memref_slice %arg8[%dma_wait3A_868, %dma_wait3A_869, %dma_wait3A_870] : memref<2x1024x48xf32, #tpu.memory_space<vmem>> -> memref<1x1024x48xf32, #tpu.memory_space<vmem>>
    %dma_wait3A_872 = tpu.memref_squeeze %dma_wait3A_871 : memref<1x1024x48xf32, #tpu.memory_space<vmem>> -> memref<1024x48xf32, #tpu.memory_space<vmem>>
    %dma_wait3A_873 = arith.constant 0 : i32
    %dma_wait3A_874 = tpu.memref_slice %arg6[%add3A_841, %dma_wait3A_873] : memref<65536x128xf32, #tpu.memory_space<hbm>> -> memref<1024x48xf32, #tpu.memory_space<hbm>>
    %dma_wait3A_875 = arith.constant 0 : i32
    %dma_wait3A_876 = tpu.memref_slice %arg6[%add3A_841, %dma_wait3A_875] : memref<65536x128xf32, #tpu.memory_space<hbm>> -> memref<1024x48xf32, #tpu.memory_space<hbm>>
    %dma_wait3A_877 = arith.constant 0 : i32
    %dma_wait3A_878 = arith.constant 0 : i32
    %dma_wait3A_879 = tpu.memref_slice %arg8[%dma_wait3A_868, %dma_wait3A_877, %dma_wait3A_878] : memref<2x1024x48xf32, #tpu.memory_space<vmem>> -> memref<1x1024x48xf32, #tpu.memory_space<vmem>>
    %dma_wait3A_880 = tpu.memref_squeeze %dma_wait3A_879 : memref<1x1024x48xf32, #tpu.memory_space<vmem>> -> memref<1024x48xf32, #tpu.memory_space<vmem>>
    tpu.wait_dma2 semaphore(%arg10 : memref<!tpu.dma_semaphore, #tpu.memory_space<semaphore_mem>>) src(%dma_wait3A_880 : memref<1024x48xf32, #tpu.memory_space<vmem>>) dst(%dma_wait3A_876 : memref<1024x48xf32, #tpu.memory_space<hbm>>)
    return
  }
}

#map = affine_map<(d0, d1) -> (0, 0)>
#map1 = affine_map<(d0, d1) -> (0, 0, 0)>
module attributes {stable_mosaic.version = 14 : i64} {
  func.func @k(%arg0: i32, %arg1: i32, %arg2: memref<65536x32xf32, #tpu.memory_space<hbm>>, %arg3: memref<32x16x128xi32, #tpu.memory_space<hbm>>, %arg4: memref<4096x32xf32, #tpu.memory_space<hbm>>, %arg5: memref<4096x128xf32, #tpu.memory_space<hbm>>, %arg6: memref<4096x128xf32, #tpu.memory_space<hbm>>, %arg7: memref<16x128xi32, #tpu.memory_space<vmem>>, %arg8: memref<2048x32xf32, #tpu.memory_space<vmem>>, %arg9: memref<256x32xf32, #tpu.memory_space<vmem>>, %arg10: memref<4096x32xf32, #tpu.memory_space<vmem_shared>>, %arg11: memref<!tpu.dma_semaphore, #tpu.memory_space<semaphore_mem>>) attributes {dimension_semantics = [#tpu.dimension_semantics<core_parallel>, #tpu.dimension_semantics<subcore_parallel>], iteration_bounds = array<i64: 2, 16>, scalar_prefetch = 0 : i64, scratch_operands = 5 : i64, tpu.core_type = #tpu.core_type<sc_vector_subcore>, window_params = [{transform_indices = #map}, {transform_indices = #map1}, {transform_indices = #map}, {transform_indices = #map}, {transform_indices = #map}]} {
    %mul3A = arith.constant 2 : i32
    %mul3A_0 = arith.muli %arg1, %mul3A : i32
    %add3A = arith.addi %mul3A_0, %arg0 : i32
    %mul3A_1 = arith.constant 256 : i32
    %mul3A_2 = arith.muli %arg1, %mul3A_1 : i32
    "tpu.region"() ({
      %run_scoped3A_32 = tpu.sem_alloc : memref<!tpu.dma_semaphore, #tpu.memory_space<semaphore_mem>>
      %dma_start3A = arith.constant 0 : i32
      %dma_start3A_33 = tpu.memref_slice %arg4[%mul3A_2, %dma_start3A] : memref<4096x32xf32, #tpu.memory_space<hbm>> -> memref<256x32xf32, #tpu.memory_space<hbm>>
      %dma_start3A_34 = arith.constant 0 : i32
      %dma_start3A_35 = tpu.memref_slice %arg4[%mul3A_2, %dma_start3A_34] : memref<4096x32xf32, #tpu.memory_space<hbm>> -> memref<256x32xf32, #tpu.memory_space<hbm>>
      tpu.enqueue_dma source(%dma_start3A_35 : memref<256x32xf32, #tpu.memory_space<hbm>>) target(%arg9 : memref<256x32xf32, #tpu.memory_space<vmem>>) target_semaphore(%run_scoped3A_32 : memref<!tpu.dma_semaphore, #tpu.memory_space<semaphore_mem>>)
      %dma_wait3A = arith.constant 0 : i32
      %dma_wait3A_36 = tpu.memref_slice %arg4[%mul3A_2, %dma_wait3A] : memref<4096x32xf32, #tpu.memory_space<hbm>> -> memref<256x32xf32, #tpu.memory_space<hbm>>
      %dma_wait3A_37 = arith.constant 0 : i32
      %dma_wait3A_38 = tpu.memref_slice %arg4[%mul3A_2, %dma_wait3A_37] : memref<4096x32xf32, #tpu.memory_space<hbm>> -> memref<256x32xf32, #tpu.memory_space<hbm>>
      tpu.wait_dma2 semaphore(%run_scoped3A_32 : memref<!tpu.dma_semaphore, #tpu.memory_space<semaphore_mem>>) src(%dma_wait3A_38 : memref<256x32xf32, #tpu.memory_space<hbm>>) dst(%arg9 : memref<256x32xf32, #tpu.memory_space<vmem>>)
      tpu.yield
    }) : () -> ()
    %mul3A_3 = arith.constant 256 : i32
    %mul3A_4 = arith.muli %arg1, %mul3A_3 : i32
    "tpu.region"() ({
      %run_scoped3A_32 = tpu.sem_alloc : memref<!tpu.dma_semaphore, #tpu.memory_space<semaphore_mem>>
      %dma_start3A = arith.constant 0 : i32
      %dma_start3A_33 = tpu.memref_slice %arg10[%mul3A_4, %dma_start3A] : memref<4096x32xf32, #tpu.memory_space<vmem_shared>> -> memref<256x32xf32, #tpu.memory_space<vmem_shared>>
      %dma_start3A_34 = arith.constant 0 : i32
      %dma_start3A_35 = tpu.memref_slice %arg10[%mul3A_4, %dma_start3A_34] : memref<4096x32xf32, #tpu.memory_space<vmem_shared>> -> memref<256x32xf32, #tpu.memory_space<vmem_shared>>
      tpu.enqueue_dma source(%arg9 : memref<256x32xf32, #tpu.memory_space<vmem>>) target(%dma_start3A_35 : memref<256x32xf32, #tpu.memory_space<vmem_shared>>) target_semaphore(%run_scoped3A_32 : memref<!tpu.dma_semaphore, #tpu.memory_space<semaphore_mem>>)
      %dma_wait3A = arith.constant 0 : i32
      %dma_wait3A_36 = tpu.memref_slice %arg10[%mul3A_4, %dma_wait3A] : memref<4096x32xf32, #tpu.memory_space<vmem_shared>> -> memref<256x32xf32, #tpu.memory_space<vmem_shared>>
      %dma_wait3A_37 = arith.constant 0 : i32
      %dma_wait3A_38 = tpu.memref_slice %arg10[%mul3A_4, %dma_wait3A_37] : memref<4096x32xf32, #tpu.memory_space<vmem_shared>> -> memref<256x32xf32, #tpu.memory_space<vmem_shared>>
      tpu.wait_dma2 semaphore(%run_scoped3A_32 : memref<!tpu.dma_semaphore, #tpu.memory_space<semaphore_mem>>) src(%arg9 : memref<256x32xf32, #tpu.memory_space<vmem>>) dst(%dma_wait3A_38 : memref<256x32xf32, #tpu.memory_space<vmem_shared>>)
      tpu.yield
    }) : () -> ()
    %barrier3A = arith.constant 0 : index
    tpu.barrier barrier_id(%barrier3A)
    "tpu.region"() ({
      %run_scoped3A_32 = tpu.sem_alloc : memref<!tpu.dma_semaphore, #tpu.memory_space<semaphore_mem>>
      %dma_start3A = arith.constant 0 : i32
      %dma_start3A_33 = arith.constant 0 : i32
      %dma_start3A_34 = tpu.memref_slice %arg3[%add3A, %dma_start3A, %dma_start3A_33] : memref<32x16x128xi32, #tpu.memory_space<hbm>> -> memref<1x16x128xi32, #tpu.memory_space<hbm>>
      %dma_start3A_35 = tpu.memref_squeeze %dma_start3A_34 : memref<1x16x128xi32, #tpu.memory_space<hbm>> -> memref<16x128xi32, #tpu.memory_space<hbm>>
      %dma_start3A_36 = arith.constant 0 : i32
      %dma_start3A_37 = arith.constant 0 : i32
      %dma_start3A_38 = tpu.memref_slice %arg3[%add3A, %dma_start3A_36, %dma_start3A_37] : memref<32x16x128xi32, #tpu.memory_space<hbm>> -> memref<1x16x128xi32, #tpu.memory_space<hbm>>
      %dma_start3A_39 = tpu.memref_squeeze %dma_start3A_38 : memref<1x16x128xi32, #tpu.memory_space<hbm>> -> memref<16x128xi32, #tpu.memory_space<hbm>>
      tpu.enqueue_dma source(%dma_start3A_39 : memref<16x128xi32, #tpu.memory_space<hbm>>) target(%arg7 : memref<16x128xi32, #tpu.memory_space<vmem>>) target_semaphore(%run_scoped3A_32 : memref<!tpu.dma_semaphore, #tpu.memory_space<semaphore_mem>>)
      %dma_wait3A = arith.constant 0 : i32
      %dma_wait3A_40 = arith.constant 0 : i32
      %dma_wait3A_41 = tpu.memref_slice %arg3[%add3A, %dma_wait3A, %dma_wait3A_40] : memref<32x16x128xi32, #tpu.memory_space<hbm>> -> memref<1x16x128xi32, #tpu.memory_space<hbm>>
      %dma_wait3A_42 = tpu.memref_squeeze %dma_wait3A_41 : memref<1x16x128xi32, #tpu.memory_space<hbm>> -> memref<16x128xi32, #tpu.memory_space<hbm>>
      %dma_wait3A_43 = arith.constant 0 : i32
      %dma_wait3A_44 = arith.constant 0 : i32
      %dma_wait3A_45 = tpu.memref_slice %arg3[%add3A, %dma_wait3A_43, %dma_wait3A_44] : memref<32x16x128xi32, #tpu.memory_space<hbm>> -> memref<1x16x128xi32, #tpu.memory_space<hbm>>
      %dma_wait3A_46 = tpu.memref_squeeze %dma_wait3A_45 : memref<1x16x128xi32, #tpu.memory_space<hbm>> -> memref<16x128xi32, #tpu.memory_space<hbm>>
      tpu.wait_dma2 semaphore(%run_scoped3A_32 : memref<!tpu.dma_semaphore, #tpu.memory_space<semaphore_mem>>) src(%dma_wait3A_46 : memref<16x128xi32, #tpu.memory_space<hbm>>) dst(%arg7 : memref<16x128xi32, #tpu.memory_space<vmem>>)
      tpu.yield
    }) : () -> ()
    %mul3A_5 = arith.constant 2048 : i32
    %mul3A_6 = arith.muli %add3A, %mul3A_5 : i32
    "tpu.region"() ({
      %run_scoped3A_32 = tpu.sem_alloc : memref<!tpu.dma_semaphore, #tpu.memory_space<semaphore_mem>>
      %dma_start3A = arith.constant 0 : i32
      %dma_start3A_33 = tpu.memref_slice %arg2[%mul3A_6, %dma_start3A] : memref<65536x32xf32, #tpu.memory_space<hbm>> -> memref<2048x32xf32, #tpu.memory_space<hbm>>
      %dma_start3A_34 = arith.constant 0 : i32
      %dma_start3A_35 = tpu.memref_slice %arg2[%mul3A_6, %dma_start3A_34] : memref<65536x32xf32, #tpu.memory_space<hbm>> -> memref<2048x32xf32, #tpu.memory_space<hbm>>
      tpu.enqueue_dma source(%dma_start3A_35 : memref<2048x32xf32, #tpu.memory_space<hbm>>) target(%arg8 : memref<2048x32xf32, #tpu.memory_space<vmem>>) target_semaphore(%run_scoped3A_32 : memref<!tpu.dma_semaphore, #tpu.memory_space<semaphore_mem>>)
      %dma_wait3A = arith.constant 0 : i32
      %dma_wait3A_36 = tpu.memref_slice %arg2[%mul3A_6, %dma_wait3A] : memref<65536x32xf32, #tpu.memory_space<hbm>> -> memref<2048x32xf32, #tpu.memory_space<hbm>>
      %dma_wait3A_37 = arith.constant 0 : i32
      %dma_wait3A_38 = tpu.memref_slice %arg2[%mul3A_6, %dma_wait3A_37] : memref<65536x32xf32, #tpu.memory_space<hbm>> -> memref<2048x32xf32, #tpu.memory_space<hbm>>
      tpu.wait_dma2 semaphore(%run_scoped3A_32 : memref<!tpu.dma_semaphore, #tpu.memory_space<semaphore_mem>>) src(%dma_wait3A_38 : memref<2048x32xf32, #tpu.memory_space<hbm>>) dst(%arg8 : memref<2048x32xf32, #tpu.memory_space<vmem>>)
      tpu.yield
    }) : () -> ()
    %run_scoped3A = arith.constant 0 : i32
    "tpu.region"() ({
      %run_scoped3A_32 = tpu.sem_alloc : memref<!tpu.dma_semaphore, #tpu.memory_space<semaphore_mem>>
      %dma_start3A = arith.constant 0 : i32
      %dma_start3A_33 = arith.constant 0 : i32
      %dma_start3A_34 = tpu.memref_slice %arg8[%dma_start3A, %dma_start3A_33] : memref<2048x32xf32, #tpu.memory_space<vmem>> -> memref<128x32xf32, #tpu.memory_space<vmem>>
      %dma_start3A_35 = arith.constant 0 : i32
      %dma_start3A_36 = tpu.memref_slice %arg7[%run_scoped3A, %dma_start3A_35] : memref<16x128xi32, #tpu.memory_space<vmem>> -> memref<1x128xi32, #tpu.memory_space<vmem>>
      %dma_start3A_37 = tpu.memref_squeeze %dma_start3A_36 : memref<1x128xi32, #tpu.memory_space<vmem>> -> memref<128xi32, #tpu.memory_space<vmem>>
      %dma_start3A_38 = arith.constant 0 : i32
      %dma_start3A_39 = arith.constant 0 : i32
      %dma_start3A_40 = tpu.memref_slice %arg10[%dma_start3A_38, %dma_start3A_39] : memref<4096x32xf32, #tpu.memory_space<vmem_shared>> -> memref<4096x32xf32, #tpu.memory_space<vmem_shared>>
      tpu.enqueue_indirect_dma source(%dma_start3A_34 : memref<128x32xf32, #tpu.memory_space<vmem>>) target(%dma_start3A_40 : memref<4096x32xf32, #tpu.memory_space<vmem_shared>>) offsets(%dma_start3A_37 : memref<128xi32, #tpu.memory_space<vmem>>) semaphore(%run_scoped3A_32 : memref<!tpu.dma_semaphore, #tpu.memory_space<semaphore_mem>>) {add = true}
      %dma_wait3A = arith.constant 0 : i32
      %dma_wait3A_41 = arith.constant 0 : i32
      %dma_wait3A_42 = tpu.memref_slice %arg8[%dma_wait3A, %dma_wait3A_41] : memref<2048x32xf32, #tpu.memory_space<vmem>> -> memref<128x32xf32, #tpu.memory_space<vmem>>
      %dma_wait3A_43 = arith.constant 0 : i32
      %dma_wait3A_44 = tpu.memref_slice %arg7[%run_scoped3A, %dma_wait3A_43] : memref<16x128xi32, #tpu.memory_space<vmem>> -> memref<1x128xi32, #tpu.memory_space<vmem>>
      %dma_wait3A_45 = tpu.memref_squeeze %dma_wait3A_44 : memref<1x128xi32, #tpu.memory_space<vmem>> -> memref<128xi32, #tpu.memory_space<vmem>>
      %dma_wait3A_46 = arith.constant 0 : i32
      %dma_wait3A_47 = arith.constant 0 : i32
      %dma_wait3A_48 = tpu.memref_slice %arg10[%dma_wait3A_46, %dma_wait3A_47] : memref<4096x32xf32, #tpu.memory_space<vmem_shared>> -> memref<4096x32xf32, #tpu.memory_space<vmem_shared>>
      tpu.wait_indirect_dma semaphore(%run_scoped3A_32 : memref<!tpu.dma_semaphore, #tpu.memory_space<semaphore_mem>>) src(%dma_wait3A_42 : memref<128x32xf32, #tpu.memory_space<vmem>>) dst(%dma_wait3A_48 : memref<4096x32xf32, #tpu.memory_space<vmem_shared>>)
      tpu.yield
    }) : () -> ()
    %run_scoped3A_7 = arith.constant 1 : i32
    "tpu.region"() ({
      %run_scoped3A_32 = tpu.sem_alloc : memref<!tpu.dma_semaphore, #tpu.memory_space<semaphore_mem>>
      %dma_start3A = arith.constant 128 : i32
      %dma_start3A_33 = arith.constant 0 : i32
      %dma_start3A_34 = tpu.memref_slice %arg8[%dma_start3A, %dma_start3A_33] : memref<2048x32xf32, #tpu.memory_space<vmem>> -> memref<128x32xf32, #tpu.memory_space<vmem>>
      %dma_start3A_35 = arith.constant 0 : i32
      %dma_start3A_36 = tpu.memref_slice %arg7[%run_scoped3A_7, %dma_start3A_35] : memref<16x128xi32, #tpu.memory_space<vmem>> -> memref<1x128xi32, #tpu.memory_space<vmem>>
      %dma_start3A_37 = tpu.memref_squeeze %dma_start3A_36 : memref<1x128xi32, #tpu.memory_space<vmem>> -> memref<128xi32, #tpu.memory_space<vmem>>
      %dma_start3A_38 = arith.constant 0 : i32
      %dma_start3A_39 = arith.constant 0 : i32
      %dma_start3A_40 = tpu.memref_slice %arg10[%dma_start3A_38, %dma_start3A_39] : memref<4096x32xf32, #tpu.memory_space<vmem_shared>> -> memref<4096x32xf32, #tpu.memory_space<vmem_shared>>
      tpu.enqueue_indirect_dma source(%dma_start3A_34 : memref<128x32xf32, #tpu.memory_space<vmem>>) target(%dma_start3A_40 : memref<4096x32xf32, #tpu.memory_space<vmem_shared>>) offsets(%dma_start3A_37 : memref<128xi32, #tpu.memory_space<vmem>>) semaphore(%run_scoped3A_32 : memref<!tpu.dma_semaphore, #tpu.memory_space<semaphore_mem>>) {add = true}
      %dma_wait3A = arith.constant 128 : i32
      %dma_wait3A_41 = arith.constant 0 : i32
      %dma_wait3A_42 = tpu.memref_slice %arg8[%dma_wait3A, %dma_wait3A_41] : memref<2048x32xf32, #tpu.memory_space<vmem>> -> memref<128x32xf32, #tpu.memory_space<vmem>>
      %dma_wait3A_43 = arith.constant 0 : i32
      %dma_wait3A_44 = tpu.memref_slice %arg7[%run_scoped3A_7, %dma_wait3A_43] : memref<16x128xi32, #tpu.memory_space<vmem>> -> memref<1x128xi32, #tpu.memory_space<vmem>>
      %dma_wait3A_45 = tpu.memref_squeeze %dma_wait3A_44 : memref<1x128xi32, #tpu.memory_space<vmem>> -> memref<128xi32, #tpu.memory_space<vmem>>
      %dma_wait3A_46 = arith.constant 0 : i32
      %dma_wait3A_47 = arith.constant 0 : i32
      %dma_wait3A_48 = tpu.memref_slice %arg10[%dma_wait3A_46, %dma_wait3A_47] : memref<4096x32xf32, #tpu.memory_space<vmem_shared>> -> memref<4096x32xf32, #tpu.memory_space<vmem_shared>>
      tpu.wait_indirect_dma semaphore(%run_scoped3A_32 : memref<!tpu.dma_semaphore, #tpu.memory_space<semaphore_mem>>) src(%dma_wait3A_42 : memref<128x32xf32, #tpu.memory_space<vmem>>) dst(%dma_wait3A_48 : memref<4096x32xf32, #tpu.memory_space<vmem_shared>>)
      tpu.yield
    }) : () -> ()
    %run_scoped3A_8 = arith.constant 2 : i32
    "tpu.region"() ({
      %run_scoped3A_32 = tpu.sem_alloc : memref<!tpu.dma_semaphore, #tpu.memory_space<semaphore_mem>>
      %dma_start3A = arith.constant 256 : i32
      %dma_start3A_33 = arith.constant 0 : i32
      %dma_start3A_34 = tpu.memref_slice %arg8[%dma_start3A, %dma_start3A_33] : memref<2048x32xf32, #tpu.memory_space<vmem>> -> memref<128x32xf32, #tpu.memory_space<vmem>>
      %dma_start3A_35 = arith.constant 0 : i32
      %dma_start3A_36 = tpu.memref_slice %arg7[%run_scoped3A_8, %dma_start3A_35] : memref<16x128xi32, #tpu.memory_space<vmem>> -> memref<1x128xi32, #tpu.memory_space<vmem>>
      %dma_start3A_37 = tpu.memref_squeeze %dma_start3A_36 : memref<1x128xi32, #tpu.memory_space<vmem>> -> memref<128xi32, #tpu.memory_space<vmem>>
      %dma_start3A_38 = arith.constant 0 : i32
      %dma_start3A_39 = arith.constant 0 : i32
      %dma_start3A_40 = tpu.memref_slice %arg10[%dma_start3A_38, %dma_start3A_39] : memref<4096x32xf32, #tpu.memory_space<vmem_shared>> -> memref<4096x32xf32, #tpu.memory_space<vmem_shared>>
      tpu.enqueue_indirect_dma source(%dma_start3A_34 : memref<128x32xf32, #tpu.memory_space<vmem>>) target(%dma_start3A_40 : memref<4096x32xf32, #tpu.memory_space<vmem_shared>>) offsets(%dma_start3A_37 : memref<128xi32, #tpu.memory_space<vmem>>) semaphore(%run_scoped3A_32 : memref<!tpu.dma_semaphore, #tpu.memory_space<semaphore_mem>>) {add = true}
      %dma_wait3A = arith.constant 256 : i32
      %dma_wait3A_41 = arith.constant 0 : i32
      %dma_wait3A_42 = tpu.memref_slice %arg8[%dma_wait3A, %dma_wait3A_41] : memref<2048x32xf32, #tpu.memory_space<vmem>> -> memref<128x32xf32, #tpu.memory_space<vmem>>
      %dma_wait3A_43 = arith.constant 0 : i32
      %dma_wait3A_44 = tpu.memref_slice %arg7[%run_scoped3A_8, %dma_wait3A_43] : memref<16x128xi32, #tpu.memory_space<vmem>> -> memref<1x128xi32, #tpu.memory_space<vmem>>
      %dma_wait3A_45 = tpu.memref_squeeze %dma_wait3A_44 : memref<1x128xi32, #tpu.memory_space<vmem>> -> memref<128xi32, #tpu.memory_space<vmem>>
      %dma_wait3A_46 = arith.constant 0 : i32
      %dma_wait3A_47 = arith.constant 0 : i32
      %dma_wait3A_48 = tpu.memref_slice %arg10[%dma_wait3A_46, %dma_wait3A_47] : memref<4096x32xf32, #tpu.memory_space<vmem_shared>> -> memref<4096x32xf32, #tpu.memory_space<vmem_shared>>
      tpu.wait_indirect_dma semaphore(%run_scoped3A_32 : memref<!tpu.dma_semaphore, #tpu.memory_space<semaphore_mem>>) src(%dma_wait3A_42 : memref<128x32xf32, #tpu.memory_space<vmem>>) dst(%dma_wait3A_48 : memref<4096x32xf32, #tpu.memory_space<vmem_shared>>)
      tpu.yield
    }) : () -> ()
    %run_scoped3A_9 = arith.constant 3 : i32
    "tpu.region"() ({
      %run_scoped3A_32 = tpu.sem_alloc : memref<!tpu.dma_semaphore, #tpu.memory_space<semaphore_mem>>
      %dma_start3A = arith.constant 384 : i32
      %dma_start3A_33 = arith.constant 0 : i32
      %dma_start3A_34 = tpu.memref_slice %arg8[%dma_start3A, %dma_start3A_33] : memref<2048x32xf32, #tpu.memory_space<vmem>> -> memref<128x32xf32, #tpu.memory_space<vmem>>
      %dma_start3A_35 = arith.constant 0 : i32
      %dma_start3A_36 = tpu.memref_slice %arg7[%run_scoped3A_9, %dma_start3A_35] : memref<16x128xi32, #tpu.memory_space<vmem>> -> memref<1x128xi32, #tpu.memory_space<vmem>>
      %dma_start3A_37 = tpu.memref_squeeze %dma_start3A_36 : memref<1x128xi32, #tpu.memory_space<vmem>> -> memref<128xi32, #tpu.memory_space<vmem>>
      %dma_start3A_38 = arith.constant 0 : i32
      %dma_start3A_39 = arith.constant 0 : i32
      %dma_start3A_40 = tpu.memref_slice %arg10[%dma_start3A_38, %dma_start3A_39] : memref<4096x32xf32, #tpu.memory_space<vmem_shared>> -> memref<4096x32xf32, #tpu.memory_space<vmem_shared>>
      tpu.enqueue_indirect_dma source(%dma_start3A_34 : memref<128x32xf32, #tpu.memory_space<vmem>>) target(%dma_start3A_40 : memref<4096x32xf32, #tpu.memory_space<vmem_shared>>) offsets(%dma_start3A_37 : memref<128xi32, #tpu.memory_space<vmem>>) semaphore(%run_scoped3A_32 : memref<!tpu.dma_semaphore, #tpu.memory_space<semaphore_mem>>) {add = true}
      %dma_wait3A = arith.constant 384 : i32
      %dma_wait3A_41 = arith.constant 0 : i32
      %dma_wait3A_42 = tpu.memref_slice %arg8[%dma_wait3A, %dma_wait3A_41] : memref<2048x32xf32, #tpu.memory_space<vmem>> -> memref<128x32xf32, #tpu.memory_space<vmem>>
      %dma_wait3A_43 = arith.constant 0 : i32
      %dma_wait3A_44 = tpu.memref_slice %arg7[%run_scoped3A_9, %dma_wait3A_43] : memref<16x128xi32, #tpu.memory_space<vmem>> -> memref<1x128xi32, #tpu.memory_space<vmem>>
      %dma_wait3A_45 = tpu.memref_squeeze %dma_wait3A_44 : memref<1x128xi32, #tpu.memory_space<vmem>> -> memref<128xi32, #tpu.memory_space<vmem>>
      %dma_wait3A_46 = arith.constant 0 : i32
      %dma_wait3A_47 = arith.constant 0 : i32
      %dma_wait3A_48 = tpu.memref_slice %arg10[%dma_wait3A_46, %dma_wait3A_47] : memref<4096x32xf32, #tpu.memory_space<vmem_shared>> -> memref<4096x32xf32, #tpu.memory_space<vmem_shared>>
      tpu.wait_indirect_dma semaphore(%run_scoped3A_32 : memref<!tpu.dma_semaphore, #tpu.memory_space<semaphore_mem>>) src(%dma_wait3A_42 : memref<128x32xf32, #tpu.memory_space<vmem>>) dst(%dma_wait3A_48 : memref<4096x32xf32, #tpu.memory_space<vmem_shared>>)
      tpu.yield
    }) : () -> ()
    %run_scoped3A_10 = arith.constant 4 : i32
    "tpu.region"() ({
      %run_scoped3A_32 = tpu.sem_alloc : memref<!tpu.dma_semaphore, #tpu.memory_space<semaphore_mem>>
      %dma_start3A = arith.constant 512 : i32
      %dma_start3A_33 = arith.constant 0 : i32
      %dma_start3A_34 = tpu.memref_slice %arg8[%dma_start3A, %dma_start3A_33] : memref<2048x32xf32, #tpu.memory_space<vmem>> -> memref<128x32xf32, #tpu.memory_space<vmem>>
      %dma_start3A_35 = arith.constant 0 : i32
      %dma_start3A_36 = tpu.memref_slice %arg7[%run_scoped3A_10, %dma_start3A_35] : memref<16x128xi32, #tpu.memory_space<vmem>> -> memref<1x128xi32, #tpu.memory_space<vmem>>
      %dma_start3A_37 = tpu.memref_squeeze %dma_start3A_36 : memref<1x128xi32, #tpu.memory_space<vmem>> -> memref<128xi32, #tpu.memory_space<vmem>>
      %dma_start3A_38 = arith.constant 0 : i32
      %dma_start3A_39 = arith.constant 0 : i32
      %dma_start3A_40 = tpu.memref_slice %arg10[%dma_start3A_38, %dma_start3A_39] : memref<4096x32xf32, #tpu.memory_space<vmem_shared>> -> memref<4096x32xf32, #tpu.memory_space<vmem_shared>>
      tpu.enqueue_indirect_dma source(%dma_start3A_34 : memref<128x32xf32, #tpu.memory_space<vmem>>) target(%dma_start3A_40 : memref<4096x32xf32, #tpu.memory_space<vmem_shared>>) offsets(%dma_start3A_37 : memref<128xi32, #tpu.memory_space<vmem>>) semaphore(%run_scoped3A_32 : memref<!tpu.dma_semaphore, #tpu.memory_space<semaphore_mem>>) {add = true}
      %dma_wait3A = arith.constant 512 : i32
      %dma_wait3A_41 = arith.constant 0 : i32
      %dma_wait3A_42 = tpu.memref_slice %arg8[%dma_wait3A, %dma_wait3A_41] : memref<2048x32xf32, #tpu.memory_space<vmem>> -> memref<128x32xf32, #tpu.memory_space<vmem>>
      %dma_wait3A_43 = arith.constant 0 : i32
      %dma_wait3A_44 = tpu.memref_slice %arg7[%run_scoped3A_10, %dma_wait3A_43] : memref<16x128xi32, #tpu.memory_space<vmem>> -> memref<1x128xi32, #tpu.memory_space<vmem>>
      %dma_wait3A_45 = tpu.memref_squeeze %dma_wait3A_44 : memref<1x128xi32, #tpu.memory_space<vmem>> -> memref<128xi32, #tpu.memory_space<vmem>>
      %dma_wait3A_46 = arith.constant 0 : i32
      %dma_wait3A_47 = arith.constant 0 : i32
      %dma_wait3A_48 = tpu.memref_slice %arg10[%dma_wait3A_46, %dma_wait3A_47] : memref<4096x32xf32, #tpu.memory_space<vmem_shared>> -> memref<4096x32xf32, #tpu.memory_space<vmem_shared>>
      tpu.wait_indirect_dma semaphore(%run_scoped3A_32 : memref<!tpu.dma_semaphore, #tpu.memory_space<semaphore_mem>>) src(%dma_wait3A_42 : memref<128x32xf32, #tpu.memory_space<vmem>>) dst(%dma_wait3A_48 : memref<4096x32xf32, #tpu.memory_space<vmem_shared>>)
      tpu.yield
    }) : () -> ()
    %run_scoped3A_11 = arith.constant 5 : i32
    "tpu.region"() ({
      %run_scoped3A_32 = tpu.sem_alloc : memref<!tpu.dma_semaphore, #tpu.memory_space<semaphore_mem>>
      %dma_start3A = arith.constant 640 : i32
      %dma_start3A_33 = arith.constant 0 : i32
      %dma_start3A_34 = tpu.memref_slice %arg8[%dma_start3A, %dma_start3A_33] : memref<2048x32xf32, #tpu.memory_space<vmem>> -> memref<128x32xf32, #tpu.memory_space<vmem>>
      %dma_start3A_35 = arith.constant 0 : i32
      %dma_start3A_36 = tpu.memref_slice %arg7[%run_scoped3A_11, %dma_start3A_35] : memref<16x128xi32, #tpu.memory_space<vmem>> -> memref<1x128xi32, #tpu.memory_space<vmem>>
      %dma_start3A_37 = tpu.memref_squeeze %dma_start3A_36 : memref<1x128xi32, #tpu.memory_space<vmem>> -> memref<128xi32, #tpu.memory_space<vmem>>
      %dma_start3A_38 = arith.constant 0 : i32
      %dma_start3A_39 = arith.constant 0 : i32
      %dma_start3A_40 = tpu.memref_slice %arg10[%dma_start3A_38, %dma_start3A_39] : memref<4096x32xf32, #tpu.memory_space<vmem_shared>> -> memref<4096x32xf32, #tpu.memory_space<vmem_shared>>
      tpu.enqueue_indirect_dma source(%dma_start3A_34 : memref<128x32xf32, #tpu.memory_space<vmem>>) target(%dma_start3A_40 : memref<4096x32xf32, #tpu.memory_space<vmem_shared>>) offsets(%dma_start3A_37 : memref<128xi32, #tpu.memory_space<vmem>>) semaphore(%run_scoped3A_32 : memref<!tpu.dma_semaphore, #tpu.memory_space<semaphore_mem>>) {add = true}
      %dma_wait3A = arith.constant 640 : i32
      %dma_wait3A_41 = arith.constant 0 : i32
      %dma_wait3A_42 = tpu.memref_slice %arg8[%dma_wait3A, %dma_wait3A_41] : memref<2048x32xf32, #tpu.memory_space<vmem>> -> memref<128x32xf32, #tpu.memory_space<vmem>>
      %dma_wait3A_43 = arith.constant 0 : i32
      %dma_wait3A_44 = tpu.memref_slice %arg7[%run_scoped3A_11, %dma_wait3A_43] : memref<16x128xi32, #tpu.memory_space<vmem>> -> memref<1x128xi32, #tpu.memory_space<vmem>>
      %dma_wait3A_45 = tpu.memref_squeeze %dma_wait3A_44 : memref<1x128xi32, #tpu.memory_space<vmem>> -> memref<128xi32, #tpu.memory_space<vmem>>
      %dma_wait3A_46 = arith.constant 0 : i32
      %dma_wait3A_47 = arith.constant 0 : i32
      %dma_wait3A_48 = tpu.memref_slice %arg10[%dma_wait3A_46, %dma_wait3A_47] : memref<4096x32xf32, #tpu.memory_space<vmem_shared>> -> memref<4096x32xf32, #tpu.memory_space<vmem_shared>>
      tpu.wait_indirect_dma semaphore(%run_scoped3A_32 : memref<!tpu.dma_semaphore, #tpu.memory_space<semaphore_mem>>) src(%dma_wait3A_42 : memref<128x32xf32, #tpu.memory_space<vmem>>) dst(%dma_wait3A_48 : memref<4096x32xf32, #tpu.memory_space<vmem_shared>>)
      tpu.yield
    }) : () -> ()
    %run_scoped3A_12 = arith.constant 6 : i32
    "tpu.region"() ({
      %run_scoped3A_32 = tpu.sem_alloc : memref<!tpu.dma_semaphore, #tpu.memory_space<semaphore_mem>>
      %dma_start3A = arith.constant 768 : i32
      %dma_start3A_33 = arith.constant 0 : i32
      %dma_start3A_34 = tpu.memref_slice %arg8[%dma_start3A, %dma_start3A_33] : memref<2048x32xf32, #tpu.memory_space<vmem>> -> memref<128x32xf32, #tpu.memory_space<vmem>>
      %dma_start3A_35 = arith.constant 0 : i32
      %dma_start3A_36 = tpu.memref_slice %arg7[%run_scoped3A_12, %dma_start3A_35] : memref<16x128xi32, #tpu.memory_space<vmem>> -> memref<1x128xi32, #tpu.memory_space<vmem>>
      %dma_start3A_37 = tpu.memref_squeeze %dma_start3A_36 : memref<1x128xi32, #tpu.memory_space<vmem>> -> memref<128xi32, #tpu.memory_space<vmem>>
      %dma_start3A_38 = arith.constant 0 : i32
      %dma_start3A_39 = arith.constant 0 : i32
      %dma_start3A_40 = tpu.memref_slice %arg10[%dma_start3A_38, %dma_start3A_39] : memref<4096x32xf32, #tpu.memory_space<vmem_shared>> -> memref<4096x32xf32, #tpu.memory_space<vmem_shared>>
      tpu.enqueue_indirect_dma source(%dma_start3A_34 : memref<128x32xf32, #tpu.memory_space<vmem>>) target(%dma_start3A_40 : memref<4096x32xf32, #tpu.memory_space<vmem_shared>>) offsets(%dma_start3A_37 : memref<128xi32, #tpu.memory_space<vmem>>) semaphore(%run_scoped3A_32 : memref<!tpu.dma_semaphore, #tpu.memory_space<semaphore_mem>>) {add = true}
      %dma_wait3A = arith.constant 768 : i32
      %dma_wait3A_41 = arith.constant 0 : i32
      %dma_wait3A_42 = tpu.memref_slice %arg8[%dma_wait3A, %dma_wait3A_41] : memref<2048x32xf32, #tpu.memory_space<vmem>> -> memref<128x32xf32, #tpu.memory_space<vmem>>
      %dma_wait3A_43 = arith.constant 0 : i32
      %dma_wait3A_44 = tpu.memref_slice %arg7[%run_scoped3A_12, %dma_wait3A_43] : memref<16x128xi32, #tpu.memory_space<vmem>> -> memref<1x128xi32, #tpu.memory_space<vmem>>
      %dma_wait3A_45 = tpu.memref_squeeze %dma_wait3A_44 : memref<1x128xi32, #tpu.memory_space<vmem>> -> memref<128xi32, #tpu.memory_space<vmem>>
      %dma_wait3A_46 = arith.constant 0 : i32
      %dma_wait3A_47 = arith.constant 0 : i32
      %dma_wait3A_48 = tpu.memref_slice %arg10[%dma_wait3A_46, %dma_wait3A_47] : memref<4096x32xf32, #tpu.memory_space<vmem_shared>> -> memref<4096x32xf32, #tpu.memory_space<vmem_shared>>
      tpu.wait_indirect_dma semaphore(%run_scoped3A_32 : memref<!tpu.dma_semaphore, #tpu.memory_space<semaphore_mem>>) src(%dma_wait3A_42 : memref<128x32xf32, #tpu.memory_space<vmem>>) dst(%dma_wait3A_48 : memref<4096x32xf32, #tpu.memory_space<vmem_shared>>)
      tpu.yield
    }) : () -> ()
    %run_scoped3A_13 = arith.constant 7 : i32
    "tpu.region"() ({
      %run_scoped3A_32 = tpu.sem_alloc : memref<!tpu.dma_semaphore, #tpu.memory_space<semaphore_mem>>
      %dma_start3A = arith.constant 896 : i32
      %dma_start3A_33 = arith.constant 0 : i32
      %dma_start3A_34 = tpu.memref_slice %arg8[%dma_start3A, %dma_start3A_33] : memref<2048x32xf32, #tpu.memory_space<vmem>> -> memref<128x32xf32, #tpu.memory_space<vmem>>
      %dma_start3A_35 = arith.constant 0 : i32
      %dma_start3A_36 = tpu.memref_slice %arg7[%run_scoped3A_13, %dma_start3A_35] : memref<16x128xi32, #tpu.memory_space<vmem>> -> memref<1x128xi32, #tpu.memory_space<vmem>>
      %dma_start3A_37 = tpu.memref_squeeze %dma_start3A_36 : memref<1x128xi32, #tpu.memory_space<vmem>> -> memref<128xi32, #tpu.memory_space<vmem>>
      %dma_start3A_38 = arith.constant 0 : i32
      %dma_start3A_39 = arith.constant 0 : i32
      %dma_start3A_40 = tpu.memref_slice %arg10[%dma_start3A_38, %dma_start3A_39] : memref<4096x32xf32, #tpu.memory_space<vmem_shared>> -> memref<4096x32xf32, #tpu.memory_space<vmem_shared>>
      tpu.enqueue_indirect_dma source(%dma_start3A_34 : memref<128x32xf32, #tpu.memory_space<vmem>>) target(%dma_start3A_40 : memref<4096x32xf32, #tpu.memory_space<vmem_shared>>) offsets(%dma_start3A_37 : memref<128xi32, #tpu.memory_space<vmem>>) semaphore(%run_scoped3A_32 : memref<!tpu.dma_semaphore, #tpu.memory_space<semaphore_mem>>) {add = true}
      %dma_wait3A = arith.constant 896 : i32
      %dma_wait3A_41 = arith.constant 0 : i32
      %dma_wait3A_42 = tpu.memref_slice %arg8[%dma_wait3A, %dma_wait3A_41] : memref<2048x32xf32, #tpu.memory_space<vmem>> -> memref<128x32xf32, #tpu.memory_space<vmem>>
      %dma_wait3A_43 = arith.constant 0 : i32
      %dma_wait3A_44 = tpu.memref_slice %arg7[%run_scoped3A_13, %dma_wait3A_43] : memref<16x128xi32, #tpu.memory_space<vmem>> -> memref<1x128xi32, #tpu.memory_space<vmem>>
      %dma_wait3A_45 = tpu.memref_squeeze %dma_wait3A_44 : memref<1x128xi32, #tpu.memory_space<vmem>> -> memref<128xi32, #tpu.memory_space<vmem>>
      %dma_wait3A_46 = arith.constant 0 : i32
      %dma_wait3A_47 = arith.constant 0 : i32
      %dma_wait3A_48 = tpu.memref_slice %arg10[%dma_wait3A_46, %dma_wait3A_47] : memref<4096x32xf32, #tpu.memory_space<vmem_shared>> -> memref<4096x32xf32, #tpu.memory_space<vmem_shared>>
      tpu.wait_indirect_dma semaphore(%run_scoped3A_32 : memref<!tpu.dma_semaphore, #tpu.memory_space<semaphore_mem>>) src(%dma_wait3A_42 : memref<128x32xf32, #tpu.memory_space<vmem>>) dst(%dma_wait3A_48 : memref<4096x32xf32, #tpu.memory_space<vmem_shared>>)
      tpu.yield
    }) : () -> ()
    %run_scoped3A_14 = arith.constant 8 : i32
    "tpu.region"() ({
      %run_scoped3A_32 = tpu.sem_alloc : memref<!tpu.dma_semaphore, #tpu.memory_space<semaphore_mem>>
      %dma_start3A = arith.constant 1024 : i32
      %dma_start3A_33 = arith.constant 0 : i32
      %dma_start3A_34 = tpu.memref_slice %arg8[%dma_start3A, %dma_start3A_33] : memref<2048x32xf32, #tpu.memory_space<vmem>> -> memref<128x32xf32, #tpu.memory_space<vmem>>
      %dma_start3A_35 = arith.constant 0 : i32
      %dma_start3A_36 = tpu.memref_slice %arg7[%run_scoped3A_14, %dma_start3A_35] : memref<16x128xi32, #tpu.memory_space<vmem>> -> memref<1x128xi32, #tpu.memory_space<vmem>>
      %dma_start3A_37 = tpu.memref_squeeze %dma_start3A_36 : memref<1x128xi32, #tpu.memory_space<vmem>> -> memref<128xi32, #tpu.memory_space<vmem>>
      %dma_start3A_38 = arith.constant 0 : i32
      %dma_start3A_39 = arith.constant 0 : i32
      %dma_start3A_40 = tpu.memref_slice %arg10[%dma_start3A_38, %dma_start3A_39] : memref<4096x32xf32, #tpu.memory_space<vmem_shared>> -> memref<4096x32xf32, #tpu.memory_space<vmem_shared>>
      tpu.enqueue_indirect_dma source(%dma_start3A_34 : memref<128x32xf32, #tpu.memory_space<vmem>>) target(%dma_start3A_40 : memref<4096x32xf32, #tpu.memory_space<vmem_shared>>) offsets(%dma_start3A_37 : memref<128xi32, #tpu.memory_space<vmem>>) semaphore(%run_scoped3A_32 : memref<!tpu.dma_semaphore, #tpu.memory_space<semaphore_mem>>) {add = true}
      %dma_wait3A = arith.constant 1024 : i32
      %dma_wait3A_41 = arith.constant 0 : i32
      %dma_wait3A_42 = tpu.memref_slice %arg8[%dma_wait3A, %dma_wait3A_41] : memref<2048x32xf32, #tpu.memory_space<vmem>> -> memref<128x32xf32, #tpu.memory_space<vmem>>
      %dma_wait3A_43 = arith.constant 0 : i32
      %dma_wait3A_44 = tpu.memref_slice %arg7[%run_scoped3A_14, %dma_wait3A_43] : memref<16x128xi32, #tpu.memory_space<vmem>> -> memref<1x128xi32, #tpu.memory_space<vmem>>
      %dma_wait3A_45 = tpu.memref_squeeze %dma_wait3A_44 : memref<1x128xi32, #tpu.memory_space<vmem>> -> memref<128xi32, #tpu.memory_space<vmem>>
      %dma_wait3A_46 = arith.constant 0 : i32
      %dma_wait3A_47 = arith.constant 0 : i32
      %dma_wait3A_48 = tpu.memref_slice %arg10[%dma_wait3A_46, %dma_wait3A_47] : memref<4096x32xf32, #tpu.memory_space<vmem_shared>> -> memref<4096x32xf32, #tpu.memory_space<vmem_shared>>
      tpu.wait_indirect_dma semaphore(%run_scoped3A_32 : memref<!tpu.dma_semaphore, #tpu.memory_space<semaphore_mem>>) src(%dma_wait3A_42 : memref<128x32xf32, #tpu.memory_space<vmem>>) dst(%dma_wait3A_48 : memref<4096x32xf32, #tpu.memory_space<vmem_shared>>)
      tpu.yield
    }) : () -> ()
    %run_scoped3A_15 = arith.constant 9 : i32
    "tpu.region"() ({
      %run_scoped3A_32 = tpu.sem_alloc : memref<!tpu.dma_semaphore, #tpu.memory_space<semaphore_mem>>
      %dma_start3A = arith.constant 1152 : i32
      %dma_start3A_33 = arith.constant 0 : i32
      %dma_start3A_34 = tpu.memref_slice %arg8[%dma_start3A, %dma_start3A_33] : memref<2048x32xf32, #tpu.memory_space<vmem>> -> memref<128x32xf32, #tpu.memory_space<vmem>>
      %dma_start3A_35 = arith.constant 0 : i32
      %dma_start3A_36 = tpu.memref_slice %arg7[%run_scoped3A_15, %dma_start3A_35] : memref<16x128xi32, #tpu.memory_space<vmem>> -> memref<1x128xi32, #tpu.memory_space<vmem>>
      %dma_start3A_37 = tpu.memref_squeeze %dma_start3A_36 : memref<1x128xi32, #tpu.memory_space<vmem>> -> memref<128xi32, #tpu.memory_space<vmem>>
      %dma_start3A_38 = arith.constant 0 : i32
      %dma_start3A_39 = arith.constant 0 : i32
      %dma_start3A_40 = tpu.memref_slice %arg10[%dma_start3A_38, %dma_start3A_39] : memref<4096x32xf32, #tpu.memory_space<vmem_shared>> -> memref<4096x32xf32, #tpu.memory_space<vmem_shared>>
      tpu.enqueue_indirect_dma source(%dma_start3A_34 : memref<128x32xf32, #tpu.memory_space<vmem>>) target(%dma_start3A_40 : memref<4096x32xf32, #tpu.memory_space<vmem_shared>>) offsets(%dma_start3A_37 : memref<128xi32, #tpu.memory_space<vmem>>) semaphore(%run_scoped3A_32 : memref<!tpu.dma_semaphore, #tpu.memory_space<semaphore_mem>>) {add = true}
      %dma_wait3A = arith.constant 1152 : i32
      %dma_wait3A_41 = arith.constant 0 : i32
      %dma_wait3A_42 = tpu.memref_slice %arg8[%dma_wait3A, %dma_wait3A_41] : memref<2048x32xf32, #tpu.memory_space<vmem>> -> memref<128x32xf32, #tpu.memory_space<vmem>>
      %dma_wait3A_43 = arith.constant 0 : i32
      %dma_wait3A_44 = tpu.memref_slice %arg7[%run_scoped3A_15, %dma_wait3A_43] : memref<16x128xi32, #tpu.memory_space<vmem>> -> memref<1x128xi32, #tpu.memory_space<vmem>>
      %dma_wait3A_45 = tpu.memref_squeeze %dma_wait3A_44 : memref<1x128xi32, #tpu.memory_space<vmem>> -> memref<128xi32, #tpu.memory_space<vmem>>
      %dma_wait3A_46 = arith.constant 0 : i32
      %dma_wait3A_47 = arith.constant 0 : i32
      %dma_wait3A_48 = tpu.memref_slice %arg10[%dma_wait3A_46, %dma_wait3A_47] : memref<4096x32xf32, #tpu.memory_space<vmem_shared>> -> memref<4096x32xf32, #tpu.memory_space<vmem_shared>>
      tpu.wait_indirect_dma semaphore(%run_scoped3A_32 : memref<!tpu.dma_semaphore, #tpu.memory_space<semaphore_mem>>) src(%dma_wait3A_42 : memref<128x32xf32, #tpu.memory_space<vmem>>) dst(%dma_wait3A_48 : memref<4096x32xf32, #tpu.memory_space<vmem_shared>>)
      tpu.yield
    }) : () -> ()
    %run_scoped3A_16 = arith.constant 10 : i32
    "tpu.region"() ({
      %run_scoped3A_32 = tpu.sem_alloc : memref<!tpu.dma_semaphore, #tpu.memory_space<semaphore_mem>>
      %dma_start3A = arith.constant 1280 : i32
      %dma_start3A_33 = arith.constant 0 : i32
      %dma_start3A_34 = tpu.memref_slice %arg8[%dma_start3A, %dma_start3A_33] : memref<2048x32xf32, #tpu.memory_space<vmem>> -> memref<128x32xf32, #tpu.memory_space<vmem>>
      %dma_start3A_35 = arith.constant 0 : i32
      %dma_start3A_36 = tpu.memref_slice %arg7[%run_scoped3A_16, %dma_start3A_35] : memref<16x128xi32, #tpu.memory_space<vmem>> -> memref<1x128xi32, #tpu.memory_space<vmem>>
      %dma_start3A_37 = tpu.memref_squeeze %dma_start3A_36 : memref<1x128xi32, #tpu.memory_space<vmem>> -> memref<128xi32, #tpu.memory_space<vmem>>
      %dma_start3A_38 = arith.constant 0 : i32
      %dma_start3A_39 = arith.constant 0 : i32
      %dma_start3A_40 = tpu.memref_slice %arg10[%dma_start3A_38, %dma_start3A_39] : memref<4096x32xf32, #tpu.memory_space<vmem_shared>> -> memref<4096x32xf32, #tpu.memory_space<vmem_shared>>
      tpu.enqueue_indirect_dma source(%dma_start3A_34 : memref<128x32xf32, #tpu.memory_space<vmem>>) target(%dma_start3A_40 : memref<4096x32xf32, #tpu.memory_space<vmem_shared>>) offsets(%dma_start3A_37 : memref<128xi32, #tpu.memory_space<vmem>>) semaphore(%run_scoped3A_32 : memref<!tpu.dma_semaphore, #tpu.memory_space<semaphore_mem>>) {add = true}
      %dma_wait3A = arith.constant 1280 : i32
      %dma_wait3A_41 = arith.constant 0 : i32
      %dma_wait3A_42 = tpu.memref_slice %arg8[%dma_wait3A, %dma_wait3A_41] : memref<2048x32xf32, #tpu.memory_space<vmem>> -> memref<128x32xf32, #tpu.memory_space<vmem>>
      %dma_wait3A_43 = arith.constant 0 : i32
      %dma_wait3A_44 = tpu.memref_slice %arg7[%run_scoped3A_16, %dma_wait3A_43] : memref<16x128xi32, #tpu.memory_space<vmem>> -> memref<1x128xi32, #tpu.memory_space<vmem>>
      %dma_wait3A_45 = tpu.memref_squeeze %dma_wait3A_44 : memref<1x128xi32, #tpu.memory_space<vmem>> -> memref<128xi32, #tpu.memory_space<vmem>>
      %dma_wait3A_46 = arith.constant 0 : i32
      %dma_wait3A_47 = arith.constant 0 : i32
      %dma_wait3A_48 = tpu.memref_slice %arg10[%dma_wait3A_46, %dma_wait3A_47] : memref<4096x32xf32, #tpu.memory_space<vmem_shared>> -> memref<4096x32xf32, #tpu.memory_space<vmem_shared>>
      tpu.wait_indirect_dma semaphore(%run_scoped3A_32 : memref<!tpu.dma_semaphore, #tpu.memory_space<semaphore_mem>>) src(%dma_wait3A_42 : memref<128x32xf32, #tpu.memory_space<vmem>>) dst(%dma_wait3A_48 : memref<4096x32xf32, #tpu.memory_space<vmem_shared>>)
      tpu.yield
    }) : () -> ()
    %run_scoped3A_17 = arith.constant 11 : i32
    "tpu.region"() ({
      %run_scoped3A_32 = tpu.sem_alloc : memref<!tpu.dma_semaphore, #tpu.memory_space<semaphore_mem>>
      %dma_start3A = arith.constant 1408 : i32
      %dma_start3A_33 = arith.constant 0 : i32
      %dma_start3A_34 = tpu.memref_slice %arg8[%dma_start3A, %dma_start3A_33] : memref<2048x32xf32, #tpu.memory_space<vmem>> -> memref<128x32xf32, #tpu.memory_space<vmem>>
      %dma_start3A_35 = arith.constant 0 : i32
      %dma_start3A_36 = tpu.memref_slice %arg7[%run_scoped3A_17, %dma_start3A_35] : memref<16x128xi32, #tpu.memory_space<vmem>> -> memref<1x128xi32, #tpu.memory_space<vmem>>
      %dma_start3A_37 = tpu.memref_squeeze %dma_start3A_36 : memref<1x128xi32, #tpu.memory_space<vmem>> -> memref<128xi32, #tpu.memory_space<vmem>>
      %dma_start3A_38 = arith.constant 0 : i32
      %dma_start3A_39 = arith.constant 0 : i32
      %dma_start3A_40 = tpu.memref_slice %arg10[%dma_start3A_38, %dma_start3A_39] : memref<4096x32xf32, #tpu.memory_space<vmem_shared>> -> memref<4096x32xf32, #tpu.memory_space<vmem_shared>>
      tpu.enqueue_indirect_dma source(%dma_start3A_34 : memref<128x32xf32, #tpu.memory_space<vmem>>) target(%dma_start3A_40 : memref<4096x32xf32, #tpu.memory_space<vmem_shared>>) offsets(%dma_start3A_37 : memref<128xi32, #tpu.memory_space<vmem>>) semaphore(%run_scoped3A_32 : memref<!tpu.dma_semaphore, #tpu.memory_space<semaphore_mem>>) {add = true}
      %dma_wait3A = arith.constant 1408 : i32
      %dma_wait3A_41 = arith.constant 0 : i32
      %dma_wait3A_42 = tpu.memref_slice %arg8[%dma_wait3A, %dma_wait3A_41] : memref<2048x32xf32, #tpu.memory_space<vmem>> -> memref<128x32xf32, #tpu.memory_space<vmem>>
      %dma_wait3A_43 = arith.constant 0 : i32
      %dma_wait3A_44 = tpu.memref_slice %arg7[%run_scoped3A_17, %dma_wait3A_43] : memref<16x128xi32, #tpu.memory_space<vmem>> -> memref<1x128xi32, #tpu.memory_space<vmem>>
      %dma_wait3A_45 = tpu.memref_squeeze %dma_wait3A_44 : memref<1x128xi32, #tpu.memory_space<vmem>> -> memref<128xi32, #tpu.memory_space<vmem>>
      %dma_wait3A_46 = arith.constant 0 : i32
      %dma_wait3A_47 = arith.constant 0 : i32
      %dma_wait3A_48 = tpu.memref_slice %arg10[%dma_wait3A_46, %dma_wait3A_47] : memref<4096x32xf32, #tpu.memory_space<vmem_shared>> -> memref<4096x32xf32, #tpu.memory_space<vmem_shared>>
      tpu.wait_indirect_dma semaphore(%run_scoped3A_32 : memref<!tpu.dma_semaphore, #tpu.memory_space<semaphore_mem>>) src(%dma_wait3A_42 : memref<128x32xf32, #tpu.memory_space<vmem>>) dst(%dma_wait3A_48 : memref<4096x32xf32, #tpu.memory_space<vmem_shared>>)
      tpu.yield
    }) : () -> ()
    %run_scoped3A_18 = arith.constant 12 : i32
    "tpu.region"() ({
      %run_scoped3A_32 = tpu.sem_alloc : memref<!tpu.dma_semaphore, #tpu.memory_space<semaphore_mem>>
      %dma_start3A = arith.constant 1536 : i32
      %dma_start3A_33 = arith.constant 0 : i32
      %dma_start3A_34 = tpu.memref_slice %arg8[%dma_start3A, %dma_start3A_33] : memref<2048x32xf32, #tpu.memory_space<vmem>> -> memref<128x32xf32, #tpu.memory_space<vmem>>
      %dma_start3A_35 = arith.constant 0 : i32
      %dma_start3A_36 = tpu.memref_slice %arg7[%run_scoped3A_18, %dma_start3A_35] : memref<16x128xi32, #tpu.memory_space<vmem>> -> memref<1x128xi32, #tpu.memory_space<vmem>>
      %dma_start3A_37 = tpu.memref_squeeze %dma_start3A_36 : memref<1x128xi32, #tpu.memory_space<vmem>> -> memref<128xi32, #tpu.memory_space<vmem>>
      %dma_start3A_38 = arith.constant 0 : i32
      %dma_start3A_39 = arith.constant 0 : i32
      %dma_start3A_40 = tpu.memref_slice %arg10[%dma_start3A_38, %dma_start3A_39] : memref<4096x32xf32, #tpu.memory_space<vmem_shared>> -> memref<4096x32xf32, #tpu.memory_space<vmem_shared>>
      tpu.enqueue_indirect_dma source(%dma_start3A_34 : memref<128x32xf32, #tpu.memory_space<vmem>>) target(%dma_start3A_40 : memref<4096x32xf32, #tpu.memory_space<vmem_shared>>) offsets(%dma_start3A_37 : memref<128xi32, #tpu.memory_space<vmem>>) semaphore(%run_scoped3A_32 : memref<!tpu.dma_semaphore, #tpu.memory_space<semaphore_mem>>) {add = true}
      %dma_wait3A = arith.constant 1536 : i32
      %dma_wait3A_41 = arith.constant 0 : i32
      %dma_wait3A_42 = tpu.memref_slice %arg8[%dma_wait3A, %dma_wait3A_41] : memref<2048x32xf32, #tpu.memory_space<vmem>> -> memref<128x32xf32, #tpu.memory_space<vmem>>
      %dma_wait3A_43 = arith.constant 0 : i32
      %dma_wait3A_44 = tpu.memref_slice %arg7[%run_scoped3A_18, %dma_wait3A_43] : memref<16x128xi32, #tpu.memory_space<vmem>> -> memref<1x128xi32, #tpu.memory_space<vmem>>
      %dma_wait3A_45 = tpu.memref_squeeze %dma_wait3A_44 : memref<1x128xi32, #tpu.memory_space<vmem>> -> memref<128xi32, #tpu.memory_space<vmem>>
      %dma_wait3A_46 = arith.constant 0 : i32
      %dma_wait3A_47 = arith.constant 0 : i32
      %dma_wait3A_48 = tpu.memref_slice %arg10[%dma_wait3A_46, %dma_wait3A_47] : memref<4096x32xf32, #tpu.memory_space<vmem_shared>> -> memref<4096x32xf32, #tpu.memory_space<vmem_shared>>
      tpu.wait_indirect_dma semaphore(%run_scoped3A_32 : memref<!tpu.dma_semaphore, #tpu.memory_space<semaphore_mem>>) src(%dma_wait3A_42 : memref<128x32xf32, #tpu.memory_space<vmem>>) dst(%dma_wait3A_48 : memref<4096x32xf32, #tpu.memory_space<vmem_shared>>)
      tpu.yield
    }) : () -> ()
    %run_scoped3A_19 = arith.constant 13 : i32
    "tpu.region"() ({
      %run_scoped3A_32 = tpu.sem_alloc : memref<!tpu.dma_semaphore, #tpu.memory_space<semaphore_mem>>
      %dma_start3A = arith.constant 1664 : i32
      %dma_start3A_33 = arith.constant 0 : i32
      %dma_start3A_34 = tpu.memref_slice %arg8[%dma_start3A, %dma_start3A_33] : memref<2048x32xf32, #tpu.memory_space<vmem>> -> memref<128x32xf32, #tpu.memory_space<vmem>>
      %dma_start3A_35 = arith.constant 0 : i32
      %dma_start3A_36 = tpu.memref_slice %arg7[%run_scoped3A_19, %dma_start3A_35] : memref<16x128xi32, #tpu.memory_space<vmem>> -> memref<1x128xi32, #tpu.memory_space<vmem>>
      %dma_start3A_37 = tpu.memref_squeeze %dma_start3A_36 : memref<1x128xi32, #tpu.memory_space<vmem>> -> memref<128xi32, #tpu.memory_space<vmem>>
      %dma_start3A_38 = arith.constant 0 : i32
      %dma_start3A_39 = arith.constant 0 : i32
      %dma_start3A_40 = tpu.memref_slice %arg10[%dma_start3A_38, %dma_start3A_39] : memref<4096x32xf32, #tpu.memory_space<vmem_shared>> -> memref<4096x32xf32, #tpu.memory_space<vmem_shared>>
      tpu.enqueue_indirect_dma source(%dma_start3A_34 : memref<128x32xf32, #tpu.memory_space<vmem>>) target(%dma_start3A_40 : memref<4096x32xf32, #tpu.memory_space<vmem_shared>>) offsets(%dma_start3A_37 : memref<128xi32, #tpu.memory_space<vmem>>) semaphore(%run_scoped3A_32 : memref<!tpu.dma_semaphore, #tpu.memory_space<semaphore_mem>>) {add = true}
      %dma_wait3A = arith.constant 1664 : i32
      %dma_wait3A_41 = arith.constant 0 : i32
      %dma_wait3A_42 = tpu.memref_slice %arg8[%dma_wait3A, %dma_wait3A_41] : memref<2048x32xf32, #tpu.memory_space<vmem>> -> memref<128x32xf32, #tpu.memory_space<vmem>>
      %dma_wait3A_43 = arith.constant 0 : i32
      %dma_wait3A_44 = tpu.memref_slice %arg7[%run_scoped3A_19, %dma_wait3A_43] : memref<16x128xi32, #tpu.memory_space<vmem>> -> memref<1x128xi32, #tpu.memory_space<vmem>>
      %dma_wait3A_45 = tpu.memref_squeeze %dma_wait3A_44 : memref<1x128xi32, #tpu.memory_space<vmem>> -> memref<128xi32, #tpu.memory_space<vmem>>
      %dma_wait3A_46 = arith.constant 0 : i32
      %dma_wait3A_47 = arith.constant 0 : i32
      %dma_wait3A_48 = tpu.memref_slice %arg10[%dma_wait3A_46, %dma_wait3A_47] : memref<4096x32xf32, #tpu.memory_space<vmem_shared>> -> memref<4096x32xf32, #tpu.memory_space<vmem_shared>>
      tpu.wait_indirect_dma semaphore(%run_scoped3A_32 : memref<!tpu.dma_semaphore, #tpu.memory_space<semaphore_mem>>) src(%dma_wait3A_42 : memref<128x32xf32, #tpu.memory_space<vmem>>) dst(%dma_wait3A_48 : memref<4096x32xf32, #tpu.memory_space<vmem_shared>>)
      tpu.yield
    }) : () -> ()
    %run_scoped3A_20 = arith.constant 14 : i32
    "tpu.region"() ({
      %run_scoped3A_32 = tpu.sem_alloc : memref<!tpu.dma_semaphore, #tpu.memory_space<semaphore_mem>>
      %dma_start3A = arith.constant 1792 : i32
      %dma_start3A_33 = arith.constant 0 : i32
      %dma_start3A_34 = tpu.memref_slice %arg8[%dma_start3A, %dma_start3A_33] : memref<2048x32xf32, #tpu.memory_space<vmem>> -> memref<128x32xf32, #tpu.memory_space<vmem>>
      %dma_start3A_35 = arith.constant 0 : i32
      %dma_start3A_36 = tpu.memref_slice %arg7[%run_scoped3A_20, %dma_start3A_35] : memref<16x128xi32, #tpu.memory_space<vmem>> -> memref<1x128xi32, #tpu.memory_space<vmem>>
      %dma_start3A_37 = tpu.memref_squeeze %dma_start3A_36 : memref<1x128xi32, #tpu.memory_space<vmem>> -> memref<128xi32, #tpu.memory_space<vmem>>
      %dma_start3A_38 = arith.constant 0 : i32
      %dma_start3A_39 = arith.constant 0 : i32
      %dma_start3A_40 = tpu.memref_slice %arg10[%dma_start3A_38, %dma_start3A_39] : memref<4096x32xf32, #tpu.memory_space<vmem_shared>> -> memref<4096x32xf32, #tpu.memory_space<vmem_shared>>
      tpu.enqueue_indirect_dma source(%dma_start3A_34 : memref<128x32xf32, #tpu.memory_space<vmem>>) target(%dma_start3A_40 : memref<4096x32xf32, #tpu.memory_space<vmem_shared>>) offsets(%dma_start3A_37 : memref<128xi32, #tpu.memory_space<vmem>>) semaphore(%run_scoped3A_32 : memref<!tpu.dma_semaphore, #tpu.memory_space<semaphore_mem>>) {add = true}
      %dma_wait3A = arith.constant 1792 : i32
      %dma_wait3A_41 = arith.constant 0 : i32
      %dma_wait3A_42 = tpu.memref_slice %arg8[%dma_wait3A, %dma_wait3A_41] : memref<2048x32xf32, #tpu.memory_space<vmem>> -> memref<128x32xf32, #tpu.memory_space<vmem>>
      %dma_wait3A_43 = arith.constant 0 : i32
      %dma_wait3A_44 = tpu.memref_slice %arg7[%run_scoped3A_20, %dma_wait3A_43] : memref<16x128xi32, #tpu.memory_space<vmem>> -> memref<1x128xi32, #tpu.memory_space<vmem>>
      %dma_wait3A_45 = tpu.memref_squeeze %dma_wait3A_44 : memref<1x128xi32, #tpu.memory_space<vmem>> -> memref<128xi32, #tpu.memory_space<vmem>>
      %dma_wait3A_46 = arith.constant 0 : i32
      %dma_wait3A_47 = arith.constant 0 : i32
      %dma_wait3A_48 = tpu.memref_slice %arg10[%dma_wait3A_46, %dma_wait3A_47] : memref<4096x32xf32, #tpu.memory_space<vmem_shared>> -> memref<4096x32xf32, #tpu.memory_space<vmem_shared>>
      tpu.wait_indirect_dma semaphore(%run_scoped3A_32 : memref<!tpu.dma_semaphore, #tpu.memory_space<semaphore_mem>>) src(%dma_wait3A_42 : memref<128x32xf32, #tpu.memory_space<vmem>>) dst(%dma_wait3A_48 : memref<4096x32xf32, #tpu.memory_space<vmem_shared>>)
      tpu.yield
    }) : () -> ()
    %run_scoped3A_21 = arith.constant 15 : i32
    "tpu.region"() ({
      %run_scoped3A_32 = tpu.sem_alloc : memref<!tpu.dma_semaphore, #tpu.memory_space<semaphore_mem>>
      %dma_start3A = arith.constant 1920 : i32
      %dma_start3A_33 = arith.constant 0 : i32
      %dma_start3A_34 = tpu.memref_slice %arg8[%dma_start3A, %dma_start3A_33] : memref<2048x32xf32, #tpu.memory_space<vmem>> -> memref<128x32xf32, #tpu.memory_space<vmem>>
      %dma_start3A_35 = arith.constant 0 : i32
      %dma_start3A_36 = tpu.memref_slice %arg7[%run_scoped3A_21, %dma_start3A_35] : memref<16x128xi32, #tpu.memory_space<vmem>> -> memref<1x128xi32, #tpu.memory_space<vmem>>
      %dma_start3A_37 = tpu.memref_squeeze %dma_start3A_36 : memref<1x128xi32, #tpu.memory_space<vmem>> -> memref<128xi32, #tpu.memory_space<vmem>>
      %dma_start3A_38 = arith.constant 0 : i32
      %dma_start3A_39 = arith.constant 0 : i32
      %dma_start3A_40 = tpu.memref_slice %arg10[%dma_start3A_38, %dma_start3A_39] : memref<4096x32xf32, #tpu.memory_space<vmem_shared>> -> memref<4096x32xf32, #tpu.memory_space<vmem_shared>>
      tpu.enqueue_indirect_dma source(%dma_start3A_34 : memref<128x32xf32, #tpu.memory_space<vmem>>) target(%dma_start3A_40 : memref<4096x32xf32, #tpu.memory_space<vmem_shared>>) offsets(%dma_start3A_37 : memref<128xi32, #tpu.memory_space<vmem>>) semaphore(%run_scoped3A_32 : memref<!tpu.dma_semaphore, #tpu.memory_space<semaphore_mem>>) {add = true}
      %dma_wait3A = arith.constant 1920 : i32
      %dma_wait3A_41 = arith.constant 0 : i32
      %dma_wait3A_42 = tpu.memref_slice %arg8[%dma_wait3A, %dma_wait3A_41] : memref<2048x32xf32, #tpu.memory_space<vmem>> -> memref<128x32xf32, #tpu.memory_space<vmem>>
      %dma_wait3A_43 = arith.constant 0 : i32
      %dma_wait3A_44 = tpu.memref_slice %arg7[%run_scoped3A_21, %dma_wait3A_43] : memref<16x128xi32, #tpu.memory_space<vmem>> -> memref<1x128xi32, #tpu.memory_space<vmem>>
      %dma_wait3A_45 = tpu.memref_squeeze %dma_wait3A_44 : memref<1x128xi32, #tpu.memory_space<vmem>> -> memref<128xi32, #tpu.memory_space<vmem>>
      %dma_wait3A_46 = arith.constant 0 : i32
      %dma_wait3A_47 = arith.constant 0 : i32
      %dma_wait3A_48 = tpu.memref_slice %arg10[%dma_wait3A_46, %dma_wait3A_47] : memref<4096x32xf32, #tpu.memory_space<vmem_shared>> -> memref<4096x32xf32, #tpu.memory_space<vmem_shared>>
      tpu.wait_indirect_dma semaphore(%run_scoped3A_32 : memref<!tpu.dma_semaphore, #tpu.memory_space<semaphore_mem>>) src(%dma_wait3A_42 : memref<128x32xf32, #tpu.memory_space<vmem>>) dst(%dma_wait3A_48 : memref<4096x32xf32, #tpu.memory_space<vmem_shared>>)
      tpu.yield
    }) : () -> ()
    %barrier3A_22 = arith.constant 0 : index
    tpu.barrier barrier_id(%barrier3A_22)
    %mul3A_23 = arith.constant 256 : i32
    %mul3A_24 = arith.muli %arg1, %mul3A_23 : i32
    "tpu.region"() ({
      %run_scoped3A_32 = tpu.sem_alloc : memref<!tpu.dma_semaphore, #tpu.memory_space<semaphore_mem>>
      %dma_start3A = arith.constant 0 : i32
      %dma_start3A_33 = tpu.memref_slice %arg10[%mul3A_24, %dma_start3A] : memref<4096x32xf32, #tpu.memory_space<vmem_shared>> -> memref<256x32xf32, #tpu.memory_space<vmem_shared>>
      %dma_start3A_34 = arith.constant 0 : i32
      %dma_start3A_35 = tpu.memref_slice %arg10[%mul3A_24, %dma_start3A_34] : memref<4096x32xf32, #tpu.memory_space<vmem_shared>> -> memref<256x32xf32, #tpu.memory_space<vmem_shared>>
      tpu.enqueue_dma source(%dma_start3A_35 : memref<256x32xf32, #tpu.memory_space<vmem_shared>>) target(%arg9 : memref<256x32xf32, #tpu.memory_space<vmem>>) target_semaphore(%run_scoped3A_32 : memref<!tpu.dma_semaphore, #tpu.memory_space<semaphore_mem>>)
      %dma_wait3A = arith.constant 0 : i32
      %dma_wait3A_36 = tpu.memref_slice %arg10[%mul3A_24, %dma_wait3A] : memref<4096x32xf32, #tpu.memory_space<vmem_shared>> -> memref<256x32xf32, #tpu.memory_space<vmem_shared>>
      %dma_wait3A_37 = arith.constant 0 : i32
      %dma_wait3A_38 = tpu.memref_slice %arg10[%mul3A_24, %dma_wait3A_37] : memref<4096x32xf32, #tpu.memory_space<vmem_shared>> -> memref<256x32xf32, #tpu.memory_space<vmem_shared>>
      tpu.wait_dma2 semaphore(%run_scoped3A_32 : memref<!tpu.dma_semaphore, #tpu.memory_space<semaphore_mem>>) src(%dma_wait3A_38 : memref<256x32xf32, #tpu.memory_space<vmem_shared>>) dst(%arg9 : memref<256x32xf32, #tpu.memory_space<vmem>>)
      tpu.yield
    }) : () -> ()
    %eq3A = arith.constant 0 : i32
    %eq3A_25 = arith.cmpi eq, %arg0, %eq3A : i32
    %convert_element_type3A = arith.extui %eq3A_25 : i1 to i32
    %cond3A = arith.constant 0 : i32
    %cond3A_26 = arith.cmpi ne, %convert_element_type3A, %cond3A : i32
    scf.if %cond3A_26 {
      %mul3A_32 = arith.constant 256 : i32
      %mul3A_33 = arith.muli %arg1, %mul3A_32 : i32
      "tpu.region"() ({
        %run_scoped3A_34 = tpu.sem_alloc : memref<!tpu.dma_semaphore, #tpu.memory_space<semaphore_mem>>
        %dma_start3A = arith.constant 0 : i32
        %dma_start3A_35 = tpu.memref_slice %arg5[%mul3A_33, %dma_start3A] : memref<4096x128xf32, #tpu.memory_space<hbm>> -> memref<256x32xf32, #tpu.memory_space<hbm>>
        %dma_start3A_36 = arith.constant 0 : i32
        %dma_start3A_37 = tpu.memref_slice %arg5[%mul3A_33, %dma_start3A_36] : memref<4096x128xf32, #tpu.memory_space<hbm>> -> memref<256x32xf32, #tpu.memory_space<hbm>>
        tpu.enqueue_dma source(%arg9 : memref<256x32xf32, #tpu.memory_space<vmem>>) target(%dma_start3A_37 : memref<256x32xf32, #tpu.memory_space<hbm>>) target_semaphore(%run_scoped3A_34 : memref<!tpu.dma_semaphore, #tpu.memory_space<semaphore_mem>>)
        %dma_wait3A = arith.constant 0 : i32
        %dma_wait3A_38 = tpu.memref_slice %arg5[%mul3A_33, %dma_wait3A] : memref<4096x128xf32, #tpu.memory_space<hbm>> -> memref<256x32xf32, #tpu.memory_space<hbm>>
        %dma_wait3A_39 = arith.constant 0 : i32
        %dma_wait3A_40 = tpu.memref_slice %arg5[%mul3A_33, %dma_wait3A_39] : memref<4096x128xf32, #tpu.memory_space<hbm>> -> memref<256x32xf32, #tpu.memory_space<hbm>>
        tpu.wait_dma2 semaphore(%run_scoped3A_34 : memref<!tpu.dma_semaphore, #tpu.memory_space<semaphore_mem>>) src(%arg9 : memref<256x32xf32, #tpu.memory_space<vmem>>) dst(%dma_wait3A_40 : memref<256x32xf32, #tpu.memory_space<hbm>>)
        tpu.yield
      }) : () -> ()
    } else {
    }
    %eq3A_27 = arith.constant 1 : i32
    %eq3A_28 = arith.cmpi eq, %arg0, %eq3A_27 : i32
    %convert_element_type3A_29 = arith.extui %eq3A_28 : i1 to i32
    %cond3A_30 = arith.constant 0 : i32
    %cond3A_31 = arith.cmpi ne, %convert_element_type3A_29, %cond3A_30 : i32
    scf.if %cond3A_31 {
      %mul3A_32 = arith.constant 256 : i32
      %mul3A_33 = arith.muli %arg1, %mul3A_32 : i32
      "tpu.region"() ({
        %run_scoped3A_34 = tpu.sem_alloc : memref<!tpu.dma_semaphore, #tpu.memory_space<semaphore_mem>>
        %dma_start3A = arith.constant 0 : i32
        %dma_start3A_35 = tpu.memref_slice %arg6[%mul3A_33, %dma_start3A] : memref<4096x128xf32, #tpu.memory_space<hbm>> -> memref<256x32xf32, #tpu.memory_space<hbm>>
        %dma_start3A_36 = arith.constant 0 : i32
        %dma_start3A_37 = tpu.memref_slice %arg6[%mul3A_33, %dma_start3A_36] : memref<4096x128xf32, #tpu.memory_space<hbm>> -> memref<256x32xf32, #tpu.memory_space<hbm>>
        tpu.enqueue_dma source(%arg9 : memref<256x32xf32, #tpu.memory_space<vmem>>) target(%dma_start3A_37 : memref<256x32xf32, #tpu.memory_space<hbm>>) target_semaphore(%run_scoped3A_34 : memref<!tpu.dma_semaphore, #tpu.memory_space<semaphore_mem>>)
        %dma_wait3A = arith.constant 0 : i32
        %dma_wait3A_38 = tpu.memref_slice %arg6[%mul3A_33, %dma_wait3A] : memref<4096x128xf32, #tpu.memory_space<hbm>> -> memref<256x32xf32, #tpu.memory_space<hbm>>
        %dma_wait3A_39 = arith.constant 0 : i32
        %dma_wait3A_40 = tpu.memref_slice %arg6[%mul3A_33, %dma_wait3A_39] : memref<4096x128xf32, #tpu.memory_space<hbm>> -> memref<256x32xf32, #tpu.memory_space<hbm>>
        tpu.wait_dma2 semaphore(%run_scoped3A_34 : memref<!tpu.dma_semaphore, #tpu.memory_space<semaphore_mem>>) src(%arg9 : memref<256x32xf32, #tpu.memory_space<vmem>>) dst(%dma_wait3A_40 : memref<256x32xf32, #tpu.memory_space<hbm>>)
        tpu.yield
      }) : () -> ()
    } else {
    }
    return
  }
}

module attributes {stable_mosaic.version = 14 : i64} {
  func.func @_tc_table_body(%arg0: i32, %arg1: memref<32x1024xf32, #tpu.memory_space<vmem>>, %arg2: memref<16x1024xf32, #tpu.memory_space<vmem>>, %arg3: memref<32x32xf32, #tpu.memory_space<vmem>>, %arg4: memref<1024x48xf32, #tpu.memory_space<vmem>>) attributes {dimension_semantics = [#tpu.dimension_semantics<arbitrary>], iteration_bounds = array<i64: 4>, scalar_prefetch = 0 : i64, scratch_operands = 0 : i64, tpu.core_type = #tpu.core_type<tc>, window_params = [{transform_indices = @transform_0, window_bounds = array<i64: 32, 1024>}, {transform_indices = @transform_1, window_bounds = array<i64: 16, 1024>}, {pipeline_mode = #tpu.pipeline_mode<synchronous>, transform_indices = @transform_2, window_bounds = array<i64: 32, 32>}, {transform_indices = @transform_3, window_bounds = array<i64: 1024, 48>}]} {
    %get3A = arith.constant 0 : index
    %get3A_0 = arith.constant 0 : index
    %get3A_1 = vector.load %arg1[%get3A, %get3A_0] : memref<32x1024xf32, #tpu.memory_space<vmem>>, vector<32x1024xf32>
    %transpose3A = tpu.transpose %get3A_1, [1, 0] : vector<32x1024xf32> -> vector<1024x32xf32>
    %get3A_2 = arith.constant 0 : index
    %get3A_3 = arith.constant 0 : index
    %get3A_4 = vector.load %arg2[%get3A_2, %get3A_3] : memref<16x1024xf32, #tpu.memory_space<vmem>>, vector<16x1024xf32>
    %transpose3A_5 = tpu.transpose %get3A_4, [1, 0] : vector<16x1024xf32> -> vector<1024x16xf32>
    %get3A_6 = arith.constant 0 : index
    %get3A_7 = arith.constant 0 : index
    %get3A_8 = vector.load %arg3[%get3A_6, %get3A_7] : memref<32x32xf32, #tpu.memory_space<vmem>>, vector<32x32xf32>
    %dot_general3A = arith.constant dense<0.000000e+00> : vector<1024x32xf32>
    %dot_general3A_9 = tpu.matmul %transpose3A, %get3A_8, %dot_general3A {dimension_numbers = #tpu.dot_dimension_numbers<[1], [0], [0], [1], [0, 0, 1, 1], [], []>, transpose_lhs_hint = false} : vector<1024x32xf32>, vector<32x32xf32>, vector<1024x32xf32> -> vector<1024x32xf32>
    %mul3A = arith.constant 0.176776692 : f32
    %mul3A_10 = vector.broadcast %mul3A : f32 to vector<1024x32xf32>
    %mul3A_11 = arith.mulf %dot_general3A_9, %mul3A_10 : vector<1024x32xf32>
    %concatenate3A = tpu.concatenate %mul3A_11, %transpose3A_5 in 1 : vector<1024x32xf32>, vector<1024x16xf32> -> vector<1024x48xf32>
    %swap3A = arith.constant 0 : index
    %swap3A_12 = arith.constant 0 : index
    %swap3A_13 = vector.load %arg4[%swap3A, %swap3A_12] : memref<1024x48xf32, #tpu.memory_space<vmem>>, vector<1024x48xf32>
    tpu.vector_store %arg4[%swap3A, %swap3A_12], %concatenate3A {strides = array<i32>} : memref<1024x48xf32, #tpu.memory_space<vmem>>, vector<1024x48xf32>,
    return
  }
  func.func @transform_0(%arg0: i32) -> (i32, i32) {
    %c0_i32 = arith.constant 0 : i32
    %c0_i32_0 = arith.constant 0 : i32
    return %c0_i32, %arg0 : i32, i32
  }
  func.func @transform_1(%arg0: i32) -> (i32, i32) {
    %c0_i32 = arith.constant 0 : i32
    %c0_i32_0 = arith.constant 0 : i32
    return %c0_i32, %arg0 : i32, i32
  }
  func.func @transform_2(%arg0: i32) -> (i32, i32) {
    %c0_i32 = arith.constant 0 : i32
    %c0_i32_0 = arith.constant 0 : i32
    %c0_i32_1 = arith.constant 0 : i32
    return %c0_i32, %c0_i32_0 : i32, i32
  }
  func.func @transform_3(%arg0: i32) -> (i32, i32) {
    %c0_i32 = arith.constant 0 : i32
    %c0_i32_0 = arith.constant 0 : i32
    return %arg0, %c0_i32 : i32, i32
  }
}

module attributes {stable_mosaic.version = 14 : i64} {
  func.func @_tc_edge_body(%arg0: i32, %arg1: memref<1024x128xf32, #tpu.memory_space<vmem>>, %arg2: memref<1024x128xf32, #tpu.memory_space<vmem>>, %arg3: memref<32x1024xf32, #tpu.memory_space<vmem>>, %arg4: memref<32x1024xf32, #tpu.memory_space<vmem>>, %arg5: memref<32x32xf32, #tpu.memory_space<vmem>>, %arg6: memref<32x64xf32, #tpu.memory_space<vmem>>, %arg7: memref<96x2048xf32, #tpu.memory_space<vmem>>, %arg8: memref<64x1024xf32, #tpu.memory_space<vmem>>, %arg9: memref<32x32xf32, #tpu.memory_space<vmem>>, %arg10: memref<64x2048xf32, #tpu.memory_space<vmem>>, %arg11: memref<32x1024xf32, #tpu.memory_space<vmem>>, %arg12: memref<256x128xf32, #tpu.memory_space<vmem>>, %arg13: memref<32x1024xf32, #tpu.memory_space<vmem>>) attributes {dimension_semantics = [#tpu.dimension_semantics<arbitrary>], iteration_bounds = array<i64: 64>, scalar_prefetch = 0 : i64, scratch_operands = 0 : i64, tpu.core_type = #tpu.core_type<tc>, window_params = [{transform_indices = @transform_0, window_bounds = array<i64: 1024, 128>}, {transform_indices = @transform_1, window_bounds = array<i64: 1024, 128>}, {transform_indices = @transform_2, window_bounds = array<i64: 32, 1024>}, {transform_indices = @transform_3, window_bounds = array<i64: 32, 1024>}, {pipeline_mode = #tpu.pipeline_mode<synchronous>, transform_indices = @transform_4, window_bounds = array<i64: 32, 32>}, {pipeline_mode = #tpu.pipeline_mode<synchronous>, transform_indices = @transform_5, window_bounds = array<i64: 32, 64>}, {pipeline_mode = #tpu.pipeline_mode<synchronous>, transform_indices = @transform_6, window_bounds = array<i64: 96, 2048>}, {pipeline_mode = #tpu.pipeline_mode<synchronous>, transform_indices = @transform_7, window_bounds = array<i64: 64, 1024>}, {pipeline_mode = #tpu.pipeline_mode<synchronous>, transform_indices = @transform_8, window_bounds = array<i64: 32, 32>}, {pipeline_mode = #tpu.pipeline_mode<synchronous>, transform_indices = @transform_9, window_bounds = array<i64: 64, 2048>}, {pipeline_mode = #tpu.pipeline_mode<synchronous>, transform_indices = @transform_10, window_bounds = array<i64: 32, 1024>}, {transform_indices = @transform_11, window_bounds = array<i64: 256, 128>}, {transform_indices = @transform_12, window_bounds = array<i64: 32, 1024>}]} {
    %get3A = arith.constant 0 : index
    %get3A_0 = arith.constant 0 : index
    %get3A_1 = vector.load %arg1[%get3A, %get3A_0] : memref<1024x128xf32, #tpu.memory_space<vmem>>, vector<1024x128xf32>
    %get3A_2 = arith.constant 0 : index
    %get3A_3 = arith.constant 0 : index
    %get3A_4 = vector.load %arg2[%get3A_2, %get3A_3] : memref<1024x128xf32, #tpu.memory_space<vmem>>, vector<1024x128xf32>
    %get3A_5 = arith.constant 0 : index
    %get3A_6 = arith.constant 0 : index
    %get3A_7 = vector.load %arg3[%get3A_5, %get3A_6] : memref<32x1024xf32, #tpu.memory_space<vmem>>, vector<32x1024xf32>
    %get3A_8 = arith.constant 0 : index
    %get3A_9 = arith.constant 0 : index
    %get3A_10 = vector.load %arg4[%get3A_8, %get3A_9] : memref<32x1024xf32, #tpu.memory_space<vmem>>, vector<32x1024xf32>
    %transpose3A = tpu.transpose %get3A_10, [1, 0] : vector<32x1024xf32> -> vector<1024x32xf32>
    %get3A_11 = arith.constant 0 : index
    %get3A_12 = arith.constant 0 : index
    %get3A_13 = vector.load %arg5[%get3A_11, %get3A_12] : memref<32x32xf32, #tpu.memory_space<vmem>>, vector<32x32xf32>
    %dot_general3A = arith.constant dense<0.000000e+00> : vector<1024x32xf32>
    %dot_general3A_14 = tpu.matmul %get3A_7, %get3A_13, %dot_general3A {dimension_numbers = #tpu.dot_dimension_numbers<[0], [0], [1], [1], [0, 1, 1, 1], [], []>, transpose_lhs_hint = false} : vector<32x1024xf32>, vector<32x32xf32>, vector<1024x32xf32> -> vector<1024x32xf32>
    %mul3A = arith.constant 0.176776692 : f32
    %mul3A_15 = vector.broadcast %mul3A : f32 to vector<1024x32xf32>
    %mul3A_16 = arith.mulf %dot_general3A_14, %mul3A_15 : vector<1024x32xf32>
    %slice3A = vector.extract_strided_slice %get3A_1 {offsets = [0, 0], sizes = [1024, 32], strides = [1, 1]} : vector<1024x128xf32> to vector<1024x32xf32>
    %slice3A_17 = vector.extract_strided_slice %get3A_4 {offsets = [0, 0], sizes = [1024, 32], strides = [1, 1]} : vector<1024x128xf32> to vector<1024x32xf32>
    %concatenate3A = tpu.concatenate %slice3A, %slice3A_17, %mul3A_16 in 1 : vector<1024x32xf32>, vector<1024x32xf32>, vector<1024x32xf32> -> vector<1024x96xf32>
    %get3A_18 = arith.constant 0 : index
    %get3A_19 = arith.constant 0 : index
    %get3A_20 = vector.load %arg6[%get3A_18, %get3A_19] : memref<32x64xf32, #tpu.memory_space<vmem>>, vector<32x64xf32>
    %dot_general3A_21 = arith.constant dense<0.000000e+00> : vector<1024x64xf32>
    %dot_general3A_22 = tpu.matmul %transpose3A, %get3A_20, %dot_general3A_21 {dimension_numbers = #tpu.dot_dimension_numbers<[1], [0], [0], [1], [0, 0, 1, 1], [], []>, transpose_lhs_hint = false} : vector<1024x32xf32>, vector<32x64xf32>, vector<1024x64xf32> -> vector<1024x64xf32>
    %mul3A_23 = arith.constant 0.176776692 : f32
    %mul3A_24 = vector.broadcast %mul3A_23 : f32 to vector<1024x64xf32>
    %mul3A_25 = arith.mulf %dot_general3A_22, %mul3A_24 : vector<1024x64xf32>
    %logistic3A = arith.negf %mul3A_25 : vector<1024x64xf32>
    %logistic3A_26 = math.exp %logistic3A : vector<1024x64xf32>
    %logistic3A_27 = arith.constant 1.000000e+00 : f32
    %logistic3A_28 = vector.broadcast %logistic3A_27 : f32 to vector<1024x64xf32>
    %logistic3A_29 = arith.addf %logistic3A_28, %logistic3A_26 : vector<1024x64xf32>
    %logistic3A_30 = arith.divf %logistic3A_28, %logistic3A_29 : vector<1024x64xf32>
    %mul3A_31 = arith.mulf %mul3A_25, %logistic3A_30 : vector<1024x64xf32>
    %get3A_32 = arith.constant 0 : index
    %get3A_33 = arith.constant 0 : index
    %get3A_34 = vector.load %arg7[%get3A_32, %get3A_33] : memref<96x2048xf32, #tpu.memory_space<vmem>>, vector<96x2048xf32>
    %dot_general3A_35 = arith.constant dense<0.000000e+00> : vector<1024x2048xf32>
    %dot_general3A_36 = tpu.matmul %concatenate3A, %get3A_34, %dot_general3A_35 {dimension_numbers = #tpu.dot_dimension_numbers<[1], [0], [0], [1], [0, 0, 1, 1], [], []>, transpose_lhs_hint = false} : vector<1024x96xf32>, vector<96x2048xf32>, vector<1024x2048xf32> -> vector<1024x2048xf32>
    %get3A_37 = arith.constant 0 : index
    %get3A_38 = arith.constant 0 : index
    %get3A_39 = vector.load %arg10[%get3A_37, %get3A_38] : memref<64x2048xf32, #tpu.memory_space<vmem>>, vector<64x2048xf32>
    %dot_general3A_40 = arith.constant dense<0.000000e+00> : vector<1024x2048xf32>
    %dot_general3A_41 = tpu.matmul %mul3A_31, %get3A_39, %dot_general3A_40 {dimension_numbers = #tpu.dot_dimension_numbers<[1], [0], [0], [1], [0, 0, 1, 1], [], []>, transpose_lhs_hint = false} : vector<1024x64xf32>, vector<64x2048xf32>, vector<1024x2048xf32> -> vector<1024x2048xf32>
    %mul3A_42 = arith.mulf %dot_general3A_36, %dot_general3A_41 : vector<1024x2048xf32>
    %slice3A_43 = vector.extract_strided_slice %mul3A_42 {offsets = [0, 0], sizes = [1024, 1024], strides = [1, 1]} : vector<1024x2048xf32> to vector<1024x1024xf32>
    %slice3A_44 = vector.extract_strided_slice %mul3A_42 {offsets = [0, 1024], sizes = [1024, 1024], strides = [1, 1]} : vector<1024x2048xf32> to vector<1024x1024xf32>
    %add3A = arith.addf %slice3A_43, %slice3A_44 : vector<1024x1024xf32>
    %slice3A_45 = vector.extract_strided_slice %add3A {offsets = [0, 0], sizes = [1024, 512], strides = [1, 1]} : vector<1024x1024xf32> to vector<1024x512xf32>
    %slice3A_46 = vector.extract_strided_slice %add3A {offsets = [0, 512], sizes = [1024, 512], strides = [1, 1]} : vector<1024x1024xf32> to vector<1024x512xf32>
    %add3A_47 = arith.addf %slice3A_45, %slice3A_46 : vector<1024x512xf32>
    %slice3A_48 = vector.extract_strided_slice %add3A_47 {offsets = [0, 0], sizes = [1024, 256], strides = [1, 1]} : vector<1024x512xf32> to vector<1024x256xf32>
    %slice3A_49 = vector.extract_strided_slice %add3A_47 {offsets = [0, 256], sizes = [1024, 256], strides = [1, 1]} : vector<1024x512xf32> to vector<1024x256xf32>
    %add3A_50 = arith.addf %slice3A_48, %slice3A_49 : vector<1024x256xf32>
    %slice3A_51 = vector.extract_strided_slice %add3A_50 {offsets = [0, 0], sizes = [1024, 128], strides = [1, 1]} : vector<1024x256xf32> to vector<1024x128xf32>
    %slice3A_52 = vector.extract_strided_slice %add3A_50 {offsets = [0, 128], sizes = [1024, 128], strides = [1, 1]} : vector<1024x256xf32> to vector<1024x128xf32>
    %add3A_53 = arith.addf %slice3A_51, %slice3A_52 : vector<1024x128xf32>
    %slice3A_54 = vector.extract_strided_slice %add3A_53 {offsets = [0, 0], sizes = [1024, 64], strides = [1, 1]} : vector<1024x128xf32> to vector<1024x64xf32>
    %slice3A_55 = vector.extract_strided_slice %add3A_53 {offsets = [0, 64], sizes = [1024, 64], strides = [1, 1]} : vector<1024x128xf32> to vector<1024x64xf32>
    %add3A_56 = arith.addf %slice3A_54, %slice3A_55 : vector<1024x64xf32>
    %slice3A_57 = vector.extract_strided_slice %add3A_56 {offsets = [0, 0], sizes = [1024, 32], strides = [1, 1]} : vector<1024x64xf32> to vector<1024x32xf32>
    %slice3A_58 = vector.extract_strided_slice %add3A_56 {offsets = [0, 32], sizes = [1024, 32], strides = [1, 1]} : vector<1024x64xf32> to vector<1024x32xf32>
    %add3A_59 = arith.addf %slice3A_57, %slice3A_58 : vector<1024x32xf32>
    %mul3A_60 = arith.constant 0.0127577595 : f32
    %mul3A_61 = vector.broadcast %mul3A_60 : f32 to vector<1024x32xf32>
    %mul3A_62 = arith.mulf %add3A_59, %mul3A_61 : vector<1024x32xf32>
    %logistic3A_63 = arith.negf %mul3A_62 : vector<1024x32xf32>
    %logistic3A_64 = math.exp %logistic3A_63 : vector<1024x32xf32>
    %logistic3A_65 = arith.constant 1.000000e+00 : f32
    %logistic3A_66 = vector.broadcast %logistic3A_65 : f32 to vector<1024x32xf32>
    %logistic3A_67 = arith.addf %logistic3A_66, %logistic3A_64 : vector<1024x32xf32>
    %logistic3A_68 = arith.divf %logistic3A_66, %logistic3A_67 : vector<1024x32xf32>
    %mul3A_69 = arith.mulf %mul3A_62, %logistic3A_68 : vector<1024x32xf32>
    %slice3A_70 = vector.extract_strided_slice %get3A_1 {offsets = [0, 32], sizes = [1024, 16], strides = [1, 1]} : vector<1024x128xf32> to vector<1024x16xf32>
    %slice3A_71 = vector.extract_strided_slice %get3A_4 {offsets = [0, 32], sizes = [1024, 16], strides = [1, 1]} : vector<1024x128xf32> to vector<1024x16xf32>
    %concatenate3A_72 = tpu.concatenate %slice3A_70, %slice3A_71, %transpose3A in 1 : vector<1024x16xf32>, vector<1024x16xf32>, vector<1024x32xf32> -> vector<1024x64xf32>
    %get3A_73 = arith.constant 0 : index
    %get3A_74 = arith.constant 0 : index
    %get3A_75 = vector.load %arg8[%get3A_73, %get3A_74] : memref<64x1024xf32, #tpu.memory_space<vmem>>, vector<64x1024xf32>
    %dot_general3A_76 = arith.constant dense<0.000000e+00> : vector<1024x1024xf32>
    %dot_general3A_77 = tpu.matmul %concatenate3A_72, %get3A_75, %dot_general3A_76 {dimension_numbers = #tpu.dot_dimension_numbers<[1], [0], [0], [1], [0, 0, 1, 1], [], []>, transpose_lhs_hint = false} : vector<1024x64xf32>, vector<64x1024xf32>, vector<1024x1024xf32> -> vector<1024x1024xf32>
    %get3A_78 = arith.constant 0 : index
    %get3A_79 = arith.constant 0 : index
    %get3A_80 = vector.load %arg11[%get3A_78, %get3A_79] : memref<32x1024xf32, #tpu.memory_space<vmem>>, vector<32x1024xf32>
    %dot_general3A_81 = arith.constant dense<0.000000e+00> : vector<1024x1024xf32>
    %dot_general3A_82 = tpu.matmul %get3A_7, %get3A_80, %dot_general3A_81 {dimension_numbers = #tpu.dot_dimension_numbers<[0], [0], [1], [1], [0, 1, 1, 1], [], []>, transpose_lhs_hint = false} : vector<32x1024xf32>, vector<32x1024xf32>, vector<1024x1024xf32> -> vector<1024x1024xf32>
    %mul3A_83 = arith.mulf %dot_general3A_77, %dot_general3A_82 : vector<1024x1024xf32>
    %slice3A_84 = vector.extract_strided_slice %mul3A_83 {offsets = [0, 0], sizes = [1024, 512], strides = [1, 1]} : vector<1024x1024xf32> to vector<1024x512xf32>
    %slice3A_85 = vector.extract_strided_slice %mul3A_83 {offsets = [0, 512], sizes = [1024, 512], strides = [1, 1]} : vector<1024x1024xf32> to vector<1024x512xf32>
    %add3A_86 = arith.addf %slice3A_84, %slice3A_85 : vector<1024x512xf32>
    %slice3A_87 = vector.extract_strided_slice %add3A_86 {offsets = [0, 0], sizes = [1024, 256], strides = [1, 1]} : vector<1024x512xf32> to vector<1024x256xf32>
    %slice3A_88 = vector.extract_strided_slice %add3A_86 {offsets = [0, 256], sizes = [1024, 256], strides = [1, 1]} : vector<1024x512xf32> to vector<1024x256xf32>
    %add3A_89 = arith.addf %slice3A_87, %slice3A_88 : vector<1024x256xf32>
    %slice3A_90 = vector.extract_strided_slice %add3A_89 {offsets = [0, 0], sizes = [1024, 128], strides = [1, 1]} : vector<1024x256xf32> to vector<1024x128xf32>
    %slice3A_91 = vector.extract_strided_slice %add3A_89 {offsets = [0, 128], sizes = [1024, 128], strides = [1, 1]} : vector<1024x256xf32> to vector<1024x128xf32>
    %add3A_92 = arith.addf %slice3A_90, %slice3A_91 : vector<1024x128xf32>
    %slice3A_93 = vector.extract_strided_slice %add3A_92 {offsets = [0, 0], sizes = [1024, 64], strides = [1, 1]} : vector<1024x128xf32> to vector<1024x64xf32>
    %slice3A_94 = vector.extract_strided_slice %add3A_92 {offsets = [0, 64], sizes = [1024, 64], strides = [1, 1]} : vector<1024x128xf32> to vector<1024x64xf32>
    %add3A_95 = arith.addf %slice3A_93, %slice3A_94 : vector<1024x64xf32>
    %slice3A_96 = vector.extract_strided_slice %add3A_95 {offsets = [0, 0], sizes = [1024, 32], strides = [1, 1]} : vector<1024x64xf32> to vector<1024x32xf32>
    %slice3A_97 = vector.extract_strided_slice %add3A_95 {offsets = [0, 32], sizes = [1024, 32], strides = [1, 1]} : vector<1024x64xf32> to vector<1024x32xf32>
    %add3A_98 = arith.addf %slice3A_96, %slice3A_97 : vector<1024x32xf32>
    %mul3A_99 = arith.constant 0.0220970865 : f32
    %mul3A_100 = vector.broadcast %mul3A_99 : f32 to vector<1024x32xf32>
    %mul3A_101 = arith.mulf %add3A_98, %mul3A_100 : vector<1024x32xf32>
    %slice3A_102 = vector.extract_strided_slice %mul3A_69 {offsets = [0, 0], sizes = [256, 32], strides = [1, 1]} : vector<1024x32xf32> to vector<256x32xf32>
    %slice3A_103 = vector.extract_strided_slice %mul3A_69 {offsets = [256, 0], sizes = [256, 32], strides = [1, 1]} : vector<1024x32xf32> to vector<256x32xf32>
    %slice3A_104 = vector.extract_strided_slice %mul3A_69 {offsets = [512, 0], sizes = [256, 32], strides = [1, 1]} : vector<1024x32xf32> to vector<256x32xf32>
    %slice3A_105 = vector.extract_strided_slice %mul3A_69 {offsets = [768, 0], sizes = [256, 32], strides = [1, 1]} : vector<1024x32xf32> to vector<256x32xf32>
    %concatenate3A_106 = tpu.concatenate %slice3A_102, %slice3A_103, %slice3A_104, %slice3A_105 in 1 : vector<256x32xf32>, vector<256x32xf32>, vector<256x32xf32>, vector<256x32xf32> -> vector<256x128xf32>
    %swap3A = arith.constant 0 : index
    %swap3A_107 = arith.constant 0 : index
    %swap3A_108 = vector.load %arg12[%swap3A, %swap3A_107] : memref<256x128xf32, #tpu.memory_space<vmem>>, vector<256x128xf32>
    tpu.vector_store %arg12[%swap3A, %swap3A_107], %concatenate3A_106 {strides = array<i32>} : memref<256x128xf32, #tpu.memory_space<vmem>>, vector<256x128xf32>,
    %get3A_109 = arith.constant 0 : index
    %get3A_110 = arith.constant 0 : index
    %get3A_111 = vector.load %arg9[%get3A_109, %get3A_110] : memref<32x32xf32, #tpu.memory_space<vmem>>, vector<32x32xf32>
    %dot_general3A_112 = arith.constant dense<0.000000e+00> : vector<1024x32xf32>
    %dot_general3A_113 = tpu.matmul %mul3A_69, %get3A_111, %dot_general3A_112 {dimension_numbers = #tpu.dot_dimension_numbers<[1], [0], [0], [1], [0, 0, 1, 1], [], []>, transpose_lhs_hint = false} : vector<1024x32xf32>, vector<32x32xf32>, vector<1024x32xf32> -> vector<1024x32xf32>
    %mul3A_114 = arith.constant 0.176776692 : f32
    %mul3A_115 = vector.broadcast %mul3A_114 : f32 to vector<1024x32xf32>
    %mul3A_116 = arith.mulf %dot_general3A_113, %mul3A_115 : vector<1024x32xf32>
    %add3A_117 = arith.addf %mul3A_116, %mul3A_101 : vector<1024x32xf32>
    %transpose3A_118 = tpu.transpose %add3A_117, [1, 0] : vector<1024x32xf32> -> vector<32x1024xf32>
    %swap3A_119 = arith.constant 0 : index
    %swap3A_120 = arith.constant 0 : index
    %swap3A_121 = vector.load %arg13[%swap3A_119, %swap3A_120] : memref<32x1024xf32, #tpu.memory_space<vmem>>, vector<32x1024xf32>
    tpu.vector_store %arg13[%swap3A_119, %swap3A_120], %transpose3A_118 {strides = array<i32>} : memref<32x1024xf32, #tpu.memory_space<vmem>>, vector<32x1024xf32>,
    return
  }
  func.func @transform_0(%arg0: i32) -> (i32, i32) {
    %c0_i32 = arith.constant 0 : i32
    %c0_i32_0 = arith.constant 0 : i32
    return %arg0, %c0_i32 : i32, i32
  }
  func.func @transform_1(%arg0: i32) -> (i32, i32) {
    %c0_i32 = arith.constant 0 : i32
    %c0_i32_0 = arith.constant 0 : i32
    return %arg0, %c0_i32 : i32, i32
  }
  func.func @transform_2(%arg0: i32) -> (i32, i32) {
    %c0_i32 = arith.constant 0 : i32
    %c0_i32_0 = arith.constant 0 : i32
    return %c0_i32, %arg0 : i32, i32
  }
  func.func @transform_3(%arg0: i32) -> (i32, i32) {
    %c0_i32 = arith.constant 0 : i32
    %c0_i32_0 = arith.constant 0 : i32
    return %c0_i32, %arg0 : i32, i32
  }
  func.func @transform_4(%arg0: i32) -> (i32, i32) {
    %c0_i32 = arith.constant 0 : i32
    %c0_i32_0 = arith.constant 0 : i32
    %c0_i32_1 = arith.constant 0 : i32
    return %c0_i32, %c0_i32_0 : i32, i32
  }
  func.func @transform_5(%arg0: i32) -> (i32, i32) {
    %c0_i32 = arith.constant 0 : i32
    %c0_i32_0 = arith.constant 0 : i32
    %c0_i32_1 = arith.constant 0 : i32
    return %c0_i32, %c0_i32_0 : i32, i32
  }
  func.func @transform_6(%arg0: i32) -> (i32, i32) {
    %c0_i32 = arith.constant 0 : i32
    %c0_i32_0 = arith.constant 0 : i32
    %c0_i32_1 = arith.constant 0 : i32
    return %c0_i32, %c0_i32_0 : i32, i32
  }
  func.func @transform_7(%arg0: i32) -> (i32, i32) {
    %c0_i32 = arith.constant 0 : i32
    %c0_i32_0 = arith.constant 0 : i32
    %c0_i32_1 = arith.constant 0 : i32
    return %c0_i32, %c0_i32_0 : i32, i32
  }
  func.func @transform_8(%arg0: i32) -> (i32, i32) {
    %c0_i32 = arith.constant 0 : i32
    %c0_i32_0 = arith.constant 0 : i32
    %c0_i32_1 = arith.constant 0 : i32
    return %c0_i32, %c0_i32_0 : i32, i32
  }
  func.func @transform_9(%arg0: i32) -> (i32, i32) {
    %c0_i32 = arith.constant 0 : i32
    %c0_i32_0 = arith.constant 0 : i32
    %c0_i32_1 = arith.constant 0 : i32
    return %c0_i32, %c0_i32_0 : i32, i32
  }
  func.func @transform_10(%arg0: i32) -> (i32, i32) {
    %c0_i32 = arith.constant 0 : i32
    %c0_i32_0 = arith.constant 0 : i32
    %c0_i32_1 = arith.constant 0 : i32
    return %c0_i32, %c0_i32_0 : i32, i32
  }
  func.func @transform_11(%arg0: i32) -> (i32, i32) {
    %c0_i32 = arith.constant 0 : i32
    %c0_i32_0 = arith.constant 0 : i32
    return %arg0, %c0_i32 : i32, i32
  }
  func.func @transform_12(%arg0: i32) -> (i32, i32) {
    %c0_i32 = arith.constant 0 : i32
    %c0_i32_0 = arith.constant 0 : i32
    return %c0_i32, %arg0 : i32, i32
  }
}

module attributes {stable_mosaic.version = 14 : i64} {
  func.func @_tc_node_body(%arg0: i32, %arg1: memref<512x128xf32, #tpu.memory_space<vmem>>, %arg2: memref<512x128xf32, #tpu.memory_space<vmem>>, %arg3: memref<32x512xf32, #tpu.memory_space<vmem>>, %arg4: memref<16x512xf32, #tpu.memory_space<vmem>>, %arg5: memref<32x32xf32, #tpu.memory_space<vmem>>, %arg6: memref<32x512xf32, #tpu.memory_space<vmem>>, %arg7: memref<16x512xf32, #tpu.memory_space<vmem>>, %arg8: memref<32x512xf32, #tpu.memory_space<vmem>>) attributes {dimension_semantics = [#tpu.dimension_semantics<arbitrary>], iteration_bounds = array<i64: 8>, scalar_prefetch = 0 : i64, scratch_operands = 0 : i64, tpu.core_type = #tpu.core_type<tc>, window_params = [{transform_indices = @transform_0, window_bounds = array<i64: 512, 128>}, {transform_indices = @transform_1, window_bounds = array<i64: 512, 128>}, {transform_indices = @transform_2, window_bounds = array<i64: 32, 512>}, {transform_indices = @transform_3, window_bounds = array<i64: 16, 512>}, {pipeline_mode = #tpu.pipeline_mode<synchronous>, transform_indices = @transform_4, window_bounds = array<i64: 32, 32>}, {pipeline_mode = #tpu.pipeline_mode<synchronous>, transform_indices = @transform_5, window_bounds = array<i64: 32, 512>}, {pipeline_mode = #tpu.pipeline_mode<synchronous>, transform_indices = @transform_6, window_bounds = array<i64: 16, 512>}, {transform_indices = @transform_7, window_bounds = array<i64: 32, 512>}]} {
    %get3A = arith.constant 0 : index
    %get3A_0 = arith.constant 0 : index
    %get3A_1 = vector.load %arg1[%get3A, %get3A_0] : memref<512x128xf32, #tpu.memory_space<vmem>>, vector<512x32xf32>
    %get3A_2 = arith.constant 0 : index
    %get3A_3 = arith.constant 0 : index
    %get3A_4 = vector.load %arg2[%get3A_2, %get3A_3] : memref<512x128xf32, #tpu.memory_space<vmem>>, vector<512x32xf32>
    %add3A = arith.addf %get3A_1, %get3A_4 : vector<512x32xf32>
    %mul3A = arith.constant 6.250000e-02 : f32
    %mul3A_5 = vector.broadcast %mul3A : f32 to vector<512x32xf32>
    %mul3A_6 = arith.mulf %add3A, %mul3A_5 : vector<512x32xf32>
    %get3A_7 = arith.constant 0 : index
    %get3A_8 = arith.constant 0 : index
    %get3A_9 = vector.load %arg3[%get3A_7, %get3A_8] : memref<32x512xf32, #tpu.memory_space<vmem>>, vector<32x512xf32>
    %transpose3A = tpu.transpose %get3A_9, [1, 0] : vector<32x512xf32> -> vector<512x32xf32>
    %get3A_10 = arith.constant 0 : index
    %get3A_11 = arith.constant 0 : index
    %get3A_12 = vector.load %arg4[%get3A_10, %get3A_11] : memref<16x512xf32, #tpu.memory_space<vmem>>, vector<16x512xf32>
    %transpose3A_13 = tpu.transpose %get3A_12, [1, 0] : vector<16x512xf32> -> vector<512x16xf32>
    %get3A_14 = arith.constant 0 : index
    %get3A_15 = arith.constant 0 : index
    %get3A_16 = vector.load %arg6[%get3A_14, %get3A_15] : memref<32x512xf32, #tpu.memory_space<vmem>>, vector<32x512xf32>
    %dot_general3A = arith.constant dense<0.000000e+00> : vector<512x512xf32>
    %dot_general3A_17 = tpu.matmul %transpose3A, %get3A_16, %dot_general3A {dimension_numbers = #tpu.dot_dimension_numbers<[1], [0], [0], [1], [0, 0, 1, 1], [], []>, transpose_lhs_hint = false} : vector<512x32xf32>, vector<32x512xf32>, vector<512x512xf32> -> vector<512x512xf32>
    %get3A_18 = arith.constant 0 : index
    %get3A_19 = arith.constant 0 : index
    %get3A_20 = vector.load %arg7[%get3A_18, %get3A_19] : memref<16x512xf32, #tpu.memory_space<vmem>>, vector<16x512xf32>
    %dot_general3A_21 = arith.constant dense<0.000000e+00> : vector<512x512xf32>
    %dot_general3A_22 = tpu.matmul %transpose3A_13, %get3A_20, %dot_general3A_21 {dimension_numbers = #tpu.dot_dimension_numbers<[1], [0], [0], [1], [0, 0, 1, 1], [], []>, transpose_lhs_hint = false} : vector<512x16xf32>, vector<16x512xf32>, vector<512x512xf32> -> vector<512x512xf32>
    %mul3A_23 = arith.mulf %dot_general3A_17, %dot_general3A_22 : vector<512x512xf32>
    %slice3A = vector.extract_strided_slice %mul3A_23 {offsets = [0, 0], sizes = [512, 256], strides = [1, 1]} : vector<512x512xf32> to vector<512x256xf32>
    %slice3A_24 = vector.extract_strided_slice %mul3A_23 {offsets = [0, 256], sizes = [512, 256], strides = [1, 1]} : vector<512x512xf32> to vector<512x256xf32>
    %add3A_25 = arith.addf %slice3A, %slice3A_24 : vector<512x256xf32>
    %slice3A_26 = vector.extract_strided_slice %add3A_25 {offsets = [0, 0], sizes = [512, 128], strides = [1, 1]} : vector<512x256xf32> to vector<512x128xf32>
    %slice3A_27 = vector.extract_strided_slice %add3A_25 {offsets = [0, 128], sizes = [512, 128], strides = [1, 1]} : vector<512x256xf32> to vector<512x128xf32>
    %add3A_28 = arith.addf %slice3A_26, %slice3A_27 : vector<512x128xf32>
    %slice3A_29 = vector.extract_strided_slice %add3A_28 {offsets = [0, 0], sizes = [512, 64], strides = [1, 1]} : vector<512x128xf32> to vector<512x64xf32>
    %slice3A_30 = vector.extract_strided_slice %add3A_28 {offsets = [0, 64], sizes = [512, 64], strides = [1, 1]} : vector<512x128xf32> to vector<512x64xf32>
    %add3A_31 = arith.addf %slice3A_29, %slice3A_30 : vector<512x64xf32>
    %slice3A_32 = vector.extract_strided_slice %add3A_31 {offsets = [0, 0], sizes = [512, 32], strides = [1, 1]} : vector<512x64xf32> to vector<512x32xf32>
    %slice3A_33 = vector.extract_strided_slice %add3A_31 {offsets = [0, 32], sizes = [512, 32], strides = [1, 1]} : vector<512x64xf32> to vector<512x32xf32>
    %add3A_34 = arith.addf %slice3A_32, %slice3A_33 : vector<512x32xf32>
    %mul3A_35 = arith.constant 0.0441941731 : f32
    %mul3A_36 = vector.broadcast %mul3A_35 : f32 to vector<512x32xf32>
    %mul3A_37 = arith.mulf %add3A_34, %mul3A_36 : vector<512x32xf32>
    %get3A_38 = arith.constant 0 : index
    %get3A_39 = arith.constant 0 : index
    %get3A_40 = vector.load %arg5[%get3A_38, %get3A_39] : memref<32x32xf32, #tpu.memory_space<vmem>>, vector<32x32xf32>
    %dot_general3A_41 = arith.constant dense<0.000000e+00> : vector<512x32xf32>
    %dot_general3A_42 = tpu.matmul %mul3A_6, %get3A_40, %dot_general3A_41 {dimension_numbers = #tpu.dot_dimension_numbers<[1], [0], [0], [1], [0, 0, 1, 1], [], []>, transpose_lhs_hint = false} : vector<512x32xf32>, vector<32x32xf32>, vector<512x32xf32> -> vector<512x32xf32>
    %mul3A_43 = arith.constant 0.176776692 : f32
    %mul3A_44 = vector.broadcast %mul3A_43 : f32 to vector<512x32xf32>
    %mul3A_45 = arith.mulf %dot_general3A_42, %mul3A_44 : vector<512x32xf32>
    %add3A_46 = arith.addf %mul3A_45, %mul3A_37 : vector<512x32xf32>
    %transpose3A_47 = tpu.transpose %add3A_46, [1, 0] : vector<512x32xf32> -> vector<32x512xf32>
    %swap3A = arith.constant 0 : index
    %swap3A_48 = arith.constant 0 : index
    %swap3A_49 = vector.load %arg8[%swap3A, %swap3A_48] : memref<32x512xf32, #tpu.memory_space<vmem>>, vector<32x512xf32>
    tpu.vector_store %arg8[%swap3A, %swap3A_48], %transpose3A_47 {strides = array<i32>} : memref<32x512xf32, #tpu.memory_space<vmem>>, vector<32x512xf32>,
    return
  }
  func.func @transform_0(%arg0: i32) -> (i32, i32) {
    %c0_i32 = arith.constant 0 : i32
    %c0_i32_0 = arith.constant 0 : i32
    return %arg0, %c0_i32 : i32, i32
  }
  func.func @transform_1(%arg0: i32) -> (i32, i32) {
    %c0_i32 = arith.constant 0 : i32
    %c0_i32_0 = arith.constant 0 : i32
    return %arg0, %c0_i32 : i32, i32
  }
  func.func @transform_2(%arg0: i32) -> (i32, i32) {
    %c0_i32 = arith.constant 0 : i32
    %c0_i32_0 = arith.constant 0 : i32
    return %c0_i32, %arg0 : i32, i32
  }
  func.func @transform_3(%arg0: i32) -> (i32, i32) {
    %c0_i32 = arith.constant 0 : i32
    %c0_i32_0 = arith.constant 0 : i32
    return %c0_i32, %arg0 : i32, i32
  }
  func.func @transform_4(%arg0: i32) -> (i32, i32) {
    %c0_i32 = arith.constant 0 : i32
    %c0_i32_0 = arith.constant 0 : i32
    %c0_i32_1 = arith.constant 0 : i32
    return %c0_i32, %c0_i32_0 : i32, i32
  }
  func.func @transform_5(%arg0: i32) -> (i32, i32) {
    %c0_i32 = arith.constant 0 : i32
    %c0_i32_0 = arith.constant 0 : i32
    %c0_i32_1 = arith.constant 0 : i32
    return %c0_i32, %c0_i32_0 : i32, i32
  }
  func.func @transform_6(%arg0: i32) -> (i32, i32) {
    %c0_i32 = arith.constant 0 : i32
    %c0_i32_0 = arith.constant 0 : i32
    %c0_i32_1 = arith.constant 0 : i32
    return %c0_i32, %c0_i32_0 : i32, i32
  }
  func.func @transform_7(%arg0: i32) -> (i32, i32) {
    %c0_i32 = arith.constant 0 : i32
    %c0_i32_0 = arith.constant 0 : i32
    return %c0_i32, %arg0 : i32, i32
  }
}

</mosaic_0001>

<sc_bundles>
// kernel: kernel.10.cloned.1.call-start
scs
__scs_entry_jumppad:
0x0: {  	(pc) =	sbr.rel $0x88, $3  }
0x1: {  	(tag) =	ssettag $0x0;
	lr =	simm.s32 $0x1  }
0x2: {  	[smem:$0x3F94] =	sst lr;
	_ =	strace $0xD0000000  }
0x3: {  	_ = 	snop  }
0x4: {  	_ = 	snop  }
0x5: {  	_ = 	snop  }
0x6: {  	_ = 	snop  }
0x7: {  	_ = 	snop  }
__scs_overlays_trampoline_lowered:
0x8: {  	[smem:$0x3FA3] =	sst s0  }
0x9: {  	[smem:$0x3FA4] =	sst s1  }
0xa: {  	[smem:$0x3FA5] =	sst s2  }
0xb: {  	[smem:$0x3FA6] =	sst s3  }
0xc: {  	[smem:$0x3FA7] =	sst s4  }
0xd: {  	[smem:$0x3FA8] =	sst s5  }
0xe: {  	[smem:$0x3FA9] =	sst s6  }
0xf: {  	[smem:$0x3FAA] =	sst s7  }
0x10: {  	[smem:$0x3FAB] =	sst s8  }
0x11: {  	[smem:$0x3FAC] =	sst s9;
	s0 =	simm.s32 @!p0 $0x0  }
0x12: {  	s1 =	sld [smem:$0x3F92];
	s0 =	simm.s32 @p0 $0x1  }
0x13: {  	[smem:$0x3FAD] =	sst s0;
	s0 =	simm.s32 @!p1 $0x0  }
0x14: {  	s2 =	sld [smem:$0x3F91];
	s0 =	simm.s32 @p1 $0x1  }
0x15: {  	[smem:$0x3FAE] =	sst s0;
	s0 =	simm.s32 @!p2 $0x0  }
0x16: {  	s3 =	sld [smem:$0x3FDB];
	s0 =	simm.s32 @p2 $0x1  }
0x17: {  	s4 =	simm.s32 $0x1BF5;
	[smem:$0x3FB0] =	sst s0  }
0x18: {  	s0 =	sld [smem:$0x3F93];
	_ =	swait.ge [sflag:s4], $0x0  }
0x19: {  	s7 =	sld [smem:$0x3F94]  }
0x1a: {  	s8 =	sadd.s32 $0xFFFFE003, lr  }
0x1b: {  	s9 =	sadd.s32 $0xFFFFFEF7, lr;
	s5 =	simm.s32 $0xFFFFFFFF;
	p2 =	slt.u32 s8, $0xFFFFF086  }
0x1c: {  	p1 =	slt.u32 s9, $0xF7A;
	s5 =	simm.s32 @!p2 $0x0  }
0x1d: {  	s5 =	simm.s32 @p1 $0x1;
	p0 =	seq.s32 s7, s2  }
0x1e: {  	s7 =	smul.u32 @!p0 $0xF7A, s2;
	p2 =	seq.s32 @!p0 s5, $0x0  }
0x1f: {  	s9 =	smul.u32 $0xF7A, s1;
	s8 =	simm.s32 @!p0 $0x1BF5;
	p2 =	por !p2, p0  }
0x20: {  	[sflag:s8] =	ssyncset.s32 @!p0 $0xFFFFF086;
	s6 =	sadd.s32 @!p0 s3, s7;
	s7 =	simm.s32 @!p0 $0x108  }
0x21: {  	s3 =	sadd.s32 s3, s9;
	s6 =	sadd.s32 @!p0 $0x88, s6;
	s7 =	simm.s32 @p2 $0x1082  }
0x22: {  	[simem:s7], [sflag:s8] =	dma.local @!p0 [hbm:s6], $0xF7A  }
0x23: {  	s9 =	sor.u32 $0xD0000000, s2;
	s6 =	simm.s32 $0x108;
	_ =	swait.ge @!p0 [sflag:s8], $0x0  }
0x24: {  	s3 =	sadd.s32 $0x88, s3;
	s6 =	simm.s32 @!p1 $0x1082;
	[sflag:s4] =	ssyncset.s32 $0xFFFFF086  }
0x25: {  	[simem:s6], [sflag:s4] =	dma.local [hbm:s3], $0xF7A  }
0x26: {  	[smem:$0x3F94] =	sst s1;
	(tag) =	ssettag s2;
	_ =	strace s9  }
0x27: {  	s1 =	sld [smem:$0x3FA4]  }
0x28: {  	s2 =	sld [smem:$0x3FA5]  }
0x29: {  	s4 =	sld [smem:$0x3FA7]  }
0x2a: {  	p0 =	seq.s32 s5, $0x0;
	s5 =	sld [smem:$0x3FA8]  }
0x2b: {  	s6 =	sld [smem:$0x3FA9]  }
0x2c: {  	s7 =	sld [smem:$0x3FAA]  }
0x2d: {  	s3 =	simm.s32 $0x108;
	s8 =	sld [smem:$0x3FAB]  }
0x2e: {  	s3 =	simm.s32 @!p0 $0x1082;
	s9 =	sld [smem:$0x3FAC]  }
0x2f: {  	lr =	sadd.s32 s0, s3;
	s0 =	sld [smem:$0x3FA3]  }
0x30: {  	s3 =	sld [smem:$0x3FA6]  }
0x31: {  	[smem:$0x3FAF] =	sst s10  }
0x32: {  	s10 =	sld [smem:$0x3FAD];
	_ =	sdelay $0x3  }
0x33: {  	p0 =	seq.s32 s10, $0x1;
	s10 =	sld [smem:$0x3FAF];
	_ =	sdelay $0x3  }
0x34: {  	[smem:$0x3FAF] =	sst s10  }
0x35: {  	s10 =	sld [smem:$0x3FAE];
	_ =	sdelay $0x3  }
0x36: {  	p1 =	seq.s32 s10, $0x1;
	s10 =	sld [smem:$0x3FAF];
	_ =	sdelay $0x3  }
0x37: {  	[smem:$0x3FAF] =	sst s10  }
0x38: {  	s10 =	sld [smem:$0x3FB0]  }
0x39: {  	_ = 	snop;
	(pc) =	sbr.ind lr, $3  }
0x3a: {  	_ = 	snop  }
0x3b: {  	_ = 	snop  }
0x3c: {  	p2 =	seq.s32 s10, $0x1;
	s10 =	sld [smem:$0x3FAF]  }
0x3d: {  	_ =	shalt  }
0x3e: {  	_ =	shalt  }
0x3f: {  	_ =	shalt  }
0x40: {  	_ =	shalt  }
0x41: {  	_ =	shalt  }
0x42: {  	_ =	shalt  }
0x43: {  	_ =	shalt  }
0x44: {  	_ =	shalt  }
0x45: {  	_ =	shalt  }
0x46: {  	_ =	shalt  }
0x47: {  	_ =	shalt  }
0x48: {  	_ =	shalt  }
0x49: {  	_ =	shalt  }
0x4a: {  	_ =	shalt  }
0x4b: {  	_ =	shalt  }
0x4c: {  	_ =	shalt  }
0x4d: {  	_ =	shalt  }
0x4e: {  	_ =	shalt  }
0x4f: {  	_ =	shalt  }
0x50: {  	_ =	shalt  }
0x51: {  	_ =	shalt  }
0x52: {  	_ =	shalt  }
0x53: {  	_ =	shalt  }
0x54: {  	_ =	shalt  }
0x55: {  	_ =	shalt  }
0x56: {  	_ =	shalt  }
0x57: {  	_ =	shalt  }
0x58: {  	_ =	shalt  }
0x59: {  	_ =	shalt  }
0x5a: {  	_ =	shalt  }
0x5b: {  	_ =	shalt  }
0x5c: {  	_ =	shalt  }
0x5d: {  	_ =	shalt  }
0x5e: {  	_ =	shalt  }
0x5f: {  	_ =	shalt  }
0x60: {  	_ =	shalt  }
0x61: {  	_ =	shalt  }
0x62: {  	_ =	shalt  }
0x63: {  	_ =	shalt  }
0x64: {  	_ =	shalt  }
0x65: {  	_ =	shalt  }
0x66: {  	_ =	shalt  }
0x67: {  	_ =	shalt  }
0x68: {  	_ =	shalt  }
0x69: {  	_ =	shalt  }
0x6a: {  	_ =	shalt  }
0x6b: {  	_ =	shalt  }
0x6c: {  	_ =	shalt  }
0x6d: {  	_ =	shalt  }
0x6e: {  	_ =	shalt  }
0x6f: {  	_ =	shalt  }
0x70: {  	_ =	shalt  }
0x71: {  	_ =	shalt  }
0x72: {  	_ =	shalt  }
0x73: {  	_ =	shalt  }
0x74: {  	_ =	shalt  }
0x75: {  	_ =	shalt  }
0x76: {  	_ =	shalt  }
0x77: {  	_ =	shalt  }
0x78: {  	_ =	shalt  }
0x79: {  	_ =	shalt  }
0x7a: {  	_ =	shalt  }
0x7b: {  	_ =	shalt  }
0x7c: {  	_ =	shalt  }
0x7d: {  	_ =	shalt  }
0x7e: {  	_ =	shalt  }
0x7f: {  	_ =	shalt  }
0x80: {  	_ =	shalt  }
0x81: {  	_ =	shalt  }
0x82: {  	_ =	shalt  }
0x83: {  	_ =	shalt  }
0x84: {  	_ =	shalt  }
0x85: {  	_ =	shalt  }
0x86: {  	_ =	shalt  }
0x87: {  	_ =	shalt  }
.Lfunc_end0:
.L_simem_size_0:
called_computation.1_lowered:
.L_overlay_start_0:
0x88: {  	s2 =	sld [smem:$0x3FD9]  }
0x89: {  	s3 =	sld [smem:$0x3FFE];
	_ =	sdelay $0x1  }
0x8a: {  	s1 =	srdreg.scid  }
0x8b: {  	s0 =	sand.u32 $0x1, s1  }
0x8c: {  	s14 =	sshll.u32 s0, $0xA;
	s2 =	sadd.s32 s3, s2  }
0x8d: {  	s2 =	sadd.s32 s2, s14  }
0x8e: {  	[smem:$0x3FBB] =	sst s2  }
0x8f: {  	_ = 	snop  }
0x90: {  	s2 =	sld [smem:$0x3FD0];
	_ =	sdelay $0x2  }
0x91: {  	s15 =	simm.s32 $0xA;
	s4 =	simm.s32 $0x10  }
0x92: {  	[smem:s4], [sflag:s15] =	dma.local [hbm:s2], $0x1  }
0x93: {  	_ =	swait.eq [sflag:s15], $0x1  }
0x94: {  	[sflag:s15] =	ssyncset.done $0x0  }
0x95: {  	[sflag:s15] =	ssyncadd.s32 $0xFFFFFFFF  }
0x96: {  	s16 =	sld [smem:$0x10];
	(tm) =	ssettm $0x1  }
0x97: {  	s17 =	sld [smem:$0x3FFB];
	_ =	sdelay $0x3  }
0x98: {  	_ =	strace s17  }
0x99: {  	s3 =	sld [smem:$0x3FFC];
	_ =	sdelay $0x3  }
0x9a: {  	_ =	strace s3  }
0x9b: {  	s3 =	sld [smem:$0x3FFD];
	_ =	sdelay $0x3  }
0x9c: {  	_ =	strace s3  }
0x9d: {  	_ =	strace $0x8FFFFFFF  }
0x9e: {  	s18 =	sld [smem:$0x3FDB];
	_ =	sdelay $0x1  }
0x9f: {  	s19 =	simm.s32 $_scs_section_size  }
0xa0: {  	s5 =	simm.s32 $_size__tile_overlayer_lowered;
	s6 =	simm.s32 $_tile_overlayer_lowered  }
0xa1: {  	s22 =	simm.s32 $0x1BFF;
	s21 =	sshll.u32 s6, $0x1;
	s3 =	sadd.s32 s19, s18  }
0xa2: {  	s7 =	simm.s32 $0x0;
	s20 =	sshll.u32 s5, $0x1;
	s5 =	sadd.s32 s21, s3  }
0xa3: {  	[timem:s7], [sflag:s22] =	dma.local [hbm:s5], s20  }
0xa4: {  	_ =	swait.ge [sflag:s22], s20  }
0xa5: {  	s4 =	ssub.s32 $0x0, s20;
	[sflag:s22] =	ssyncset.done $0x0  }
0xa6: {  	[sflag:s22] =	ssyncadd.s32 s4;
	_ =	sdelay $0x1  }
0xa7: {  	s23 =	simm.s32 $0x1B8B  }
0xa8: {  	_ =	swait.ge [sflag:s23], $0x1  }
0xa9: {  	[sflag:s23] =	ssyncset.done $0x0  }
0xaa: {  	s25 =	simm.s32 $0x1B8E;
	s24 =	sld [smem:$0x3FFE];
	[sflag:s23] =	ssyncadd.s32 $0xFFFFFFFF  }
0xab: {  	s26 =	simm.s32 $execute0_lowered;
	[smem:$0x3FD2] =	sst s25  }
0xac: {  	s5 =	sshll.u32 s26, $0x1;
	_ =	strace $0x80000049;
	[dreg:$0x1] =	wrdreg $0xFFFFFFFF  }
0xad: {  	s28 =	simm.s32 $_size_execute0_lowered;
	s3 =	sadd.s32 s3, s5;
	[dreg:$0x0] =	wrdreg $0x0  }
0xae: {  	s5 =	sshll.u32 s28, $0x1;
	[dreg:$0x2] =	wrdreg s3  }
0xaf: {  	[dreg:$0x3] =	wrdreg s5  }
0xb0: {  	[dreg:$0x4] =	wrdreg $0xC0  }
0xb1: {  	_ =	task [dreg:s7], $0x5FFFF  }
0xb2: {  	[dreg:$0x1] =	wrdreg $0xFFFFFFFF  }
0xb3: {  	[dreg:$0x0] =	wrdreg $0x60  }
0xb4: {  	[dreg:$0x2] =	wrdreg s24  }
0xb5: {  	[dreg:$0x3] =	wrdreg s16  }
0xb6: {  	[dreg:$0x4] =	wrdreg $0x128000  }
0xb7: {  	[dreg:$0x5] =	wrdreg $0x9  }
0xb8: {  	_ =	task.clear_ibuf [dreg:s7], $0x6FFFF;
	_ =	strace $0x90000049  }
0xb9: {  	s29 =	simm.s32 $0x9;
	_ =	strace $0x8000004B  }
0xba: {  	_ =	swait.ge [sflag:s29], $0x1  }
0xbb: {  	[sflag:s29] =	ssyncadd.s32 $0xFFFFFFFF  }
0xbc: {  	_ =	strace $0x9000004B  }
0xbd: {  	_ =	sfence  }
0xbe: {  	s30 =	sld [smem:$0x0];
	_ =	sdelay $0x2  }
0xbf: {  	s31 =	sshll.u32 s1, $0xD;
	s1 =	sshrl.u32 s1, $0x2  }
0xc0: {  	s3 =	sand.u32 $0x4000, s31;
	s1 =	sadd.s32 s1, s30  }
0xc1: {  	s0 =	sor.u32 s3, s0;
	s1 =	sshll.u32 s1, $0x11  }
0xc2: {  	s0 =	sor.u32 s1, s0  }
0xc3: {  	s0 =	sadd.s32 $0x8F2B, s0  }
0xc4: {  	[sflag:s0] =	ssyncadd.remote.s32 $0x1  }
0xc5: {  	_ =	sfence.sel $0xFFFF  }
0xc6: {  	[dreg:$0x0] =	wrdreg $0xFFFFFFFF;
	(pc) =	sbr.abs _section_cstart, $3  }
0xc7: {  	[dreg:$0x1] =	wrdreg $0xFFFFFFFF  }
0xc8: {  	_ =	task.clear_ibuf [dreg:s7], $0x2FFFF;
	_ =	strace $0x9FFFFFFF  }
0xc9: {  	(tm) =	ssettm $0x7FFFFFFF  }
tec
execute0_lowered:
.L_overlay_start_1:
0x0: {  	(tag) =	ssettag $0x1  }
0x1: {  	s1 =	rddreg [dreg:$0x0]  }
0x2: {  	s4 =	rddreg [dreg:$0x1]  }
0x3: {  	s2 =	rddreg [dreg:$0x2]  }
0x4: {  	s0 =	srdreg.scid;
	s9 =	stileid.u32;
	s3 =	simm.s32 $0x0  }
0x5: {  	s10 =	simm.s32 $0x3800;
	s11 =	simm.s32 $0x200;
	s12 =	simm.s32 $0x4800  }
0x6: {  	s14 =	simm.s32 $0x280;
	s0 =	sand.u32 $0x1, s0;
	[smem:$0x7FF] =	sst s3  }
0x7: {  	s5 =	sshll.u32 s9, $0xC;
	_ =	strace $0x8000004A;
	[dreg:$0xc] =	wrdreg s10  }
0x8: {  	s8 =	sshll.u32 s9, $0xA;
	s6 =	sshll.u32 s0, $0xB;
	[dreg:$0xd] =	wrdreg s11  }
0x9: {  	s4 =	sadd.s32 s4, s8;
	p0 =	seq.s32 s0, $0x1;
	[dreg:$0xe] =	wrdreg s12  }
0xa: {  	s8 =	simm.s32 $0x53600;
	[dreg:$0xf] =	wrdreg s14;
	s6 =	sor.u32 s6, s5  }
0xb: {  	[dreg:$0x4] =	wrdreg s4;
	s8 =	simm.s32 @!p0 $0x43600;
	s7 =	sshll.u32 s6, $0x2  }
0xc: {  	s6 =	sshrl.u32 s6, $0x3;
	s13 =	rddreg [dreg:$0x4];
	s7 =	sadd.s32 s7, s1  }
0xd: {  	s6 =	sadd.s32 s6, s1;
	s1 =	sadd.s32 s8, s1;
	s8 =	simm.s32 $0x180  }
0xe: {  	s25 =	sadd.s32 $0x205600, s6;
	[dreg:$0xb] =	wrdreg s8  }
0xf: {  	s26 =	sadd.s32 $0x3600, s7;
	[dreg:$0x5] =	wrdreg s25  }
0x10: {  	s1 =	sadd.s32 s1, s5;
	[dreg:$0x6] =	wrdreg s26  }
0x11: {  	s5 =	simm.s32 $0x1800;
	[dreg:$0x7] =	wrdreg s1  }
0x12: {  	s6 =	simm.s32 $0x100;
	[dreg:$0x8] =	wrdreg s5  }
0x13: {  	s7 =	simm.s32 $0x2800;
	[dreg:$0x9] =	wrdreg s6  }
0x14: {  	s4 =	simm.s32 $0x1;
	[dreg:$0xa] =	wrdreg s7;
	s5 =	simm.s32 $0x10800  }
0x15: {  	[tilespmem:s5], [sflag:$0x1] =	stream.linear.gather [hbm4b:s13+s3], $0x2000, $0x38;
	[tilespmem:$0x14800] =	vst v63  }
0x16: {  	_ =	swait.ge [sflag:s4], $0x2000  }
0x17: {  	s15 =	sshll.u32 s9, $0xD;
	[sflag:s4] =	ssyncset.done $0x0  }
0x18: {  	s6 =	sadd.s32 s15, s2;
	[sflag:s4] =	ssyncadd.s32 $0xFFFFE000  }
0x19: {  	[spmem:s6] =	stream.linear.scatter [tilespmem:s5], [sflag:$0x1], $0x2000, $0x38;
	[tilespmem:$0x14800] =	vst v63  }
0x1a: {  	_ =	swait.ge [sflag:s4], $0x2000  }
0x1b: {  	[sflag:s4] =	ssyncset.done $0x0  }
0x1c: {  	[sflag:s4] =	ssyncadd.s32 $0xFFFFE000  }
0x1d: {  	[bflag:$0x0] =	sbarrier.arrive $0xFFFF  }
0x1e: {  	s16 =	rddreg [dreg:$0x5]  }
0x1f: {  	[tilespmem:s3], [sflag:$0x1] =	stream.linear.gather [hbm4b:s16+s3], $0x800, $0x38;
	[tilespmem:$0x14800] =	vst v63  }
0x20: {  	_ =	swait.ge [sflag:s4], $0x800  }
0x21: {  	[sflag:s4] =	ssyncset.done $0x0  }
0x22: {  	s7 =	simm.s32 $0x800;
	s17 =	rddreg [dreg:$0x6];
	[sflag:s4] =	ssyncadd.s32 $0xFFFFF800  }
0x23: {  	[tilespmem:s7], [sflag:$0x1] =	stream.linear.gather [hbm4b:s17+s3], $0x10000, $0x38;
	[tilespmem:$0x14800] =	vst v63  }
0x24: {  	_ =	swait.ge [sflag:s4], $0x10000  }
0x25: {  	[sflag:s4] =	ssyncset.done $0x0  }
0x26: {  	s8 =	simm.s32 $0x80;
	[sflag:s4] =	ssyncadd.s32 $0xFFFF0000  }
0x27: {  	[spmem:s2] =	stream.indirect.scatter.add.f32 [tilespmem:s7], [sflag:$0x1], $0x20, s3, s8, $0xb8;
	[tilespmem:$0x14800] =	vst v63  }
0x28: {  	_ =	swait.ge [sflag:s4], $0x1000  }
0x29: {  	[sflag:s4] =	ssyncset.done $0x0  }
0x2a: {  	s18 =	rddreg [dreg:$0x8];
	[sflag:s4] =	ssyncadd.s32 $0xFFFFF000  }
0x2b: {  	[spmem:s2] =	stream.indirect.scatter.add.f32 [tilespmem:s18], [sflag:$0x1], $0x20, s8, s8, $0xb8;
	[tilespmem:$0x14800] =	vst v63  }
0x2c: {  	_ =	swait.ge [sflag:s4], $0x1000  }
0x2d: {  	s19 =	rddreg [dreg:$0x9];
	[sflag:s4] =	ssyncset.done $0x0  }
0x2e: {  	s20 =	rddreg [dreg:$0xa];
	[sflag:s4] =	ssyncadd.s32 $0xFFFFF000  }
0x2f: {  	[spmem:s2] =	stream.indirect.scatter.add.f32 [tilespmem:s20], [sflag:$0x1], $0x20, s19, s8, $0xb8;
	[tilespmem:$0x14800] =	vst v63  }
0x30: {  	_ =	swait.ge [sflag:s4], $0x1000  }
0x31: {  	s21 =	rddreg [dreg:$0xb];
	[sflag:s4] =	ssyncset.done $0x0  }
0x32: {  	s22 =	rddreg [dreg:$0xc];
	[sflag:s4] =	ssyncadd.s32 $0xFFFFF000  }
0x33: {  	[spmem:s2] =	stream.indirect.scatter.add.f32 [tilespmem:s22], [sflag:$0x1], $0x20, s21, s8, $0xb8;
	[tilespmem:$0x14800] =	vst v63  }
0x34: {  	_ =	swait.ge [sflag:s4], $0x1000  }
0x35: {  	s23 =	rddreg [dreg:$0xd];
	[sflag:s4] =	ssyncset.done $0x0  }
0x36: {  	s24 =	rddreg [dreg:$0xe];
	[sflag:s4] =	ssyncadd.s32 $0xFFFFF000  }
0x37: {  	[spmem:s2] =	stream.indirect.scatter.add.f32 [tilespmem:s24], [sflag:$0x1], $0x20, s23, s8, $0xb8;
	[tilespmem:$0x14800] =	vst v63  }
0x38: {  	_ =	swait.ge [sflag:s4], $0x1000  }
0x39: {  	[sflag:s4] =	ssyncset.done $0x0  }
0x3a: {  	s26 =	simm.s32 $0x5800;
	s25 =	rddreg [dreg:$0xf];
	[sflag:s4] =	ssyncadd.s32 $0xFFFFF000  }
0x3b: {  	[spmem:s2] =	stream.indirect.scatter.add.f32 [tilespmem:s26], [sflag:$0x1], $0x20, s25, s8, $0xb8;
	[tilespmem:$0x14800] =	vst v63  }
0x3c: {  	_ =	swait.ge [sflag:s4], $0x1000  }
0x3d: {  	[sflag:s4] =	ssyncset.done $0x0  }
0x3e: {  	s10 =	simm.s32 $0x300;
	s11 =	simm.s32 $0x6800;
	[sflag:s4] =	ssyncadd.s32 $0xFFFFF000  }
0x3f: {  	[spmem:s2] =	stream.indirect.scatter.add.f32 [tilespmem:s11], [sflag:$0x1], $0x20, s10, s8, $0xb8;
	[tilespmem:$0x14800] =	vst v63  }
0x40: {  	_ =	swait.ge [sflag:s4], $0x1000  }
0x41: {  	[sflag:s4] =	ssyncset.done $0x0  }
0x42: {  	s12 =	simm.s32 $0x380;
	s13 =	simm.s32 $0x7800;
	[sflag:s4] =	ssyncadd.s32 $0xFFFFF000  }
0x43: {  	[spmem:s2] =	stream.indirect.scatter.add.f32 [tilespmem:s13], [sflag:$0x1], $0x20, s12, s8, $0xb8;
	[tilespmem:$0x14800] =	vst v63  }
0x44: {  	_ =	swait.ge [sflag:s4], $0x1000  }
0x45: {  	[sflag:s4] =	ssyncset.done $0x0  }
0x46: {  	s14 =	simm.s32 $0x400;
	s15 =	simm.s32 $0x8800;
	[sflag:s4] =	ssyncadd.s32 $0xFFFFF000  }
0x47: {  	[spmem:s2] =	stream.indirect.scatter.add.f32 [tilespmem:s15], [sflag:$0x1], $0x20, s14, s8, $0xb8;
	[tilespmem:$0x14800] =	vst v63  }
0x48: {  	_ =	swait.ge [sflag:s4], $0x1000  }
0x49: {  	[sflag:s4] =	ssyncset.done $0x0  }
0x4a: {  	s16 =	simm.s32 $0x480;
	s17 =	simm.s32 $0x9800;
	[sflag:s4] =	ssyncadd.s32 $0xFFFFF000  }
0x4b: {  	[spmem:s2] =	stream.indirect.scatter.add.f32 [tilespmem:s17], [sflag:$0x1], $0x20, s16, s8, $0xb8;
	[tilespmem:$0x14800] =	vst v63  }
0x4c: {  	_ =	swait.ge [sflag:s4], $0x1000  }
0x4d: {  	[sflag:s4] =	ssyncset.done $0x0  }
0x4e: {  	s18 =	simm.s32 $0x500;
	s19 =	simm.s32 $0xA800;
	[sflag:s4] =	ssyncadd.s32 $0xFFFFF000  }
0x4f: {  	[spmem:s2] =	stream.indirect.scatter.add.f32 [tilespmem:s19], [sflag:$0x1], $0x20, s18, s8, $0xb8;
	[tilespmem:$0x14800] =	vst v63  }
0x50: {  	_ =	swait.ge [sflag:s4], $0x1000  }
0x51: {  	[sflag:s4] =	ssyncset.done $0x0  }
0x52: {  	s20 =	simm.s32 $0x580;
	s21 =	simm.s32 $0xB800;
	[sflag:s4] =	ssyncadd.s32 $0xFFFFF000  }
0x53: {  	[spmem:s2] =	stream.indirect.scatter.add.f32 [tilespmem:s21], [sflag:$0x1], $0x20, s20, s8, $0xb8;
	[tilespmem:$0x14800] =	vst v63  }
0x54: {  	_ =	swait.ge [sflag:s4], $0x1000  }
0x55: {  	[sflag:s4] =	ssyncset.done $0x0  }
0x56: {  	s22 =	simm.s32 $0x600;
	s23 =	simm.s32 $0xC800;
	[sflag:s4] =	ssyncadd.s32 $0xFFFFF000  }
0x57: {  	[spmem:s2] =	stream.indirect.scatter.add.f32 [tilespmem:s23], [sflag:$0x1], $0x20, s22, s8, $0xb8;
	[tilespmem:$0x14800] =	vst v63  }
0x58: {  	_ =	swait.ge [sflag:s4], $0x1000  }
0x59: {  	[sflag:s4] =	ssyncset.done $0x0  }
0x5a: {  	s24 =	simm.s32 $0x680;
	s25 =	simm.s32 $0xD800;
	[sflag:s4] =	ssyncadd.s32 $0xFFFFF000  }
0x5b: {  	[spmem:s2] =	stream.indirect.scatter.add.f32 [tilespmem:s25], [sflag:$0x1], $0x20, s24, s8, $0xb8;
	[tilespmem:$0x14800] =	vst v63  }
0x5c: {  	_ =	swait.ge [sflag:s4], $0x1000  }
0x5d: {  	[sflag:s4] =	ssyncset.done $0x0  }
0x5e: {  	s28 =	simm.s32 $0xE800;
	s26 =	simm.s32 $0x700;
	[sflag:s4] =	ssyncadd.s32 $0xFFFFF000  }
0x5f: {  	[spmem:s2] =	stream.indirect.scatter.add.f32 [tilespmem:s28], [sflag:$0x1], $0x20, s26, s8, $0xb8;
	[tilespmem:$0x14800] =	vst v63  }
0x60: {  	_ =	swait.ge [sflag:s4], $0x1000  }
0x61: {  	s29 =	simm.s32 $0x780;
	s0 =	ssub.s32 $0x2, s0;
	[sflag:s4] =	ssyncset.done $0x0  }
0x62: {  	s30 =	simm.s32 $0xF800;
	s9 =	sshrl.u32 s0, $0x1;
	[sflag:s4] =	ssyncadd.s32 $0xFFFFF000  }
0x63: {  	[spmem:s2] =	stream.indirect.scatter.add.f32 [tilespmem:s30], [sflag:$0x1], $0x20, s29, s8, $0xb8;
	[tilespmem:$0x14800] =	vst v63  }
0x64: {  	s0 =	ssub.s32 s0, s9;
	_ =	swait.ge [sflag:s4], $0x1000  }
0x65: {  	s0 =	smax.u32 s0, $0x1;
	[sflag:s4] =	ssyncset.done $0x0  }
0x66: {  	p0 =	sne.s32 s0, $0x1;
	[sflag:s4] =	ssyncadd.s32 $0xFFFFF000  }
.Ltmp0:
0x67: {  	[bflag:$0x0] =	sbarrier.arrive $0xFFFF;
	(pc) =	sbr.rel @!p0 .LBB2_2-.Ltmp0, $4  }
0x68: {  	[tilespmem:s5], [sflag:$0x1] =	stream.linear.gather [spmem:s6], $0x2000, $0x38;
	[tilespmem:$0x14800] =	vst v63  }
0x69: {  	_ =	swait.ge [sflag:s4], $0x2000  }
0x6a: {  	s31 =	sadd.s32 $0xFFFFFFFF, s0;
	[sflag:s4] =	ssyncset.done $0x0  }
0x6b: {  	s0 =	simm.s32 $0x20;
	s1 =	rddreg [dreg:$0x7];
	[sflag:s4] =	ssyncadd.s32 $0xFFFFE000  }
.LBB2_1:
0x6c: {  	[hbm4b:s1+s0] =	stream.strided.scatter [tilespmem:s5], [sflag:$0x1], $0x2000, s8, s0, $0x38;
	[tilespmem:$0x14800] =	vst v63  }
0x6d: {  	_ =	swait.ge [sflag:s4], $0x2000  }
0x6e: {  	[sflag:s4] =	ssyncset.done $0x0  }
0x6f: {  	s9 =	rddreg [dreg:$0x4];
	[sflag:s4] =	ssyncadd.s32 $0xFFFFE000  }
0x70: {  	[tilespmem:s5], [sflag:$0x1] =	stream.linear.gather [hbm4b:s9+s3], $0x2000, $0x38;
	[tilespmem:$0x14800] =	vst v63  }
0x71: {  	_ =	swait.ge [sflag:s4], $0x2000  }
0x72: {  	[sflag:s4] =	ssyncset.done $0x0  }
0x73: {  	[sflag:s4] =	ssyncadd.s32 $0xFFFFE000  }
0x74: {  	[spmem:s6] =	stream.linear.scatter [tilespmem:s5], [sflag:$0x1], $0x2000, $0x38;
	[tilespmem:$0x14800] =	vst v63  }
0x75: {  	_ =	swait.ge [sflag:s4], $0x2000  }
0x76: {  	[sflag:s4] =	ssyncset.done $0x0  }
0x77: {  	[sflag:s4] =	ssyncadd.s32 $0xFFFFE000  }
0x78: {  	[bflag:$0x0] =	sbarrier.arrive $0xFFFF  }
0x79: {  	s9 =	rddreg [dreg:$0x5]  }
0x7a: {  	[tilespmem:s3], [sflag:$0x1] =	stream.linear.gather [hbm4b:s9+s3], $0x800, $0x38;
	[tilespmem:$0x14800] =	vst v63  }
0x7b: {  	_ =	swait.ge [sflag:s4], $0x800  }
0x7c: {  	[sflag:s4] =	ssyncset.done $0x0  }
0x7d: {  	s9 =	rddreg [dreg:$0x6];
	[sflag:s4] =	ssyncadd.s32 $0xFFFFF800  }
0x7e: {  	[tilespmem:s7], [sflag:$0x1] =	stream.linear.gather [hbm4b:s9+s3], $0x10000, $0x38;
	[tilespmem:$0x14800] =	vst v63  }
0x7f: {  	_ =	swait.ge [sflag:s4], $0x10000  }
0x80: {  	[sflag:s4] =	ssyncset.done $0x0  }
0x81: {  	[sflag:s4] =	ssyncadd.s32 $0xFFFF0000  }
0x82: {  	[spmem:s2] =	stream.indirect.scatter.add.f32 [tilespmem:s7], [sflag:$0x1], $0x20, s3, s8, $0xb8;
	[tilespmem:$0x14800] =	vst v63  }
0x83: {  	_ =	swait.ge [sflag:s4], $0x1000  }
0x84: {  	[sflag:s4] =	ssyncset.done $0x0  }
0x85: {  	s9 =	rddreg [dreg:$0x8];
	[sflag:s4] =	ssyncadd.s32 $0xFFFFF000  }
0x86: {  	[spmem:s2] =	stream.indirect.scatter.add.f32 [tilespmem:s9], [sflag:$0x1], $0x20, s8, s8, $0xb8;
	[tilespmem:$0x14800] =	vst v63  }
0x87: {  	_ =	swait.ge [sflag:s4], $0x1000  }
0x88: {  	s1 =	rddreg [dreg:$0x9];
	[sflag:s4] =	ssyncset.done $0x0  }
0x89: {  	s9 =	rddreg [dreg:$0xa];
	[sflag:s4] =	ssyncadd.s32 $0xFFFFF000  }
0x8a: {  	[spmem:s2] =	stream.indirect.scatter.add.f32 [tilespmem:s9], [sflag:$0x1], $0x20, s1, s8, $0xb8;
	[tilespmem:$0x14800] =	vst v63  }
0x8b: {  	_ =	swait.ge [sflag:s4], $0x1000  }
0x8c: {  	[sflag:s4] =	ssyncset.done $0x0;
	s1 =	rddreg [dreg:$0xb]  }
0x8d: {  	s9 =	rddreg [dreg:$0xc];
	[sflag:s4] =	ssyncadd.s32 $0xFFFFF000  }
0x8e: {  	[spmem:s2] =	stream.indirect.scatter.add.f32 [tilespmem:s9], [sflag:$0x1], $0x20, s1, s8, $0xb8;
	[tilespmem:$0x14800] =	vst v63  }
0x8f: {  	_ =	swait.ge [sflag:s4], $0x1000  }
0x90: {  	[sflag:s4] =	ssyncset.done $0x0;
	s1 =	rddreg [dreg:$0xd]  }
0x91: {  	s9 =	rddreg [dreg:$0xe];
	[sflag:s4] =	ssyncadd.s32 $0xFFFFF000  }
0x92: {  	[spmem:s2] =	stream.indirect.scatter.add.f32 [tilespmem:s9], [sflag:$0x1], $0x20, s1, s8, $0xb8;
	[tilespmem:$0x14800] =	vst v63  }
0x93: {  	_ =	swait.ge [sflag:s4], $0x1000  }
0x94: {  	[sflag:s4] =	ssyncset.done $0x0  }
0x95: {  	s9 =	simm.s32 $0x5800;
	s1 =	rddreg [dreg:$0xf];
	[sflag:s4] =	ssyncadd.s32 $0xFFFFF000  }
0x96: {  	[spmem:s2] =	stream.indirect.scatter.add.f32 [tilespmem:s9], [sflag:$0x1], $0x20, s1, s8, $0xb8;
	[tilespmem:$0x14800] =	vst v63  }
0x97: {  	_ =	swait.ge [sflag:s4], $0x1000  }
0x98: {  	[sflag:s4] =	ssyncset.done $0x0  }
0x99: {  	[sflag:s4] =	ssyncadd.s32 $0xFFFFF000  }
0x9a: {  	[spmem:s2] =	stream.indirect.scatter.add.f32 [tilespmem:s11], [sflag:$0x1], $0x20, s10, s8, $0xb8;
	[tilespmem:$0x14800] =	vst v63  }
0x9b: {  	_ =	swait.ge [sflag:s4], $0x1000  }
0x9c: {  	[sflag:s4] =	ssyncset.done $0x0  }
0x9d: {  	[sflag:s4] =	ssyncadd.s32 $0xFFFFF000  }
0x9e: {  	[spmem:s2] =	stream.indirect.scatter.add.f32 [tilespmem:s13], [sflag:$0x1], $0x20, s12, s8, $0xb8;
	[tilespmem:$0x14800] =	vst v63  }
0x9f: {  	_ =	swait.ge [sflag:s4], $0x1000  }
0xa0: {  	[sflag:s4] =	ssyncset.done $0x0  }
0xa1: {  	[sflag:s4] =	ssyncadd.s32 $0xFFFFF000  }
0xa2: {  	[spmem:s2] =	stream.indirect.scatter.add.f32 [tilespmem:s15], [sflag:$0x1], $0x20, s14, s8, $0xb8;
	[tilespmem:$0x14800] =	vst v63  }
0xa3: {  	_ =	swait.ge [sflag:s4], $0x1000  }
0xa4: {  	[sflag:s4] =	ssyncset.done $0x0  }
0xa5: {  	[sflag:s4] =	ssyncadd.s32 $0xFFFFF000  }
0xa6: {  	[spmem:s2] =	stream.indirect.scatter.add.f32 [tilespmem:s17], [sflag:$0x1], $0x20, s16, s8, $0xb8;
	[tilespmem:$0x14800] =	vst v63  }
0xa7: {  	_ =	swait.ge [sflag:s4], $0x1000  }
0xa8: {  	[sflag:s4] =	ssyncset.done $0x0  }
0xa9: {  	[sflag:s4] =	ssyncadd.s32 $0xFFFFF000  }
0xaa: {  	[spmem:s2] =	stream.indirect.scatter.add.f32 [tilespmem:s19], [sflag:$0x1], $0x20, s18, s8, $0xb8;
	[tilespmem:$0x14800] =	vst v63  }
0xab: {  	_ =	swait.ge [sflag:s4], $0x1000  }
0xac: {  	[sflag:s4] =	ssyncset.done $0x0  }
0xad: {  	[sflag:s4] =	ssyncadd.s32 $0xFFFFF000  }
0xae: {  	[spmem:s2] =	stream.indirect.scatter.add.f32 [tilespmem:s21], [sflag:$0x1], $0x20, s20, s8, $0xb8;
	[tilespmem:$0x14800] =	vst v63  }
0xaf: {  	_ =	swait.ge [sflag:s4], $0x1000  }
0xb0: {  	[sflag:s4] =	ssyncset.done $0x0  }
0xb1: {  	[sflag:s4] =	ssyncadd.s32 $0xFFFFF000  }
0xb2: {  	[spmem:s2] =	stream.indirect.scatter.add.f32 [tilespmem:s23], [sflag:$0x1], $0x20, s22, s8, $0xb8;
	[tilespmem:$0x14800] =	vst v63  }
0xb3: {  	_ =	swait.ge [sflag:s4], $0x1000  }
0xb4: {  	[sflag:s4] =	ssyncset.done $0x0  }
0xb5: {  	[sflag:s4] =	ssyncadd.s32 $0xFFFFF000  }
0xb6: {  	[spmem:s2] =	stream.indirect.scatter.add.f32 [tilespmem:s25], [sflag:$0x1], $0x20, s24, s8, $0xb8;
	[tilespmem:$0x14800] =	vst v63  }
0xb7: {  	_ =	swait.ge [sflag:s4], $0x1000  }
0xb8: {  	[sflag:s4] =	ssyncset.done $0x0  }
0xb9: {  	[sflag:s4] =	ssyncadd.s32 $0xFFFFF000  }
0xba: {  	[spmem:s2] =	stream.indirect.scatter.add.f32 [tilespmem:s28], [sflag:$0x1], $0x20, s26, s8, $0xb8;
	[tilespmem:$0x14800] =	vst v63  }
0xbb: {  	_ =	swait.ge [sflag:s4], $0x1000  }
0xbc: {  	[sflag:s4] =	ssyncset.done $0x0  }
0xbd: {  	[sflag:s4] =	ssyncadd.s32 $0xFFFFF000  }
0xbe: {  	[spmem:s2] =	stream.indirect.scatter.add.f32 [tilespmem:s30], [sflag:$0x1], $0x20, s29, s8, $0xb8;
	[tilespmem:$0x14800] =	vst v63  }
0xbf: {  	_ =	swait.ge [sflag:s4], $0x1000  }
0xc0: {  	[sflag:s4] =	ssyncset.done $0x0  }
0xc1: {  	p0 =	sne.s32 s31, $0x1;
	[sflag:s4] =	ssyncadd.s32 $0xFFFFF000  }
.Ltmp1:
0xc2: {  	[bflag:$0x0] =	sbarrier.arrive $0xFFFF;
	(pc) =	sbr.rel @p0 .LBB2_1-.Ltmp1, $4  }
0xc3: {  	[tilespmem:s5], [sflag:$0x1] =	stream.linear.gather [spmem:s6], $0x2000, $0x38;
	[tilespmem:$0x14800] =	vst v63  }
0xc4: {  	_ =	swait.ge [sflag:s4], $0x2000  }
0xc5: {  	[sflag:s4] =	ssyncset.done $0x0  }
0xc6: {  	s31 =	sadd.s32 $0xFFFFFFFF, s31;
	s1 =	rddreg [dreg:$0x7];
	[sflag:s4] =	ssyncadd.s32 $0xFFFFE000  }
.LBB2_2:
0xc7: {  	[hbm4b:s1+s0] =	stream.strided.scatter [tilespmem:s5], [sflag:$0x1], $0x2000, s8, s0, $0x38;
	[tilespmem:$0x14800] =	vst v63  }
0xc8: {  	_ =	swait.ge [sflag:s4], $0x2000  }
0xc9: {  	[sflag:s4] =	ssyncset.done $0x0  }
0xca: {  	[sflag:s4] =	ssyncadd.s32 $0xFFFFE000  }
0xcb: {  	_ =	sfence.sel $0x180000  }
0xcc: {  	[bflag:$0x0] =	sbarrier.arrive $0xFFFF  }
0xcd: {  	_ =	strace $0x9000004A  }
0xce: {  	s31 =	stileid.u32;
	[bflag:$0x2] =	sbarrier.arrive $0xFFFF  }
0xcf: {  	p0 =	sne.s32 s31, $0x0;
	s0 =	rddreg [dreg:$0x3]  }
0xd0: {  	s0 =	sadd.s32 @!p0 $0x100000, s0  }
0xd1: {  	[sflag:s0] =	ssyncadd.tile.s32 @!p0 $0x1;
	_ =	shalt  }
.Lfunc_end2:
_tile_overlayer_lowered:
.L_overlay_start_2:
0xd2: {  	(tag) =	ssettag $0x2  }
0xd3: {  	s0 =	rddreg [dreg:$0x0];
	s2 =	stileid.u32  }
0xd4: {  	s1 =	rddreg [dreg:$0x1];
	p0 =	sne.s32 s2, $0x0  }
0xd5: {  	s3 =	rddreg [dreg:$0x2];
	[bflag:$0x3] =	sbarrier.arrive $0xFFFF;
	s2 =	simm.s32 @!p0 $0x1C01  }
0xd6: {  	[timem:s3], [sflag:s2] =	dma.local @!p0 [hbm:s0], s1  }
0xd7: {  	s0 =	simm.s32 @!p0 $0x1  }
0xd8: {  	_ =	swait.ge @!p0 [sflag:s0], s1  }
0xd9: {  	s1 =	ssub.s32 @!p0 $0x0, s1;
	[sflag:s0] =	ssyncset.done @!p0 $0x0  }
0xda: {  	[sflag:s0] =	ssyncadd.s32 @!p0 s1  }
0xdb: {  	[bflag:$0x3] =	sbarrier.arrive $0xFFFF  }
0xdc: {  	_ =	shalt  }

// kernel: kernel.7.cloned.1.call-start
scs
__scs_entry_jumppad:
0x0: {  	(pc) =	sbr.rel $0x88, $3  }
0x1: {  	(tag) =	ssettag $0x0;
	lr =	simm.s32 $0x1  }
0x2: {  	[smem:$0x3F94] =	sst lr;
	_ =	strace $0xD0000000  }
0x3: {  	_ = 	snop  }
0x4: {  	_ = 	snop  }
0x5: {  	_ = 	snop  }
0x6: {  	_ = 	snop  }
0x7: {  	_ = 	snop  }
__scs_overlays_trampoline_lowered:
0x8: {  	[smem:$0x3FA3] =	sst s0  }
0x9: {  	[smem:$0x3FA4] =	sst s1  }
0xa: {  	[smem:$0x3FA5] =	sst s2  }
0xb: {  	[smem:$0x3FA6] =	sst s3  }
0xc: {  	[smem:$0x3FA7] =	sst s4  }
0xd: {  	[smem:$0x3FA8] =	sst s5  }
0xe: {  	[smem:$0x3FA9] =	sst s6  }
0xf: {  	[smem:$0x3FAA] =	sst s7  }
0x10: {  	[smem:$0x3FAB] =	sst s8  }
0x11: {  	[smem:$0x3FAC] =	sst s9;
	s0 =	simm.s32 @!p0 $0x0  }
0x12: {  	s1 =	sld [smem:$0x3F92];
	s0 =	simm.s32 @p0 $0x1  }
0x13: {  	[smem:$0x3FAD] =	sst s0;
	s0 =	simm.s32 @!p1 $0x0  }
0x14: {  	s2 =	sld [smem:$0x3F91];
	s0 =	simm.s32 @p1 $0x1  }
0x15: {  	[smem:$0x3FAE] =	sst s0;
	s0 =	simm.s32 @!p2 $0x0  }
0x16: {  	s3 =	sld [smem:$0x3FDB];
	s0 =	simm.s32 @p2 $0x1  }
0x17: {  	s4 =	simm.s32 $0x1BF5;
	[smem:$0x3FB0] =	sst s0  }
0x18: {  	s0 =	sld [smem:$0x3F93];
	_ =	swait.ge [sflag:s4], $0x0  }
0x19: {  	s7 =	sld [smem:$0x3F94]  }
0x1a: {  	s8 =	sadd.s32 $0xFFFFE003, lr  }
0x1b: {  	s9 =	sadd.s32 $0xFFFFFEF7, lr;
	s5 =	simm.s32 $0xFFFFFFFF;
	p2 =	slt.u32 s8, $0xFFFFF086  }
0x1c: {  	p1 =	slt.u32 s9, $0xF7A;
	s5 =	simm.s32 @!p2 $0x0  }
0x1d: {  	s5 =	simm.s32 @p1 $0x1;
	p0 =	seq.s32 s7, s2  }
0x1e: {  	s7 =	smul.u32 @!p0 $0xF7A, s2;
	p2 =	seq.s32 @!p0 s5, $0x0  }
0x1f: {  	s9 =	smul.u32 $0xF7A, s1;
	s8 =	simm.s32 @!p0 $0x1BF5;
	p2 =	por !p2, p0  }
0x20: {  	[sflag:s8] =	ssyncset.s32 @!p0 $0xFFFFF086;
	s6 =	sadd.s32 @!p0 s3, s7;
	s7 =	simm.s32 @!p0 $0x108  }
0x21: {  	s3 =	sadd.s32 s3, s9;
	s6 =	sadd.s32 @!p0 $0x88, s6;
	s7 =	simm.s32 @p2 $0x1082  }
0x22: {  	[simem:s7], [sflag:s8] =	dma.local @!p0 [hbm:s6], $0xF7A  }
0x23: {  	s9 =	sor.u32 $0xD0000000, s2;
	s6 =	simm.s32 $0x108;
	_ =	swait.ge @!p0 [sflag:s8], $0x0  }
0x24: {  	s3 =	sadd.s32 $0x88, s3;
	s6 =	simm.s32 @!p1 $0x1082;
	[sflag:s4] =	ssyncset.s32 $0xFFFFF086  }
0x25: {  	[simem:s6], [sflag:s4] =	dma.local [hbm:s3], $0xF7A  }
0x26: {  	[smem:$0x3F94] =	sst s1;
	(tag) =	ssettag s2;
	_ =	strace s9  }
0x27: {  	s1 =	sld [smem:$0x3FA4]  }
0x28: {  	s2 =	sld [smem:$0x3FA5]  }
0x29: {  	s4 =	sld [smem:$0x3FA7]  }
0x2a: {  	p0 =	seq.s32 s5, $0x0;
	s5 =	sld [smem:$0x3FA8]  }
0x2b: {  	s6 =	sld [smem:$0x3FA9]  }
0x2c: {  	s7 =	sld [smem:$0x3FAA]  }
0x2d: {  	s3 =	simm.s32 $0x108;
	s8 =	sld [smem:$0x3FAB]  }
0x2e: {  	s3 =	simm.s32 @!p0 $0x1082;
	s9 =	sld [smem:$0x3FAC]  }
0x2f: {  	lr =	sadd.s32 s0, s3;
	s0 =	sld [smem:$0x3FA3]  }
0x30: {  	s3 =	sld [smem:$0x3FA6]  }
0x31: {  	[smem:$0x3FAF] =	sst s10  }
0x32: {  	s10 =	sld [smem:$0x3FAD];
	_ =	sdelay $0x3  }
0x33: {  	p0 =	seq.s32 s10, $0x1;
	s10 =	sld [smem:$0x3FAF];
	_ =	sdelay $0x3  }
0x34: {  	[smem:$0x3FAF] =	sst s10  }
0x35: {  	s10 =	sld [smem:$0x3FAE];
	_ =	sdelay $0x3  }
0x36: {  	p1 =	seq.s32 s10, $0x1;
	s10 =	sld [smem:$0x3FAF];
	_ =	sdelay $0x3  }
0x37: {  	[smem:$0x3FAF] =	sst s10  }
0x38: {  	s10 =	sld [smem:$0x3FB0]  }
0x39: {  	_ = 	snop;
	(pc) =	sbr.ind lr, $3  }
0x3a: {  	_ = 	snop  }
0x3b: {  	_ = 	snop  }
0x3c: {  	p2 =	seq.s32 s10, $0x1;
	s10 =	sld [smem:$0x3FAF]  }
0x3d: {  	_ =	shalt  }
0x3e: {  	_ =	shalt  }
0x3f: {  	_ =	shalt  }
0x40: {  	_ =	shalt  }
0x41: {  	_ =	shalt  }
0x42: {  	_ =	shalt  }
0x43: {  	_ =	shalt  }
0x44: {  	_ =	shalt  }
0x45: {  	_ =	shalt  }
0x46: {  	_ =	shalt  }
0x47: {  	_ =	shalt  }
0x48: {  	_ =	shalt  }
0x49: {  	_ =	shalt  }
0x4a: {  	_ =	shalt  }
0x4b: {  	_ =	shalt  }
0x4c: {  	_ =	shalt  }
0x4d: {  	_ =	shalt  }
0x4e: {  	_ =	shalt  }
0x4f: {  	_ =	shalt  }
0x50: {  	_ =	shalt  }
0x51: {  	_ =	shalt  }
0x52: {  	_ =	shalt  }
0x53: {  	_ =	shalt  }
0x54: {  	_ =	shalt  }
0x55: {  	_ =	shalt  }
0x56: {  	_ =	shalt  }
0x57: {  	_ =	shalt  }
0x58: {  	_ =	shalt  }
0x59: {  	_ =	shalt  }
0x5a: {  	_ =	shalt  }
0x5b: {  	_ =	shalt  }
0x5c: {  	_ =	shalt  }
0x5d: {  	_ =	shalt  }
0x5e: {  	_ =	shalt  }
0x5f: {  	_ =	shalt  }
0x60: {  	_ =	shalt  }
0x61: {  	_ =	shalt  }
0x62: {  	_ =	shalt  }
0x63: {  	_ =	shalt  }
0x64: {  	_ =	shalt  }
0x65: {  	_ =	shalt  }
0x66: {  	_ =	shalt  }
0x67: {  	_ =	shalt  }
0x68: {  	_ =	shalt  }
0x69: {  	_ =	shalt  }
0x6a: {  	_ =	shalt  }
0x6b: {  	_ =	shalt  }
0x6c: {  	_ =	shalt  }
0x6d: {  	_ =	shalt  }
0x6e: {  	_ =	shalt  }
0x6f: {  	_ =	shalt  }
0x70: {  	_ =	shalt  }
0x71: {  	_ =	shalt  }
0x72: {  	_ =	shalt  }
0x73: {  	_ =	shalt  }
0x74: {  	_ =	shalt  }
0x75: {  	_ =	shalt  }
0x76: {  	_ =	shalt  }
0x77: {  	_ =	shalt  }
0x78: {  	_ =	shalt  }
0x79: {  	_ =	shalt  }
0x7a: {  	_ =	shalt  }
0x7b: {  	_ =	shalt  }
0x7c: {  	_ =	shalt  }
0x7d: {  	_ =	shalt  }
0x7e: {  	_ =	shalt  }
0x7f: {  	_ =	shalt  }
0x80: {  	_ =	shalt  }
0x81: {  	_ =	shalt  }
0x82: {  	_ =	shalt  }
0x83: {  	_ =	shalt  }
0x84: {  	_ =	shalt  }
0x85: {  	_ =	shalt  }
0x86: {  	_ =	shalt  }
0x87: {  	_ =	shalt  }
.Lfunc_end0:
.L_simem_size_0:
called_computation_lowered:
.L_overlay_start_0:
0x88: {  	s2 =	sld [smem:$0x3FD9]  }
0x89: {  	s3 =	sld [smem:$0x3FFE];
	_ =	sdelay $0x1  }
0x8a: {  	s1 =	srdreg.scid  }
0x8b: {  	s0 =	sand.u32 $0x1, s1  }
0x8c: {  	s14 =	sshll.u32 s0, $0xA;
	s2 =	sadd.s32 s3, s2  }
0x8d: {  	s2 =	sadd.s32 s2, s14  }
0x8e: {  	[smem:$0x3FBB] =	sst s2  }
0x8f: {  	_ = 	snop  }
0x90: {  	s2 =	sld [smem:$0x3FD0];
	_ =	sdelay $0x2  }
0x91: {  	s15 =	simm.s32 $0xA;
	s4 =	simm.s32 $0x10  }
0x92: {  	[smem:s4], [sflag:s15] =	dma.local [hbm:s2], $0x1  }
0x93: {  	_ =	swait.eq [sflag:s15], $0x1  }
0x94: {  	[sflag:s15] =	ssyncset.done $0x0  }
0x95: {  	s16 =	sld [smem:$0x10];
	[sflag:s15] =	ssyncadd.s32 $0xFFFFFFFF  }
0x96: {  	s17 =	sld [smem:$0x11];
	(tm) =	ssettm $0x1  }
0x97: {  	s18 =	sld [smem:$0x3FFB];
	_ =	sdelay $0x3  }
0x98: {  	_ =	strace s18  }
0x99: {  	s4 =	sld [smem:$0x3FFC];
	_ =	sdelay $0x3  }
0x9a: {  	_ =	strace s4  }
0x9b: {  	s4 =	sld [smem:$0x3FFD];
	_ =	sdelay $0x3  }
0x9c: {  	_ =	strace s4  }
0x9d: {  	_ =	strace $0x8FFFFFFF  }
0x9e: {  	s19 =	sld [smem:$0x3FDB];
	_ =	sdelay $0x1  }
0x9f: {  	s5 =	simm.s32 $_scs_section_size  }
0xa0: {  	s6 =	simm.s32 $_size__tile_overlayer_lowered;
	s7 =	simm.s32 $_tile_overlayer_lowered  }
0xa1: {  	s22 =	simm.s32 $0x1BFF;
	s21 =	sshll.u32 s7, $0x1;
	s4 =	sadd.s32 s5, s19  }
0xa2: {  	s8 =	simm.s32 $0x0;
	s20 =	sshll.u32 s6, $0x1;
	s6 =	sadd.s32 s21, s4  }
0xa3: {  	[timem:s8], [sflag:s22] =	dma.local [hbm:s6], s20  }
0xa4: {  	_ =	swait.ge [sflag:s22], s20  }
0xa5: {  	s5 =	ssub.s32 $0x0, s20;
	[sflag:s22] =	ssyncset.done $0x0  }
0xa6: {  	[sflag:s22] =	ssyncadd.s32 s5;
	_ =	sdelay $0x1  }
0xa7: {  	s23 =	simm.s32 $0x1B8B  }
0xa8: {  	_ =	swait.ge [sflag:s23], $0x1  }
0xa9: {  	[sflag:s23] =	ssyncset.done $0x0  }
0xaa: {  	s25 =	simm.s32 $0x1B8E;
	s24 =	sld [smem:$0x3FFE];
	[sflag:s23] =	ssyncadd.s32 $0xFFFFFFFF  }
0xab: {  	s26 =	simm.s32 $execute0_lowered;
	[smem:$0x3FD2] =	sst s25  }
0xac: {  	s6 =	sshll.u32 s26, $0x1;
	_ =	strace $0x80000046;
	[dreg:$0x1] =	wrdreg $0xFFFFFFFF  }
0xad: {  	s28 =	simm.s32 $_size_execute0_lowered;
	s4 =	sadd.s32 s4, s6;
	[dreg:$0x0] =	wrdreg $0x0  }
0xae: {  	s6 =	sshll.u32 s28, $0x1;
	[dreg:$0x2] =	wrdreg s4  }
0xaf: {  	[dreg:$0x3] =	wrdreg s6  }
0xb0: {  	[dreg:$0x4] =	wrdreg $0xC0  }
0xb1: {  	_ =	task [dreg:s8], $0x5FFFF  }
0xb2: {  	[dreg:$0x1] =	wrdreg $0xFFFFFFFF  }
0xb3: {  	[dreg:$0x0] =	wrdreg $0x60  }
0xb4: {  	[dreg:$0x2] =	wrdreg s17  }
0xb5: {  	[dreg:$0x3] =	wrdreg s24  }
0xb6: {  	[dreg:$0x4] =	wrdreg s16  }
0xb7: {  	[dreg:$0x5] =	wrdreg $0x9  }
0xb8: {  	_ =	task.clear_ibuf [dreg:s8], $0x6FFFF;
	_ =	strace $0x90000046  }
0xb9: {  	s29 =	simm.s32 $0x9;
	_ =	strace $0x80000048  }
0xba: {  	_ =	swait.ge [sflag:s29], $0x1  }
0xbb: {  	[sflag:s29] =	ssyncadd.s32 $0xFFFFFFFF  }
0xbc: {  	_ =	strace $0x90000048  }
0xbd: {  	_ =	sfence  }
0xbe: {  	s30 =	sld [smem:$0x0];
	_ =	sdelay $0x2  }
0xbf: {  	s31 =	sshll.u32 s1, $0xD;
	s1 =	sshrl.u32 s1, $0x2  }
0xc0: {  	s3 =	sand.u32 $0x4000, s31;
	s1 =	sadd.s32 s1, s30  }
0xc1: {  	s0 =	sor.u32 s3, s0;
	s1 =	sshll.u32 s1, $0x11  }
0xc2: {  	s0 =	sor.u32 s1, s0  }
0xc3: {  	s0 =	sadd.s32 $0x8F2B, s0  }
0xc4: {  	[sflag:s0] =	ssyncadd.remote.s32 $0x1  }
0xc5: {  	_ =	sfence.sel $0xFFFF  }
0xc6: {  	[dreg:$0x0] =	wrdreg $0xFFFFFFFF;
	(pc) =	sbr.abs _section_cstart, $3  }
0xc7: {  	[dreg:$0x1] =	wrdreg $0xFFFFFFFF  }
0xc8: {  	_ =	task.clear_ibuf [dreg:s8], $0x2FFFF;
	_ =	strace $0x9FFFFFFF  }
0xc9: {  	(tm) =	ssettm $0x7FFFFFFF  }
tec
execute0_lowered:
.L_overlay_start_1:
0x0: {  	(tag) =	ssettag $0x1  }
0x1: {  	s2 =	rddreg [dreg:$0x0]  }
0x2: {  	s0 =	srdreg.scid;
	s1 =	rddreg [dreg:$0x1]  }
0x3: {  	s19 =	stileid.u32;
	s3 =	rddreg [dreg:$0x2];
	s9 =	simm.s32 $0x0  }
0x4: {  	s30 =	simm.s32 $0x3;
	s12 =	simm.s32 $0x2000;
	s13 =	simm.s32 $0x100  }
0x5: {  	s14 =	simm.s32 $0x3800;
	s15 =	simm.s32 $0x180;
	s31 =	simm.s32 $0x5000  }
0x6: {  	s20 =	simm.s32 $0x200;
	p0 =	por $0x0, $0x0;
	s0 =	sand.u32 $0x1, s0  }
0x7: {  	s4 =	sshll.u32 s19, $0xC;
	[smem:$0x7FF] =	sst s9;
	s5 =	sshll.u32 s0, $0xB  }
0x8: {  	s7 =	sadd.s32 $0x5600, s1;
	s0 =	ssub.s32 $0x2, s0;
	s4 =	sor.u32 s5, s4  }
0x9: {  	_ =	strace $0x80000047;
	s26 =	sshrl.u32 s0, $0x1;
	s5 =	sshrl.u32 s4, $0x3  }
0xa: {  	s4 =	sshll.u32 s4, $0x4;
	s0 =	ssub.s32 s0, s26;
	s6 =	sadd.s32 s5, s1  }
0xb: {  	s24 =	sadd.s32 s7, s4;
	s8 =	sor.u32 $0x4000, s4;
	s1 =	sadd.s32 $0x105600, s1  }
0xc: {  	s3 =	sadd.s32 s3, s5;
	s29 =	smax.u32 s0, $0x1;
	[dreg:$0x5] =	wrdreg s24  }
0xd: {  	s6 =	sadd.s32 $0x3600, s6;
	[dreg:$0x7] =	wrdreg s3;
	p1 =	sne.s32 s29, $0x1  }
.Ltmp0:
0xe: {  	s25 =	sadd.s32 s7, s8;
	[dreg:$0x4] =	wrdreg s6;
	(pc) =	sbr.rel @!p1 .LBB2_5-.Ltmp0, $4  }
0xf: {  	s28 =	sadd.s32 s1, s4;
	s1 =	sadd.s32 s1, s8;
	[dreg:$0x6] =	wrdreg s25  }
0x10: {  	s3 =	simm.s32 $0x80;
	s8 =	simm.s32 $0x800;
	[dreg:$0x8] =	wrdreg s28  }
0x11: {  	s4 =	simm.s32 $0x1;
	s24 =	sadd.s32 $0xFFFFFFFF, s29;
	[dreg:$0x9] =	wrdreg s1  }
0x12: {  	s7 =	simm.s32 $0x2;
	s6 =	simm.s32 $0xC800;
	s17 =	rddreg [dreg:$0x4]  }
0x13: {  	[tilespmem:s9], [sflag:$0x3] =	stream.linear.gather [hbm4b:s17+s9], $0x800, $0x38;
	[tilespmem:$0x18800] =	vst v63  }
0x14: {  	_ =	swait.ge [sflag:s30], $0x800  }
0x15: {  	[sflag:s30] =	ssyncset.done $0x0  }
0x16: {  	[sflag:s30] =	ssyncadd.s32 $0xFFFFF800  }
0x17: {  	[tilespmem:s8], [sflag:$0x1] =	stream.indirect.gather [hbm4b:s2+s3], $0x30, s9, s3, $0xb8;
	[tilespmem:$0x18800] =	vst v63  }
0x18: {  	_ = 	snop  }
0x19: {  	[tilespmem:s12], [sflag:$0x1] =	stream.indirect.gather [hbm4b:s2+s3], $0x30, s3, s3, $0xb8;
	[tilespmem:$0x18800] =	vst v63  }
0x1a: {  	_ = 	snop  }
0x1b: {  	[tilespmem:s14], [sflag:$0x1] =	stream.indirect.gather [hbm4b:s2+s3], $0x30, s13, s3, $0xb8;
	[tilespmem:$0x18800] =	vst v63  }
0x1c: {  	_ = 	snop  }
0x1d: {  	[tilespmem:s31], [sflag:$0x1] =	stream.indirect.gather [hbm4b:s2+s3], $0x30, s15, s3, $0xb8;
	[tilespmem:$0x18800] =	vst v63  }
0x1e: {  	s22 =	simm.s32 $0x6800  }
0x1f: {  	[tilespmem:s22], [sflag:$0x1] =	stream.indirect.gather [hbm4b:s2+s3], $0x30, s20, s3, $0xb8;
	[tilespmem:$0x18800] =	vst v63  }
0x20: {  	s21 =	simm.s32 $0x280;
	s20 =	simm.s32 $0x8000  }
0x21: {  	[tilespmem:s20], [sflag:$0x1] =	stream.indirect.gather [hbm4b:s2+s3], $0x30, s21, s3, $0xb8;
	[tilespmem:$0x18800] =	vst v63  }
0x22: {  	s23 =	simm.s32 $0x300;
	s25 =	simm.s32 $0x9800  }
0x23: {  	[tilespmem:s25], [sflag:$0x1] =	stream.indirect.gather [hbm4b:s2+s3], $0x30, s23, s3, $0xb8;
	[tilespmem:$0x18800] =	vst v63  }
0x24: {  	s17 =	simm.s32 $0xB000;
	s25 =	simm.s32 $0x380  }
0x25: {  	[tilespmem:s17], [sflag:$0x1] =	stream.indirect.gather [hbm4b:s2+s3], $0x30, s25, s3, $0xb8;
	[tilespmem:$0x18800] =	vst v63  }
0x26: {  	_ =	swait.ge [sflag:s4], $0x1800  }
0x27: {  	[sflag:s4] =	ssyncset.done $0x0  }
0x28: {  	[sflag:s4] =	ssyncadd.s32 $0xFFFFE800  }
0x29: {  	_ =	swait.ge [sflag:s4], $0x1800  }
0x2a: {  	[sflag:s4] =	ssyncset.done $0x0  }
0x2b: {  	[sflag:s4] =	ssyncadd.s32 $0xFFFFE800  }
0x2c: {  	_ =	swait.ge [sflag:s4], $0x1800  }
0x2d: {  	[sflag:s4] =	ssyncset.done $0x0  }
0x2e: {  	[sflag:s4] =	ssyncadd.s32 $0xFFFFE800  }
0x2f: {  	_ =	swait.ge [sflag:s4], $0x1800  }
0x30: {  	[sflag:s4] =	ssyncset.done $0x0  }
0x31: {  	[sflag:s4] =	ssyncadd.s32 $0xFFFFE800  }
0x32: {  	_ =	swait.ge [sflag:s4], $0x1800  }
0x33: {  	[sflag:s4] =	ssyncset.done $0x0  }
0x34: {  	[sflag:s4] =	ssyncadd.s32 $0xFFFFE800  }
0x35: {  	_ =	swait.ge [sflag:s4], $0x1800  }
0x36: {  	[sflag:s4] =	ssyncset.done $0x0  }
0x37: {  	[sflag:s4] =	ssyncadd.s32 $0xFFFFE800  }
0x38: {  	_ =	swait.ge [sflag:s4], $0x1800  }
0x39: {  	[sflag:s4] =	ssyncset.done $0x0  }
0x3a: {  	[sflag:s4] =	ssyncadd.s32 $0xFFFFE800  }
0x3b: {  	_ =	swait.ge [sflag:s4], $0x1800  }
0x3c: {  	[sflag:s4] =	ssyncset.done $0x0  }
0x3d: {  	s18 =	simm.s32 $0x30;
	s17 =	rddreg [dreg:$0x5];
	[sflag:s4] =	ssyncadd.s32 $0xFFFFE800  }
0x3e: {  	[hbm4b:s17+s18] =	stream.strided.scatter [tilespmem:s8], [sflag:$0x2], $0xC000, s3, s18, $0x38;
	[tilespmem:$0x18800] =	vst v63  }
0x3f: {  	s9 =	simm.s32 $0x400  }
0x40: {  	[tilespmem:s6], [sflag:$0x1] =	stream.indirect.gather [hbm4b:s2+s3], $0x30, s9, s3, $0xb8;
	[tilespmem:$0x18800] =	vst v63  }
0x41: {  	s12 =	simm.s32 $0x480;
	s13 =	simm.s32 $0xE000  }
0x42: {  	[tilespmem:s13], [sflag:$0x1] =	stream.indirect.gather [hbm4b:s2+s3], $0x30, s12, s3, $0xb8;
	[tilespmem:$0x18800] =	vst v63  }
0x43: {  	s14 =	simm.s32 $0x500;
	s15 =	simm.s32 $0xF800  }
0x44: {  	[tilespmem:s15], [sflag:$0x1] =	stream.indirect.gather [hbm4b:s2+s3], $0x30, s14, s3, $0xb8;
	[tilespmem:$0x18800] =	vst v63  }
0x45: {  	s19 =	simm.s32 $0x580;
	s10 =	simm.s32 $0x11000  }
0x46: {  	[tilespmem:s10], [sflag:$0x1] =	stream.indirect.gather [hbm4b:s2+s3], $0x30, s19, s3, $0xb8;
	[tilespmem:$0x18800] =	vst v63  }
0x47: {  	s28 =	simm.s32 $0x600;
	s16 =	simm.s32 $0x12800  }
0x48: {  	[tilespmem:s16], [sflag:$0x1] =	stream.indirect.gather [hbm4b:s2+s3], $0x30, s28, s3, $0xb8;
	[tilespmem:$0x18800] =	vst v63  }
0x49: {  	s26 =	simm.s32 $0x680;
	s0 =	simm.s32 $0x14000  }
0x4a: {  	[tilespmem:s0], [sflag:$0x1] =	stream.indirect.gather [hbm4b:s2+s3], $0x30, s26, s3, $0xb8;
	[tilespmem:$0x18800] =	vst v63  }
0x4b: {  	s29 =	simm.s32 $0x700;
	s11 =	simm.s32 $0x15800  }
0x4c: {  	[tilespmem:s11], [sflag:$0x1] =	stream.indirect.gather [hbm4b:s2+s3], $0x30, s29, s3, $0xb8;
	[tilespmem:$0x18800] =	vst v63  }
0x4d: {  	s5 =	simm.s32 $0x780;
	s1 =	simm.s32 $0x17000  }
0x4e: {  	[tilespmem:s1], [sflag:$0x1] =	stream.indirect.gather [hbm4b:s2+s3], $0x30, s5, s3, $0xb8;
	[tilespmem:$0x18800] =	vst v63  }
0x4f: {  	_ =	swait.ge [sflag:s4], $0x1800  }
0x50: {  	[sflag:s4] =	ssyncset.done $0x0  }
0x51: {  	[sflag:s4] =	ssyncadd.s32 $0xFFFFE800  }
0x52: {  	_ =	swait.ge [sflag:s4], $0x1800  }
0x53: {  	[sflag:s4] =	ssyncset.done $0x0  }
0x54: {  	[sflag:s4] =	ssyncadd.s32 $0xFFFFE800  }
0x55: {  	_ =	swait.ge [sflag:s4], $0x1800  }
0x56: {  	[sflag:s4] =	ssyncset.done $0x0  }
0x57: {  	[sflag:s4] =	ssyncadd.s32 $0xFFFFE800  }
0x58: {  	_ =	swait.ge [sflag:s4], $0x1800  }
0x59: {  	[sflag:s4] =	ssyncset.done $0x0  }
0x5a: {  	[sflag:s4] =	ssyncadd.s32 $0xFFFFE800  }
0x5b: {  	_ =	swait.ge [sflag:s4], $0x1800  }
0x5c: {  	[sflag:s4] =	ssyncset.done $0x0  }
0x5d: {  	[sflag:s4] =	ssyncadd.s32 $0xFFFFE800  }
0x5e: {  	_ =	swait.ge [sflag:s4], $0x1800  }
0x5f: {  	[sflag:s4] =	ssyncset.done $0x0  }
0x60: {  	[sflag:s4] =	ssyncadd.s32 $0xFFFFE800  }
0x61: {  	_ =	swait.ge [sflag:s4], $0x1800  }
0x62: {  	[sflag:s4] =	ssyncset.done $0x0  }
0x63: {  	[sflag:s4] =	ssyncadd.s32 $0xFFFFE800  }
0x64: {  	_ =	swait.ge [sflag:s4], $0x1800  }
0x65: {  	[sflag:s4] =	ssyncset.done $0x0  }
0x66: {  	s13 =	rddreg [dreg:$0x6];
	[sflag:s4] =	ssyncadd.s32 $0xFFFFE800  }
0x67: {  	[hbm4b:s13+s18] =	stream.strided.scatter [tilespmem:s6], [sflag:$0x2], $0xC000, s3, s18, $0x38;
	[tilespmem:$0x18800] =	vst v63  }
0x68: {  	s30 =	simm.s32 $0x0;
	s31 =	simm.s32 $0x3;
	s5 =	rddreg [dreg:$0x7]  }
0x69: {  	[tilespmem:s30], [sflag:$0x3] =	stream.linear.gather [hbm4b:s5+s30], $0x800, $0x38;
	[tilespmem:$0x18800] =	vst v63  }
0x6a: {  	_ =	swait.ge [sflag:s31], $0x800  }
0x6b: {  	[sflag:s31] =	ssyncset.done $0x0  }
0x6c: {  	[sflag:s31] =	ssyncadd.s32 $0xFFFFF800  }
0x6d: {  	_ =	swait.ge [sflag:s7], $0xC000  }
0x6e: {  	[sflag:s7] =	ssyncset.done $0x0  }
0x6f: {  	[sflag:s7] =	ssyncadd.s32 $0xFFFF4000  }
0x70: {  	[tilespmem:s8], [sflag:$0x1] =	stream.indirect.gather [hbm4b:s2+s3], $0x30, s30, s3, $0xb8;
	[tilespmem:$0x18800] =	vst v63  }
0x71: {  	s14 =	simm.s32 $0x2000  }
0x72: {  	[tilespmem:s14], [sflag:$0x1] =	stream.indirect.gather [hbm4b:s2+s3], $0x30, s3, s3, $0xb8;
	[tilespmem:$0x18800] =	vst v63  }
0x73: {  	s15 =	simm.s32 $0x100;
	s19 =	simm.s32 $0x3800  }
0x74: {  	[tilespmem:s19], [sflag:$0x1] =	stream.indirect.gather [hbm4b:s2+s3], $0x30, s15, s3, $0xb8;
	[tilespmem:$0x18800] =	vst v63  }
0x75: {  	s0 =	simm.s32 $0x180;
	s26 =	simm.s32 $0x5000  }
0x76: {  	[tilespmem:s26], [sflag:$0x1] =	stream.indirect.gather [hbm4b:s2+s3], $0x30, s0, s3, $0xb8;
	[tilespmem:$0x18800] =	vst v63  }
0x77: {  	s16 =	simm.s32 $0x200  }
0x78: {  	[tilespmem:s22], [sflag:$0x1] =	stream.indirect.gather [hbm4b:s2+s3], $0x30, s16, s3, $0xb8;
	[tilespmem:$0x18800] =	vst v63  }
0x79: {  	_ = 	snop  }
0x7a: {  	[tilespmem:s20], [sflag:$0x1] =	stream.indirect.gather [hbm4b:s2+s3], $0x30, s21, s3, $0xb8;
	[tilespmem:$0x18800] =	vst v63  }
0x7b: {  	s17 =	simm.s32 $0x9800  }
0x7c: {  	[tilespmem:s17], [sflag:$0x1] =	stream.indirect.gather [hbm4b:s2+s3], $0x30, s23, s3, $0xb8;
	[tilespmem:$0x18800] =	vst v63  }
0x7d: {  	s19 =	simm.s32 $0xB000  }
0x7e: {  	[tilespmem:s19], [sflag:$0x1] =	stream.indirect.gather [hbm4b:s2+s3], $0x30, s25, s3, $0xb8;
	[tilespmem:$0x18800] =	vst v63  }
0x7f: {  	_ =	swait.ge [sflag:s4], $0x1800  }
0x80: {  	[sflag:s4] =	ssyncset.done $0x0  }
0x81: {  	[sflag:s4] =	ssyncadd.s32 $0xFFFFE800  }
0x82: {  	_ =	swait.ge [sflag:s4], $0x1800  }
0x83: {  	[sflag:s4] =	ssyncset.done $0x0  }
0x84: {  	[sflag:s4] =	ssyncadd.s32 $0xFFFFE800  }
0x85: {  	_ =	swait.ge [sflag:s4], $0x1800  }
0x86: {  	[sflag:s4] =	ssyncset.done $0x0  }
0x87: {  	[sflag:s4] =	ssyncadd.s32 $0xFFFFE800  }
0x88: {  	_ =	swait.ge [sflag:s4], $0x1800  }
0x89: {  	[sflag:s4] =	ssyncset.done $0x0  }
0x8a: {  	[sflag:s4] =	ssyncadd.s32 $0xFFFFE800  }
0x8b: {  	_ =	swait.ge [sflag:s4], $0x1800  }
0x8c: {  	[sflag:s4] =	ssyncset.done $0x0  }
0x8d: {  	[sflag:s4] =	ssyncadd.s32 $0xFFFFE800  }
0x8e: {  	_ =	swait.ge [sflag:s4], $0x1800  }
0x8f: {  	[sflag:s4] =	ssyncset.done $0x0  }
0x90: {  	[sflag:s4] =	ssyncadd.s32 $0xFFFFE800  }
0x91: {  	_ =	swait.ge [sflag:s4], $0x1800  }
0x92: {  	[sflag:s4] =	ssyncset.done $0x0  }
0x93: {  	[sflag:s4] =	ssyncadd.s32 $0xFFFFE800  }
0x94: {  	_ =	swait.ge [sflag:s4], $0x1800  }
0x95: {  	[sflag:s4] =	ssyncset.done $0x0  }
0x96: {  	s20 =	rddreg [dreg:$0x8];
	[sflag:s4] =	ssyncadd.s32 $0xFFFFE800  }
0x97: {  	[hbm4b:s20+s18] =	stream.strided.scatter [tilespmem:s8], [sflag:$0x2], $0xC000, s3, s18, $0x38;
	[tilespmem:$0x18800] =	vst v63  }
0x98: {  	_ =	swait.ge [sflag:s7], $0xC000  }
0x99: {  	[sflag:s7] =	ssyncset.done $0x0  }
0x9a: {  	s1 =	simm.s32 $0x400;
	[sflag:s7] =	ssyncadd.s32 $0xFFFF4000  }
0x9b: {  	[tilespmem:s6], [sflag:$0x1] =	stream.indirect.gather [hbm4b:s2+s3], $0x30, s1, s3, $0xb8;
	[tilespmem:$0x18800] =	vst v63  }
0x9c: {  	s9 =	simm.s32 $0x480;
	s10 =	simm.s32 $0xE000  }
0x9d: {  	[tilespmem:s10], [sflag:$0x1] =	stream.indirect.gather [hbm4b:s2+s3], $0x30, s9, s3, $0xb8;
	[tilespmem:$0x18800] =	vst v63  }
0x9e: {  	s12 =	simm.s32 $0xF800;
	s11 =	simm.s32 $0x500  }
0x9f: {  	[tilespmem:s12], [sflag:$0x1] =	stream.indirect.gather [hbm4b:s2+s3], $0x30, s11, s3, $0xb8;
	[tilespmem:$0x18800] =	vst v63  }
0xa0: {  	s28 =	simm.s32 $0x580;
	s29 =	simm.s32 $0x11000  }
0xa1: {  	[tilespmem:s29], [sflag:$0x1] =	stream.indirect.gather [hbm4b:s2+s3], $0x30, s28, s3, $0xb8;
	[tilespmem:$0x18800] =	vst v63  }
0xa2: {  	s22 =	simm.s32 $0x600;
	s21 =	simm.s32 $0x12800  }
0xa3: {  	[tilespmem:s21], [sflag:$0x1] =	stream.indirect.gather [hbm4b:s2+s3], $0x30, s22, s3, $0xb8;
	[tilespmem:$0x18800] =	vst v63  }
0xa4: {  	s23 =	simm.s32 $0x14000;
	s25 =	simm.s32 $0x680  }
0xa5: {  	[tilespmem:s23], [sflag:$0x1] =	stream.indirect.gather [hbm4b:s2+s3], $0x30, s25, s3, $0xb8;
	[tilespmem:$0x18800] =	vst v63  }
0xa6: {  	s26 =	simm.s32 $0x15800;
	s28 =	simm.s32 $0x700  }
0xa7: {  	[tilespmem:s26], [sflag:$0x1] =	stream.indirect.gather [hbm4b:s2+s3], $0x30, s28, s3, $0xb8;
	[tilespmem:$0x18800] =	vst v63  }
0xa8: {  	s30 =	simm.s32 $0x17000;
	s29 =	simm.s32 $0x780  }
0xa9: {  	[tilespmem:s30], [sflag:$0x1] =	stream.indirect.gather [hbm4b:s2+s3], $0x30, s29, s3, $0xb8;
	[tilespmem:$0x18800] =	vst v63  }
0xaa: {  	_ =	swait.ge [sflag:s4], $0x1800  }
0xab: {  	[sflag:s4] =	ssyncset.done $0x0  }
0xac: {  	[sflag:s4] =	ssyncadd.s32 $0xFFFFE800  }
0xad: {  	_ =	swait.ge [sflag:s4], $0x1800  }
0xae: {  	[sflag:s4] =	ssyncset.done $0x0  }
0xaf: {  	[sflag:s4] =	ssyncadd.s32 $0xFFFFE800  }
0xb0: {  	_ =	swait.ge [sflag:s4], $0x1800  }
0xb1: {  	[sflag:s4] =	ssyncset.done $0x0  }
0xb2: {  	[sflag:s4] =	ssyncadd.s32 $0xFFFFE800  }
0xb3: {  	_ =	swait.ge [sflag:s4], $0x1800  }
0xb4: {  	[sflag:s4] =	ssyncset.done $0x0  }
0xb5: {  	[sflag:s4] =	ssyncadd.s32 $0xFFFFE800  }
0xb6: {  	_ =	swait.ge [sflag:s4], $0x1800  }
0xb7: {  	[sflag:s4] =	ssyncset.done $0x0  }
0xb8: {  	[sflag:s4] =	ssyncadd.s32 $0xFFFFE800  }
0xb9: {  	_ =	swait.ge [sflag:s4], $0x1800  }
0xba: {  	[sflag:s4] =	ssyncset.done $0x0  }
0xbb: {  	[sflag:s4] =	ssyncadd.s32 $0xFFFFE800  }
0xbc: {  	_ =	swait.ge [sflag:s4], $0x1800  }
0xbd: {  	[sflag:s4] =	ssyncset.done $0x0  }
0xbe: {  	[sflag:s4] =	ssyncadd.s32 $0xFFFFE800  }
0xbf: {  	_ =	swait.ge [sflag:s4], $0x1800  }
0xc0: {  	[sflag:s4] =	ssyncset.done $0x0  }
0xc1: {  	p1 =	sne.s32 s24, $0x1;
	s31 =	rddreg [dreg:$0x9];
	[sflag:s4] =	ssyncadd.s32 $0xFFFFE800  }
0xc2: {  	[hbm4b:s31+s18] =	stream.strided.scatter [tilespmem:s6], [sflag:$0x2], $0xC000, s3, s18, $0x38;
	[tilespmem:$0x18800] =	vst v63  }
.Ltmp1:
0xc3: {  	_ =	swait.ge [sflag:s7], $0xC000;
	(pc) =	sbr.rel @!p1 .LBB2_6-.Ltmp1, $4  }
0xc4: {  	[sflag:s7] =	ssyncset.done $0x0  }
0xc5: {  	p0 =	por $0x1, $0x1;
	[sflag:s7] =	ssyncadd.s32 $0xFFFF4000  }
0xc6: {  	s16 =	sadd.s32 $0xFFFFFFFF, s24;
	s1 =	simm.s32 $0x30;
	_ =	swait.ge [sflag:s7], $0xC000  }
0xc7: {  	s18 =	simm.s32 $0x200;
	s17 =	rddreg [dreg:$0x4];
	[sflag:s7] =	ssyncset.done $0x0  }
0xc8: {  	s30 =	simm.s32 $0x0;
	s13 =	simm.s32 $0x2000;
	s14 =	simm.s32 $0x100  }
0xc9: {  	s15 =	simm.s32 $0x3800;
	s19 =	simm.s32 $0x180;
	s5 =	simm.s32 $0x5000  }
0xca: {  	s20 =	simm.s32 $0x6800;
	s21 =	simm.s32 $0x280;
	s22 =	simm.s32 $0x8000  }
0xcb: {  	s23 =	simm.s32 $0x300;
	s24 =	simm.s32 $0x9800;
	s25 =	simm.s32 $0x380  }
0xcc: {  	s26 =	simm.s32 $0xB000;
	s28 =	simm.s32 $0x480;
	s11 =	simm.s32 $0x500  }
0xcd: {  	s29 =	simm.s32 $0x12800;
	s9 =	simm.s32 $0x600;
	s31 =	simm.s32 $0x14000  }
.LBB2_3:
0xce: {  	[sflag:s7] =	ssyncadd.s32 $0xFFFF4000;
	s0 =	simm.s32 $0x3  }
0xcf: {  	[tilespmem:s30], [sflag:$0x3] =	stream.linear.gather [hbm4b:s17+s30], $0x800, $0x38;
	[tilespmem:$0x18800] =	vst v63  }
0xd0: {  	_ =	swait.ge [sflag:s0], $0x800  }
0xd1: {  	[sflag:s0] =	ssyncset.done $0x0  }
0xd2: {  	[sflag:s0] =	ssyncadd.s32 $0xFFFFF800  }
0xd3: {  	[tilespmem:s8], [sflag:$0x1] =	stream.indirect.gather [hbm4b:s2+s3], $0x30, s30, s3, $0xb8;
	[tilespmem:$0x18800] =	vst v63  }
0xd4: {  	_ = 	snop  }
0xd5: {  	[tilespmem:s13], [sflag:$0x1] =	stream.indirect.gather [hbm4b:s2+s3], $0x30, s3, s3, $0xb8;
	[tilespmem:$0x18800] =	vst v63  }
0xd6: {  	_ = 	snop  }
0xd7: {  	[tilespmem:s15], [sflag:$0x1] =	stream.indirect.gather [hbm4b:s2+s3], $0x30, s14, s3, $0xb8;
	[tilespmem:$0x18800] =	vst v63  }
0xd8: {  	_ = 	snop  }
0xd9: {  	[tilespmem:s5], [sflag:$0x1] =	stream.indirect.gather [hbm4b:s2+s3], $0x30, s19, s3, $0xb8;
	[tilespmem:$0x18800] =	vst v63  }
0xda: {  	_ = 	snop  }
0xdb: {  	[tilespmem:s20], [sflag:$0x1] =	stream.indirect.gather [hbm4b:s2+s3], $0x30, s18, s3, $0xb8;
	[tilespmem:$0x18800] =	vst v63  }
0xdc: {  	_ = 	snop  }
0xdd: {  	[tilespmem:s22], [sflag:$0x1] =	stream.indirect.gather [hbm4b:s2+s3], $0x30, s21, s3, $0xb8;
	[tilespmem:$0x18800] =	vst v63  }
0xde: {  	_ = 	snop  }
0xdf: {  	[tilespmem:s24], [sflag:$0x1] =	stream.indirect.gather [hbm4b:s2+s3], $0x30, s23, s3, $0xb8;
	[tilespmem:$0x18800] =	vst v63  }
0xe0: {  	_ = 	snop  }
0xe1: {  	[tilespmem:s26], [sflag:$0x1] =	stream.indirect.gather [hbm4b:s2+s3], $0x30, s25, s3, $0xb8;
	[tilespmem:$0x18800] =	vst v63  }
0xe2: {  	_ =	swait.ge [sflag:s4], $0x1800  }
0xe3: {  	[sflag:s4] =	ssyncset.done $0x0  }
0xe4: {  	[sflag:s4] =	ssyncadd.s32 $0xFFFFE800  }
0xe5: {  	_ =	swait.ge [sflag:s4], $0x1800  }
0xe6: {  	[sflag:s4] =	ssyncset.done $0x0  }
0xe7: {  	[sflag:s4] =	ssyncadd.s32 $0xFFFFE800  }
0xe8: {  	_ =	swait.ge [sflag:s4], $0x1800  }
0xe9: {  	[sflag:s4] =	ssyncset.done $0x0  }
0xea: {  	[sflag:s4] =	ssyncadd.s32 $0xFFFFE800  }
0xeb: {  	_ =	swait.ge [sflag:s4], $0x1800  }
0xec: {  	[sflag:s4] =	ssyncset.done $0x0  }
0xed: {  	[sflag:s4] =	ssyncadd.s32 $0xFFFFE800  }
0xee: {  	_ =	swait.ge [sflag:s4], $0x1800  }
0xef: {  	[sflag:s4] =	ssyncset.done $0x0  }
0xf0: {  	[sflag:s4] =	ssyncadd.s32 $0xFFFFE800  }
0xf1: {  	_ =	swait.ge [sflag:s4], $0x1800  }
0xf2: {  	[sflag:s4] =	ssyncset.done $0x0  }
0xf3: {  	[sflag:s4] =	ssyncadd.s32 $0xFFFFE800  }
0xf4: {  	_ =	swait.ge [sflag:s4], $0x1800  }
0xf5: {  	[sflag:s4] =	ssyncset.done $0x0  }
0xf6: {  	[sflag:s4] =	ssyncadd.s32 $0xFFFFE800  }
0xf7: {  	_ =	swait.ge [sflag:s4], $0x1800  }
0xf8: {  	[sflag:s4] =	ssyncset.done $0x0  }
0xf9: {  	s18 =	rddreg [dreg:$0x5];
	[sflag:s4] =	ssyncadd.s32 $0xFFFFE800  }
0xfa: {  	[hbm4b:s18+s1] =	stream.strided.scatter [tilespmem:s8], [sflag:$0x2], $0xC000, s3, s1, $0x38;
	[tilespmem:$0x18800] =	vst v63  }
0xfb: {  	s8 =	simm.s32 $0x400  }
0xfc: {  	[tilespmem:s6], [sflag:$0x1] =	stream.indirect.gather [hbm4b:s2+s3], $0x30, s8, s3, $0xb8;
	[tilespmem:$0x18800] =	vst v63  }
0xfd: {  	s10 =	simm.s32 $0xE000  }
0xfe: {  	[tilespmem:s10], [sflag:$0x1] =	stream.indirect.gather [hbm4b:s2+s3], $0x30, s28, s3, $0xb8;
	[tilespmem:$0x18800] =	vst v63  }
0xff: {  	s12 =	simm.s32 $0xF800  }
0x100: {  	[tilespmem:s12], [sflag:$0x1] =	stream.indirect.gather [hbm4b:s2+s3], $0x30, s11, s3, $0xb8;
	[tilespmem:$0x18800] =	vst v63  }
0x101: {  	s17 =	simm.s32 $0x11000;
	s1 =	simm.s32 $0x580  }
0x102: {  	[tilespmem:s17], [sflag:$0x1] =	stream.indirect.gather [hbm4b:s2+s3], $0x30, s1, s3, $0xb8;
	[tilespmem:$0x18800] =	vst v63  }
0x103: {  	_ = 	snop  }
0x104: {  	[tilespmem:s29], [sflag:$0x1] =	stream.indirect.gather [hbm4b:s2+s3], $0x30, s9, s3, $0xb8;
	[tilespmem:$0x18800] =	vst v63  }
0x105: {  	s10 =	simm.s32 $0x680  }
0x106: {  	[tilespmem:s31], [sflag:$0x1] =	stream.indirect.gather [hbm4b:s2+s3], $0x30, s10, s3, $0xb8;
	[tilespmem:$0x18800] =	vst v63  }
0x107: {  	s12 =	simm.s32 $0x700;
	s10 =	simm.s32 $0x15800  }
0x108: {  	[tilespmem:s10], [sflag:$0x1] =	stream.indirect.gather [hbm4b:s2+s3], $0x30, s12, s3, $0xb8;
	[tilespmem:$0x18800] =	vst v63  }
0x109: {  	s18 =	simm.s32 $0x780;
	s12 =	simm.s32 $0x17000  }
0x10a: {  	[tilespmem:s12], [sflag:$0x1] =	stream.indirect.gather [hbm4b:s2+s3], $0x30, s18, s3, $0xb8;
	[tilespmem:$0x18800] =	vst v63  }
0x10b: {  	_ =	swait.ge [sflag:s4], $0x1800  }
0x10c: {  	[sflag:s4] =	ssyncset.done $0x0  }
0x10d: {  	[sflag:s4] =	ssyncadd.s32 $0xFFFFE800  }
0x10e: {  	_ =	swait.ge [sflag:s4], $0x1800  }
0x10f: {  	[sflag:s4] =	ssyncset.done $0x0  }
0x110: {  	[sflag:s4] =	ssyncadd.s32 $0xFFFFE800  }
0x111: {  	_ =	swait.ge [sflag:s4], $0x1800  }
0x112: {  	[sflag:s4] =	ssyncset.done $0x0  }
0x113: {  	[sflag:s4] =	ssyncadd.s32 $0xFFFFE800  }
0x114: {  	_ =	swait.ge [sflag:s4], $0x1800  }
0x115: {  	[sflag:s4] =	ssyncset.done $0x0  }
0x116: {  	[sflag:s4] =	ssyncadd.s32 $0xFFFFE800  }
0x117: {  	_ =	swait.ge [sflag:s4], $0x1800  }
0x118: {  	[sflag:s4] =	ssyncset.done $0x0  }
0x119: {  	[sflag:s4] =	ssyncadd.s32 $0xFFFFE800  }
0x11a: {  	_ =	swait.ge [sflag:s4], $0x1800  }
0x11b: {  	[sflag:s4] =	ssyncset.done $0x0  }
0x11c: {  	[sflag:s4] =	ssyncadd.s32 $0xFFFFE800  }
0x11d: {  	_ =	swait.ge [sflag:s4], $0x1800  }
0x11e: {  	[sflag:s4] =	ssyncset.done $0x0  }
0x11f: {  	[sflag:s4] =	ssyncadd.s32 $0xFFFFE800  }
0x120: {  	_ =	swait.ge [sflag:s4], $0x1800  }
0x121: {  	s8 =	simm.s32 $0xC800;
	[sflag:s4] =	ssyncset.done $0x0  }
0x122: {  	s6 =	simm.s32 $0x30;
	s17 =	rddreg [dreg:$0x6];
	[sflag:s4] =	ssyncadd.s32 $0xFFFFE800  }
0x123: {  	[hbm4b:s17+s6] =	stream.strided.scatter [tilespmem:s8], [sflag:$0x2], $0xC000, s3, s6, $0x38;
	[tilespmem:$0x18800] =	vst v63  }
0x124: {  	s18 =	rddreg [dreg:$0x7]  }
0x125: {  	[tilespmem:s30], [sflag:$0x3] =	stream.linear.gather [hbm4b:s18+s30], $0x800, $0x38;
	[tilespmem:$0x18800] =	vst v63  }
0x126: {  	_ =	swait.ge [sflag:s0], $0x800  }
0x127: {  	[sflag:s0] =	ssyncset.done $0x0  }
0x128: {  	[sflag:s0] =	ssyncadd.s32 $0xFFFFF800  }
0x129: {  	_ =	swait.ge [sflag:s7], $0xC000  }
0x12a: {  	[sflag:s7] =	ssyncset.done $0x0  }
0x12b: {  	s8 =	simm.s32 $0x800;
	[sflag:s7] =	ssyncadd.s32 $0xFFFF4000  }
0x12c: {  	[tilespmem:s8], [sflag:$0x1] =	stream.indirect.gather [hbm4b:s2+s3], $0x30, s30, s3, $0xb8;
	[tilespmem:$0x18800] =	vst v63  }
0x12d: {  	_ = 	snop  }
0x12e: {  	[tilespmem:s13], [sflag:$0x1] =	stream.indirect.gather [hbm4b:s2+s3], $0x30, s3, s3, $0xb8;
	[tilespmem:$0x18800] =	vst v63  }
0x12f: {  	_ = 	snop  }
0x130: {  	[tilespmem:s15], [sflag:$0x1] =	stream.indirect.gather [hbm4b:s2+s3], $0x30, s14, s3, $0xb8;
	[tilespmem:$0x18800] =	vst v63  }
0x131: {  	_ = 	snop  }
0x132: {  	[tilespmem:s5], [sflag:$0x1] =	stream.indirect.gather [hbm4b:s2+s3], $0x30, s19, s3, $0xb8;
	[tilespmem:$0x18800] =	vst v63  }
0x133: {  	s18 =	simm.s32 $0x200  }
0x134: {  	[tilespmem:s20], [sflag:$0x1] =	stream.indirect.gather [hbm4b:s2+s3], $0x30, s18, s3, $0xb8;
	[tilespmem:$0x18800] =	vst v63  }
0x135: {  	_ = 	snop  }
0x136: {  	[tilespmem:s22], [sflag:$0x1] =	stream.indirect.gather [hbm4b:s2+s3], $0x30, s21, s3, $0xb8;
	[tilespmem:$0x18800] =	vst v63  }
0x137: {  	_ = 	snop  }
0x138: {  	[tilespmem:s24], [sflag:$0x1] =	stream.indirect.gather [hbm4b:s2+s3], $0x30, s23, s3, $0xb8;
	[tilespmem:$0x18800] =	vst v63  }
0x139: {  	_ = 	snop  }
0x13a: {  	[tilespmem:s26], [sflag:$0x1] =	stream.indirect.gather [hbm4b:s2+s3], $0x30, s25, s3, $0xb8;
	[tilespmem:$0x18800] =	vst v63  }
0x13b: {  	_ =	swait.ge [sflag:s4], $0x1800  }
0x13c: {  	[sflag:s4] =	ssyncset.done $0x0  }
0x13d: {  	[sflag:s4] =	ssyncadd.s32 $0xFFFFE800  }
0x13e: {  	_ =	swait.ge [sflag:s4], $0x1800  }
0x13f: {  	[sflag:s4] =	ssyncset.done $0x0  }
0x140: {  	[sflag:s4] =	ssyncadd.s32 $0xFFFFE800  }
0x141: {  	_ =	swait.ge [sflag:s4], $0x1800  }
0x142: {  	[sflag:s4] =	ssyncset.done $0x0  }
0x143: {  	[sflag:s4] =	ssyncadd.s32 $0xFFFFE800  }
0x144: {  	_ =	swait.ge [sflag:s4], $0x1800  }
0x145: {  	[sflag:s4] =	ssyncset.done $0x0  }
0x146: {  	[sflag:s4] =	ssyncadd.s32 $0xFFFFE800  }
0x147: {  	_ =	swait.ge [sflag:s4], $0x1800  }
0x148: {  	[sflag:s4] =	ssyncset.done $0x0  }
0x149: {  	[sflag:s4] =	ssyncadd.s32 $0xFFFFE800  }
0x14a: {  	_ =	swait.ge [sflag:s4], $0x1800  }
0x14b: {  	[sflag:s4] =	ssyncset.done $0x0  }
0x14c: {  	[sflag:s4] =	ssyncadd.s32 $0xFFFFE800  }
0x14d: {  	_ =	swait.ge [sflag:s4], $0x1800  }
0x14e: {  	[sflag:s4] =	ssyncset.done $0x0  }
0x14f: {  	[sflag:s4] =	ssyncadd.s32 $0xFFFFE800  }
0x150: {  	_ =	swait.ge [sflag:s4], $0x1800  }
0x151: {  	[sflag:s4] =	ssyncset.done $0x0  }
0x152: {  	s0 =	rddreg [dreg:$0x8];
	[sflag:s4] =	ssyncadd.s32 $0xFFFFE800  }
0x153: {  	[hbm4b:s0+s6] =	stream.strided.scatter [tilespmem:s8], [sflag:$0x2], $0xC000, s3, s6, $0x38;
	[tilespmem:$0x18800] =	vst v63  }
0x154: {  	_ =	swait.ge [sflag:s7], $0xC000  }
0x155: {  	[sflag:s7] =	ssyncset.done $0x0  }
0x156: {  	s17 =	simm.s32 $0x400;
	s6 =	simm.s32 $0xC800;
	[sflag:s7] =	ssyncadd.s32 $0xFFFF4000  }
0x157: {  	[tilespmem:s6], [sflag:$0x1] =	stream.indirect.gather [hbm4b:s2+s3], $0x30, s17, s3, $0xb8;
	[tilespmem:$0x18800] =	vst v63  }
0x158: {  	s17 =	simm.s32 $0xE000  }
0x159: {  	[tilespmem:s17], [sflag:$0x1] =	stream.indirect.gather [hbm4b:s2+s3], $0x30, s28, s3, $0xb8;
	[tilespmem:$0x18800] =	vst v63  }
0x15a: {  	s17 =	simm.s32 $0xF800  }
0x15b: {  	[tilespmem:s17], [sflag:$0x1] =	stream.indirect.gather [hbm4b:s2+s3], $0x30, s11, s3, $0xb8;
	[tilespmem:$0x18800] =	vst v63  }
0x15c: {  	s17 =	simm.s32 $0x11000  }
0x15d: {  	[tilespmem:s17], [sflag:$0x1] =	stream.indirect.gather [hbm4b:s2+s3], $0x30, s1, s3, $0xb8;
	[tilespmem:$0x18800] =	vst v63  }
0x15e: {  	_ = 	snop  }
0x15f: {  	[tilespmem:s29], [sflag:$0x1] =	stream.indirect.gather [hbm4b:s2+s3], $0x30, s9, s3, $0xb8;
	[tilespmem:$0x18800] =	vst v63  }
0x160: {  	s1 =	simm.s32 $0x680  }
0x161: {  	[tilespmem:s31], [sflag:$0x1] =	stream.indirect.gather [hbm4b:s2+s3], $0x30, s1, s3, $0xb8;
	[tilespmem:$0x18800] =	vst v63  }
0x162: {  	s17 =	simm.s32 $0x700  }
0x163: {  	[tilespmem:s10], [sflag:$0x1] =	stream.indirect.gather [hbm4b:s2+s3], $0x30, s17, s3, $0xb8;
	[tilespmem:$0x18800] =	vst v63  }
0x164: {  	s10 =	simm.s32 $0x780  }
0x165: {  	[tilespmem:s12], [sflag:$0x1] =	stream.indirect.gather [hbm4b:s2+s3], $0x30, s10, s3, $0xb8;
	[tilespmem:$0x18800] =	vst v63  }
0x166: {  	_ =	swait.ge [sflag:s4], $0x1800  }
0x167: {  	[sflag:s4] =	ssyncset.done $0x0  }
0x168: {  	[sflag:s4] =	ssyncadd.s32 $0xFFFFE800  }
0x169: {  	_ =	swait.ge [sflag:s4], $0x1800  }
0x16a: {  	[sflag:s4] =	ssyncset.done $0x0  }
0x16b: {  	[sflag:s4] =	ssyncadd.s32 $0xFFFFE800  }
0x16c: {  	_ =	swait.ge [sflag:s4], $0x1800  }
0x16d: {  	[sflag:s4] =	ssyncset.done $0x0  }
0x16e: {  	[sflag:s4] =	ssyncadd.s32 $0xFFFFE800  }
0x16f: {  	_ =	swait.ge [sflag:s4], $0x1800  }
0x170: {  	[sflag:s4] =	ssyncset.done $0x0  }
0x171: {  	[sflag:s4] =	ssyncadd.s32 $0xFFFFE800  }
0x172: {  	_ =	swait.ge [sflag:s4], $0x1800  }
0x173: {  	[sflag:s4] =	ssyncset.done $0x0  }
0x174: {  	[sflag:s4] =	ssyncadd.s32 $0xFFFFE800  }
0x175: {  	_ =	swait.ge [sflag:s4], $0x1800  }
0x176: {  	[sflag:s4] =	ssyncset.done $0x0  }
0x177: {  	[sflag:s4] =	ssyncadd.s32 $0xFFFFE800  }
0x178: {  	_ =	swait.ge [sflag:s4], $0x1800  }
0x179: {  	[sflag:s4] =	ssyncset.done $0x0  }
0x17a: {  	[sflag:s4] =	ssyncadd.s32 $0xFFFFE800  }
0x17b: {  	_ =	swait.ge [sflag:s4], $0x1800  }
0x17c: {  	p1 =	sne.s32 s16, $0x1;
	[sflag:s4] =	ssyncset.done $0x0  }
0x17d: {  	s1 =	simm.s32 $0x30;
	s12 =	rddreg [dreg:$0x9];
	[sflag:s4] =	ssyncadd.s32 $0xFFFFE800  }
0x17e: {  	[hbm4b:s12+s1] =	stream.strided.scatter [tilespmem:s6], [sflag:$0x2], $0xC000, s3, s1, $0x38;
	[tilespmem:$0x18800] =	vst v63  }
.Ltmp2:
0x17f: {  	_ =	swait.ge [sflag:s7], $0xC000;
	(pc) =	sbr.rel @p1 .LBB2_3-.Ltmp2, $4  }
0x180: {  	[sflag:s7] =	ssyncset.done $0x0  }
0x181: {  	[sflag:s7] =	ssyncadd.s32 $0xFFFF4000  }
0x182: {  	_ =	swait.ge [sflag:s7], $0xC000  }
0x183: {  	s16 =	sadd.s32 $0xFFFFFFFF, s16;
	s17 =	rddreg [dreg:$0x4];
	[sflag:s7] =	ssyncset.done $0x0  }
0x184: {  	s19 =	stileid.u32;
	s12 =	simm.s32 $0x2000  }
0x185: {  	s13 =	simm.s32 $0x100;
	s14 =	simm.s32 $0x3800;
	s15 =	simm.s32 $0x180  }
0x186: {  	s31 =	simm.s32 $0x5000;
	s9 =	simm.s32 $0x0;
	s30 =	simm.s32 $0x3  }
.LBB2_5:
0x187: {  	[sflag:s7] =	ssyncadd.s32 @p0 $0xFFFF4000  }
0x188: {  	[tilespmem:s9], [sflag:$0x3] =	stream.linear.gather [hbm4b:s17+s9], $0x800, $0x38;
	[tilespmem:$0x18800] =	vst v63  }
0x189: {  	_ =	swait.ge [sflag:s30], $0x800  }
0x18a: {  	[sflag:s30] =	ssyncset.done $0x0  }
0x18b: {  	[sflag:s30] =	ssyncadd.s32 $0xFFFFF800  }
0x18c: {  	[tilespmem:s8], [sflag:$0x1] =	stream.indirect.gather [hbm4b:s2+s3], $0x30, s9, s3, $0xb8;
	[tilespmem:$0x18800] =	vst v63  }
0x18d: {  	_ = 	snop  }
0x18e: {  	[tilespmem:s12], [sflag:$0x1] =	stream.indirect.gather [hbm4b:s2+s3], $0x30, s3, s3, $0xb8;
	[tilespmem:$0x18800] =	vst v63  }
0x18f: {  	_ = 	snop  }
0x190: {  	[tilespmem:s14], [sflag:$0x1] =	stream.indirect.gather [hbm4b:s2+s3], $0x30, s13, s3, $0xb8;
	[tilespmem:$0x18800] =	vst v63  }
0x191: {  	_ = 	snop  }
0x192: {  	[tilespmem:s31], [sflag:$0x1] =	stream.indirect.gather [hbm4b:s2+s3], $0x30, s15, s3, $0xb8;
	[tilespmem:$0x18800] =	vst v63  }
0x193: {  	s1 =	simm.s32 $0x200;
	s18 =	simm.s32 $0x6800  }
0x194: {  	[tilespmem:s18], [sflag:$0x1] =	stream.indirect.gather [hbm4b:s2+s3], $0x30, s1, s3, $0xb8;
	[tilespmem:$0x18800] =	vst v63  }
0x195: {  	s20 =	simm.s32 $0x280;
	s22 =	simm.s32 $0x8000  }
0x196: {  	[tilespmem:s22], [sflag:$0x1] =	stream.indirect.gather [hbm4b:s2+s3], $0x30, s20, s3, $0xb8;
	[tilespmem:$0x18800] =	vst v63  }
0x197: {  	s24 =	simm.s32 $0x300;
	s26 =	simm.s32 $0x9800  }
0x198: {  	[tilespmem:s26], [sflag:$0x1] =	stream.indirect.gather [hbm4b:s2+s3], $0x30, s24, s3, $0xb8;
	[tilespmem:$0x18800] =	vst v63  }
0x199: {  	s29 =	simm.s32 $0x380;
	s10 =	simm.s32 $0xB000  }
0x19a: {  	[tilespmem:s10], [sflag:$0x1] =	stream.indirect.gather [hbm4b:s2+s3], $0x30, s29, s3, $0xb8;
	[tilespmem:$0x18800] =	vst v63  }
0x19b: {  	_ =	swait.ge [sflag:s4], $0x1800  }
0x19c: {  	[sflag:s4] =	ssyncset.done $0x0  }
0x19d: {  	[sflag:s4] =	ssyncadd.s32 $0xFFFFE800  }
0x19e: {  	_ =	swait.ge [sflag:s4], $0x1800  }
0x19f: {  	[sflag:s4] =	ssyncset.done $0x0  }
0x1a0: {  	[sflag:s4] =	ssyncadd.s32 $0xFFFFE800  }
0x1a1: {  	_ =	swait.ge [sflag:s4], $0x1800  }
0x1a2: {  	[sflag:s4] =	ssyncset.done $0x0  }
0x1a3: {  	[sflag:s4] =	ssyncadd.s32 $0xFFFFE800  }
0x1a4: {  	_ =	swait.ge [sflag:s4], $0x1800  }
0x1a5: {  	[sflag:s4] =	ssyncset.done $0x0  }
0x1a6: {  	[sflag:s4] =	ssyncadd.s32 $0xFFFFE800  }
0x1a7: {  	_ =	swait.ge [sflag:s4], $0x1800  }
0x1a8: {  	[sflag:s4] =	ssyncset.done $0x0  }
0x1a9: {  	[sflag:s4] =	ssyncadd.s32 $0xFFFFE800  }
0x1aa: {  	_ =	swait.ge [sflag:s4], $0x1800  }
0x1ab: {  	[sflag:s4] =	ssyncset.done $0x0  }
0x1ac: {  	[sflag:s4] =	ssyncadd.s32 $0xFFFFE800  }
0x1ad: {  	_ =	swait.ge [sflag:s4], $0x1800  }
0x1ae: {  	[sflag:s4] =	ssyncset.done $0x0  }
0x1af: {  	[sflag:s4] =	ssyncadd.s32 $0xFFFFE800  }
0x1b0: {  	_ =	swait.ge [sflag:s4], $0x1800  }
0x1b1: {  	[sflag:s4] =	ssyncset.done $0x0  }
0x1b2: {  	s5 =	simm.s32 $0x30;
	s16 =	rddreg [dreg:$0x5];
	[sflag:s4] =	ssyncadd.s32 $0xFFFFE800  }
0x1b3: {  	[hbm4b:s16+s5] =	stream.strided.scatter [tilespmem:s8], [sflag:$0x2], $0xC000, s3, s5, $0x38;
	[tilespmem:$0x18800] =	vst v63  }
0x1b4: {  	s0 =	simm.s32 $0x400  }
0x1b5: {  	[tilespmem:s6], [sflag:$0x1] =	stream.indirect.gather [hbm4b:s2+s3], $0x30, s0, s3, $0xb8;
	[tilespmem:$0x18800] =	vst v63  }
0x1b6: {  	s21 =	simm.s32 $0xE000;
	s12 =	simm.s32 $0x480  }
0x1b7: {  	[tilespmem:s21], [sflag:$0x1] =	stream.indirect.gather [hbm4b:s2+s3], $0x30, s12, s3, $0xb8;
	[tilespmem:$0x18800] =	vst v63  }
0x1b8: {  	s23 =	simm.s32 $0xF800;
	s13 =	simm.s32 $0x500  }
0x1b9: {  	[tilespmem:s23], [sflag:$0x1] =	stream.indirect.gather [hbm4b:s2+s3], $0x30, s13, s3, $0xb8;
	[tilespmem:$0x18800] =	vst v63  }
0x1ba: {  	s25 =	simm.s32 $0x11000;
	s14 =	simm.s32 $0x580  }
0x1bb: {  	[tilespmem:s25], [sflag:$0x1] =	stream.indirect.gather [hbm4b:s2+s3], $0x30, s14, s3, $0xb8;
	[tilespmem:$0x18800] =	vst v63  }
0x1bc: {  	s28 =	simm.s32 $0x12800;
	s15 =	simm.s32 $0x600  }
0x1bd: {  	[tilespmem:s28], [sflag:$0x1] =	stream.indirect.gather [hbm4b:s2+s3], $0x30, s15, s3, $0xb8;
	[tilespmem:$0x18800] =	vst v63  }
0x1be: {  	s31 =	simm.s32 $0x14000;
	s16 =	simm.s32 $0x680  }
0x1bf: {  	[tilespmem:s31], [sflag:$0x1] =	stream.indirect.gather [hbm4b:s2+s3], $0x30, s16, s3, $0xb8;
	[tilespmem:$0x18800] =	vst v63  }
0x1c0: {  	s11 =	simm.s32 $0x700;
	s17 =	simm.s32 $0x15800  }
0x1c1: {  	[tilespmem:s17], [sflag:$0x1] =	stream.indirect.gather [hbm4b:s2+s3], $0x30, s11, s3, $0xb8;
	[tilespmem:$0x18800] =	vst v63  }
0x1c2: {  	s17 =	simm.s32 $0x780;
	s11 =	simm.s32 $0x17000  }
0x1c3: {  	[tilespmem:s11], [sflag:$0x1] =	stream.indirect.gather [hbm4b:s2+s3], $0x30, s17, s3, $0xb8;
	[tilespmem:$0x18800] =	vst v63  }
0x1c4: {  	_ =	swait.ge [sflag:s4], $0x1800  }
0x1c5: {  	[sflag:s4] =	ssyncset.done $0x0  }
0x1c6: {  	[sflag:s4] =	ssyncadd.s32 $0xFFFFE800  }
0x1c7: {  	_ =	swait.ge [sflag:s4], $0x1800  }
0x1c8: {  	[sflag:s4] =	ssyncset.done $0x0  }
0x1c9: {  	[sflag:s4] =	ssyncadd.s32 $0xFFFFE800  }
0x1ca: {  	_ =	swait.ge [sflag:s4], $0x1800  }
0x1cb: {  	[sflag:s4] =	ssyncset.done $0x0  }
0x1cc: {  	[sflag:s4] =	ssyncadd.s32 $0xFFFFE800  }
0x1cd: {  	_ =	swait.ge [sflag:s4], $0x1800  }
0x1ce: {  	[sflag:s4] =	ssyncset.done $0x0  }
0x1cf: {  	[sflag:s4] =	ssyncadd.s32 $0xFFFFE800  }
0x1d0: {  	_ =	swait.ge [sflag:s4], $0x1800  }
0x1d1: {  	[sflag:s4] =	ssyncset.done $0x0  }
0x1d2: {  	[sflag:s4] =	ssyncadd.s32 $0xFFFFE800  }
0x1d3: {  	_ =	swait.ge [sflag:s4], $0x1800  }
0x1d4: {  	[sflag:s4] =	ssyncset.done $0x0  }
0x1d5: {  	[sflag:s4] =	ssyncadd.s32 $0xFFFFE800  }
0x1d6: {  	_ =	swait.ge [sflag:s4], $0x1800  }
0x1d7: {  	[sflag:s4] =	ssyncset.done $0x0  }
0x1d8: {  	[sflag:s4] =	ssyncadd.s32 $0xFFFFE800  }
0x1d9: {  	_ =	swait.ge [sflag:s4], $0x1800  }
0x1da: {  	[sflag:s4] =	ssyncset.done $0x0  }
0x1db: {  	s16 =	rddreg [dreg:$0x6];
	[sflag:s4] =	ssyncadd.s32 $0xFFFFE800  }
0x1dc: {  	[hbm4b:s16+s5] =	stream.strided.scatter [tilespmem:s6], [sflag:$0x2], $0xC000, s3, s5, $0x38;
	[tilespmem:$0x18800] =	vst v63  }
0x1dd: {  	s9 =	simm.s32 $0x0;
	s17 =	rddreg [dreg:$0x7]  }
0x1de: {  	[tilespmem:s9], [sflag:$0x3] =	stream.linear.gather [hbm4b:s17+s9], $0x800, $0x38;
	[tilespmem:$0x18800] =	vst v63  }
0x1df: {  	_ =	swait.ge [sflag:s30], $0x800  }
0x1e0: {  	[sflag:s30] =	ssyncset.done $0x0  }
0x1e1: {  	[sflag:s30] =	ssyncadd.s32 $0xFFFFF800  }
0x1e2: {  	_ =	swait.ge [sflag:s7], $0xC000  }
0x1e3: {  	[sflag:s7] =	ssyncset.done $0x0  }
0x1e4: {  	[sflag:s7] =	ssyncadd.s32 $0xFFFF4000  }
0x1e5: {  	[tilespmem:s8], [sflag:$0x1] =	stream.indirect.gather [hbm4b:s2+s3], $0x30, s9, s3, $0xb8;
	[tilespmem:$0x18800] =	vst v63  }
0x1e6: {  	s0 =	simm.s32 $0x2000  }
0x1e7: {  	[tilespmem:s0], [sflag:$0x1] =	stream.indirect.gather [hbm4b:s2+s3], $0x30, s3, s3, $0xb8;
	[tilespmem:$0x18800] =	vst v63  }
0x1e8: {  	s12 =	simm.s32 $0x100;
	s13 =	simm.s32 $0x3800  }
0x1e9: {  	[tilespmem:s13], [sflag:$0x1] =	stream.indirect.gather [hbm4b:s2+s3], $0x30, s12, s3, $0xb8;
	[tilespmem:$0x18800] =	vst v63  }
0x1ea: {  	s14 =	simm.s32 $0x180;
	s15 =	simm.s32 $0x5000  }
0x1eb: {  	[tilespmem:s15], [sflag:$0x1] =	stream.indirect.gather [hbm4b:s2+s3], $0x30, s14, s3, $0xb8;
	[tilespmem:$0x18800] =	vst v63  }
0x1ec: {  	_ = 	snop  }
0x1ed: {  	[tilespmem:s18], [sflag:$0x1] =	stream.indirect.gather [hbm4b:s2+s3], $0x30, s1, s3, $0xb8;
	[tilespmem:$0x18800] =	vst v63  }
0x1ee: {  	_ = 	snop  }
0x1ef: {  	[tilespmem:s22], [sflag:$0x1] =	stream.indirect.gather [hbm4b:s2+s3], $0x30, s20, s3, $0xb8;
	[tilespmem:$0x18800] =	vst v63  }
0x1f0: {  	_ = 	snop  }
0x1f1: {  	[tilespmem:s26], [sflag:$0x1] =	stream.indirect.gather [hbm4b:s2+s3], $0x30, s24, s3, $0xb8;
	[tilespmem:$0x18800] =	vst v63  }
0x1f2: {  	_ = 	snop  }
0x1f3: {  	[tilespmem:s10], [sflag:$0x1] =	stream.indirect.gather [hbm4b:s2+s3], $0x30, s29, s3, $0xb8;
	[tilespmem:$0x18800] =	vst v63  }
0x1f4: {  	_ =	swait.ge [sflag:s4], $0x1800  }
0x1f5: {  	[sflag:s4] =	ssyncset.done $0x0  }
0x1f6: {  	[sflag:s4] =	ssyncadd.s32 $0xFFFFE800  }
0x1f7: {  	_ =	swait.ge [sflag:s4], $0x1800  }
0x1f8: {  	[sflag:s4] =	ssyncset.done $0x0  }
0x1f9: {  	[sflag:s4] =	ssyncadd.s32 $0xFFFFE800  }
0x1fa: {  	_ =	swait.ge [sflag:s4], $0x1800  }
0x1fb: {  	[sflag:s4] =	ssyncset.done $0x0  }
0x1fc: {  	[sflag:s4] =	ssyncadd.s32 $0xFFFFE800  }
0x1fd: {  	_ =	swait.ge [sflag:s4], $0x1800  }
0x1fe: {  	[sflag:s4] =	ssyncset.done $0x0  }
0x1ff: {  	[sflag:s4] =	ssyncadd.s32 $0xFFFFE800  }
0x200: {  	_ =	swait.ge [sflag:s4], $0x1800  }
0x201: {  	[sflag:s4] =	ssyncset.done $0x0  }
0x202: {  	[sflag:s4] =	ssyncadd.s32 $0xFFFFE800  }
0x203: {  	_ =	swait.ge [sflag:s4], $0x1800  }
0x204: {  	[sflag:s4] =	ssyncset.done $0x0  }
0x205: {  	[sflag:s4] =	ssyncadd.s32 $0xFFFFE800  }
0x206: {  	_ =	swait.ge [sflag:s4], $0x1800  }
0x207: {  	[sflag:s4] =	ssyncset.done $0x0  }
0x208: {  	[sflag:s4] =	ssyncadd.s32 $0xFFFFE800  }
0x209: {  	_ =	swait.ge [sflag:s4], $0x1800  }
0x20a: {  	[sflag:s4] =	ssyncset.done $0x0  }
0x20b: {  	s17 =	rddreg [dreg:$0x8];
	[sflag:s4] =	ssyncadd.s32 $0xFFFFE800  }
0x20c: {  	[hbm4b:s17+s5] =	stream.strided.scatter [tilespmem:s8], [sflag:$0x2], $0xC000, s3, s5, $0x38;
	[tilespmem:$0x18800] =	vst v63  }
0x20d: {  	_ =	swait.ge [sflag:s7], $0xC000  }
0x20e: {  	[sflag:s7] =	ssyncset.done $0x0  }
0x20f: {  	s18 =	simm.s32 $0x400;
	[sflag:s7] =	ssyncadd.s32 $0xFFFF4000  }
0x210: {  	[tilespmem:s6], [sflag:$0x1] =	stream.indirect.gather [hbm4b:s2+s3], $0x30, s18, s3, $0xb8;
	[tilespmem:$0x18800] =	vst v63  }
0x211: {  	s20 =	simm.s32 $0x480  }
0x212: {  	[tilespmem:s21], [sflag:$0x1] =	stream.indirect.gather [hbm4b:s2+s3], $0x30, s20, s3, $0xb8;
	[tilespmem:$0x18800] =	vst v63  }
0x213: {  	s22 =	simm.s32 $0x500  }
0x214: {  	[tilespmem:s23], [sflag:$0x1] =	stream.indirect.gather [hbm4b:s2+s3], $0x30, s22, s3, $0xb8;
	[tilespmem:$0x18800] =	vst v63  }
0x215: {  	s24 =	simm.s32 $0x580  }
0x216: {  	[tilespmem:s25], [sflag:$0x1] =	stream.indirect.gather [hbm4b:s2+s3], $0x30, s24, s3, $0xb8;
	[tilespmem:$0x18800] =	vst v63  }
0x217: {  	s25 =	simm.s32 $0x600  }
0x218: {  	[tilespmem:s28], [sflag:$0x1] =	stream.indirect.gather [hbm4b:s2+s3], $0x30, s25, s3, $0xb8;
	[tilespmem:$0x18800] =	vst v63  }
0x219: {  	s26 =	simm.s32 $0x680  }
0x21a: {  	[tilespmem:s31], [sflag:$0x1] =	stream.indirect.gather [hbm4b:s2+s3], $0x30, s26, s3, $0xb8;
	[tilespmem:$0x18800] =	vst v63  }
0x21b: {  	s29 =	simm.s32 $0x15800;
	s28 =	simm.s32 $0x700  }
0x21c: {  	[tilespmem:s29], [sflag:$0x1] =	stream.indirect.gather [hbm4b:s2+s3], $0x30, s28, s3, $0xb8;
	[tilespmem:$0x18800] =	vst v63  }
0x21d: {  	s30 =	simm.s32 $0x780  }
0x21e: {  	[tilespmem:s11], [sflag:$0x1] =	stream.indirect.gather [hbm4b:s2+s3], $0x30, s30, s3, $0xb8;
	[tilespmem:$0x18800] =	vst v63  }
0x21f: {  	_ =	swait.ge [sflag:s4], $0x1800  }
0x220: {  	[sflag:s4] =	ssyncset.done $0x0  }
0x221: {  	[sflag:s4] =	ssyncadd.s32 $0xFFFFE800  }
0x222: {  	_ =	swait.ge [sflag:s4], $0x1800  }
0x223: {  	[sflag:s4] =	ssyncset.done $0x0  }
0x224: {  	[sflag:s4] =	ssyncadd.s32 $0xFFFFE800  }
0x225: {  	_ =	swait.ge [sflag:s4], $0x1800  }
0x226: {  	[sflag:s4] =	ssyncset.done $0x0  }
0x227: {  	[sflag:s4] =	ssyncadd.s32 $0xFFFFE800  }
0x228: {  	_ =	swait.ge [sflag:s4], $0x1800  }
0x229: {  	[sflag:s4] =	ssyncset.done $0x0  }
0x22a: {  	[sflag:s4] =	ssyncadd.s32 $0xFFFFE800  }
0x22b: {  	_ =	swait.ge [sflag:s4], $0x1800  }
0x22c: {  	[sflag:s4] =	ssyncset.done $0x0  }
0x22d: {  	[sflag:s4] =	ssyncadd.s32 $0xFFFFE800  }
0x22e: {  	_ =	swait.ge [sflag:s4], $0x1800  }
0x22f: {  	[sflag:s4] =	ssyncset.done $0x0  }
0x230: {  	[sflag:s4] =	ssyncadd.s32 $0xFFFFE800  }
0x231: {  	_ =	swait.ge [sflag:s4], $0x1800  }
0x232: {  	[sflag:s4] =	ssyncset.done $0x0  }
0x233: {  	[sflag:s4] =	ssyncadd.s32 $0xFFFFE800  }
0x234: {  	_ =	swait.ge [sflag:s4], $0x1800  }
0x235: {  	[sflag:s4] =	ssyncset.done $0x0  }
0x236: {  	s31 =	rddreg [dreg:$0x9];
	[sflag:s4] =	ssyncadd.s32 $0xFFFFE800  }
0x237: {  	[hbm4b:s31+s5] =	stream.strided.scatter [tilespmem:s6], [sflag:$0x2], $0xC000, s3, s5, $0x38;
	[tilespmem:$0x18800] =	vst v63  }
0x238: {  	_ =	swait.ge [sflag:s7], $0xC000  }
0x239: {  	[sflag:s7] =	ssyncset.done $0x0  }
0x23a: {  	[sflag:s7] =	ssyncadd.s32 $0xFFFF4000  }
0x23b: {  	_ =	swait.ge [sflag:s7], $0xC000  }
0x23c: {  	[sflag:s7] =	ssyncset.done $0x0  }
0x23d: {  	[sflag:s7] =	ssyncadd.s32 $0xFFFF4000  }
0x23e: {  	_ =	sfence.sel $0x180000  }
0x23f: {  	[bflag:$0x0] =	sbarrier.arrive $0xFFFF  }
0x240: {  	_ =	strace $0x90000047  }
0x241: {  	[bflag:$0x2] =	sbarrier.arrive $0xFFFF  }
0x242: {  	p0 =	sne.s32 s19, $0x0;
	s0 =	rddreg [dreg:$0x3]  }
0x243: {  	s0 =	sadd.s32 @!p0 $0x100000, s0  }
0x244: {  	[sflag:s0] =	ssyncadd.tile.s32 @!p0 $0x1;
	_ =	shalt  }
.LBB2_6:
.Ltmp3:
0x245: {  	(pc) =	sbr.rel .LBB2_5-.Ltmp3, $4  }
0x246: {  	_ = 	snop  }
0x247: {  	s19 =	stileid.u32;
	s12 =	simm.s32 $0x2000  }
0x248: {  	s13 =	simm.s32 $0x100;
	s14 =	simm.s32 $0x3800;
	s15 =	simm.s32 $0x180  }
0x249: {  	s31 =	simm.s32 $0x5000;
	s9 =	simm.s32 $0x0;
	s30 =	simm.s32 $0x3  }
.Lfunc_end2:
_tile_overlayer_lowered:
.L_overlay_start_2:
0x24a: {  	(tag) =	ssettag $0x2  }
0x24b: {  	s0 =	rddreg [dreg:$0x0];
	s2 =	stileid.u32  }
0x24c: {  	s1 =	rddreg [dreg:$0x1];
	p0 =	sne.s32 s2, $0x0  }
0x24d: {  	s3 =	rddreg [dreg:$0x2];
	[bflag:$0x3] =	sbarrier.arrive $0xFFFF;
	s2 =	simm.s32 @!p0 $0x1C03  }
0x24e: {  	[timem:s3], [sflag:s2] =	dma.local @!p0 [hbm:s0], s1  }
0x24f: {  	s0 =	simm.s32 @!p0 $0x3  }
0x250: {  	_ =	swait.ge @!p0 [sflag:s0], s1  }
0x251: {  	s1 =	ssub.s32 @!p0 $0x0, s1;
	[sflag:s0] =	ssyncset.done @!p0 $0x0  }
0x252: {  	[sflag:s0] =	ssyncadd.s32 @!p0 s1  }
0x253: {  	[bflag:$0x3] =	sbarrier.arrive $0xFFFF  }
0x254: {  	_ =	shalt  }

</sc_bundles>
